<compile_context>
chip_gen: v7x
topology: tpu7x:2x2x1
jax: 0.10.2.dev20260603
libtpu: 0.0.44.dev20260713+nightly
codegen_flags: <defaults>
</compile_context>

<pallas_src>
import functools

import jax
import jax.numpy as jnp
from jax import lax
from jax.experimental import pallas as pl
from jax.experimental.pallas import tpu as pltpu
from jax.experimental.pallas import tpu_sc as plsc

NUM_ENT_K = 10000
NUM_RELROWS_K = 400
N_EDGES_K = 320000
DIM_K = 128
HALF_K = 64
BATCH_K = 4096
LANES = 16
NCORES = 2
NSUB = 16
CHUNK = 64
NCHUNKS = N_EDGES_K // CHUNK
STRIPE = 640
BB = 40

_f32 = jnp.float32
_i32 = jnp.int32


def _proj_body(er_ref, ei_ref, rr_ref, ri_ref, p_ref,
               ent2_ref, rel2_ref, rip_ref):
    p = p_ref[...]
    eip = jnp.dot(ei_ref[...], p, preferred_element_type=_f32)
    rip = jnp.dot(ri_ref[...], p, preferred_element_type=_f32)
    er = er_ref[...]
    rr = rr_ref[...]
    ent2_ref[0:NUM_ENT_K, 0:HALF_K] = er[:, 0:HALF_K]
    ent2_ref[0:NUM_ENT_K, HALF_K:DIM_K] = eip[:, 0:HALF_K]
    ent2_ref[NUM_ENT_K:2 * NUM_ENT_K, 0:HALF_K] = er[:, HALF_K:DIM_K]
    ent2_ref[NUM_ENT_K:2 * NUM_ENT_K, HALF_K:DIM_K] = eip[:, HALF_K:DIM_K]
    rel2_ref[0:NUM_RELROWS_K, 0:HALF_K] = rr[:, 0:HALF_K]
    rel2_ref[0:NUM_RELROWS_K, HALF_K:DIM_K] = rip[:, 0:HALF_K]
    rel2_ref[NUM_RELROWS_K:2 * NUM_RELROWS_K, 0:HALF_K] = rr[:, HALF_K:DIM_K]
    rel2_ref[NUM_RELROWS_K:2 * NUM_RELROWS_K, HALF_K:DIM_K] = rip[:, HALF_K:DIM_K]
    rip_ref[...] = rip


def _node_body(agg_ref, deg_ref, rel_r_ref, rel_i_ref,
               wp_ref, wr_ref, or_ref, oi_ref, ror_ref, roi_ref):
    deg = deg_ref[0:NUM_ENT_K, 0:1] + deg_ref[NUM_ENT_K:2 * NUM_ENT_K, 0:1]
    inv = jnp.where(deg == 0.0, 1.0, 1.0 / deg)
    w0 = wp_ref[0:HALF_K, :]
    w1 = wp_ref[HALF_K:DIM_K, :]
    ar0 = agg_ref[0:NUM_ENT_K, 0:HALF_K] * inv
    ai0 = agg_ref[0:NUM_ENT_K, HALF_K:DIM_K] * inv
    ar1 = agg_ref[NUM_ENT_K:2 * NUM_ENT_K, 0:HALF_K] * inv
    ai1 = agg_ref[NUM_ENT_K:2 * NUM_ENT_K, HALF_K:DIM_K] * inv
    or_ref[...] = jnp.tanh(jnp.dot(ar0, w0, preferred_element_type=_f32)
                           + jnp.dot(ar1, w1, preferred_element_type=_f32))
    oi_ref[...] = jnp.tanh(jnp.dot(ai0, w0, preferred_element_type=_f32)
                           + jnp.dot(ai1, w1, preferred_element_type=_f32))
    wr = wr_ref[...]
    ror_ref[...] = jnp.dot(rel_r_ref[...], wr, preferred_element_type=_f32)
    roi_ref[...] = jnp.dot(rel_i_ref[...], wr, preferred_element_type=_f32)



_MESH = plsc.VectorSubcoreMesh(core_axis_name="c", subcore_axis_name="s",
                               num_cores=NCORES, num_subcores=NSUB)


def _edge_body(ent2_hbm, rel2_hbm, ei_hbm,
               agg_out,
               ib0, ib1, sdst0, sdst1,
               hh0, rr0, hh1, rr1, m0, m1,
               agg_sp, sem_g0, sem_g1, sem_s0, sem_s1, sem_i0, sem_i1):
    c = lax.axis_index("c")
    s = lax.axis_index("s")
    zero16 = jnp.zeros((LANES,), _f32)

    def _z_zbuf(e, carry):
        for j in range(DIM_K // LANES):
            m0[e, pl.ds(j * LANES, LANES)] = zero16
        return carry
    lax.fori_loop(0, BB, _z_zbuf, 0)

    base = s * STRIPE
    nb = jnp.where(s == NSUB - 1, (NUM_ENT_K - (NSUB - 1) * STRIPE) // BB,
                   STRIPE // BB)

    def _z_sp(b, carry):
        pltpu.sync_copy(m0.at[pl.ds(0, BB)], agg_sp.at[pl.ds(base + b * BB, BB)])
        return carry
    lax.fori_loop(0, nb, _z_sp, 0)
    plsc.subcore_barrier()

    ent_off = c * NUM_ENT_K
    rel_off = c * NUM_RELROWS_K
    nq = jnp.where(s < NCHUNKS - (NCHUNKS // NSUB) * NSUB,
                   NCHUNKS // NSUB + 1, NCHUNKS // NSUB)

    def _load_idx(k, ib, sem_i):
        kk = jnp.minimum(k, nq - 1)
        pltpu.async_copy(ei_hbm.at[pl.ds((kk * NSUB + s) * 3, 3)], ib, sem_i)

    def _issue(ib, hh, rr, sem_g, sem_i):
        pltpu.make_async_copy(ei_hbm.at[pl.ds(0, 3)], ib, sem_i).wait()

        def _shift(i, carry):
            sl = pl.ds(i * LANES, LANES)
            ib[0, sl] = ib[0, sl] + ent_off
            ib[2, sl] = ib[2, sl] + rel_off
            return carry
        lax.fori_loop(0, CHUNK // LANES, _shift, 0)
        pltpu.async_copy(ent2_hbm.at[ib.at[0]], hh, sem_g)
        pltpu.async_copy(rel2_hbm.at[ib.at[2]], rr, sem_g)

    def _stage(k, ibn, hh_n, rr_n, sem_gn, sem_in,
               ib, sdst, hh, rr, mb, sem_g, sem_s, sem_i):
        _issue(ibn, hh_n, rr_n, sem_gn, sem_in)

        pltpu.make_async_copy(ent2_hbm.at[ib.at[0]], hh, sem_g).wait()
        pltpu.make_async_copy(rel2_hbm.at[ib.at[2]], rr, sem_g).wait()

        @pl.when(k >= 2)
        def _():
            pltpu.make_async_copy(mb, agg_sp.at[sdst], sem_s).wait()

        def _row(e, carry):
            for j in range(HALF_K // LANES):
                sl = pl.ds(j * LANES, LANES)
                sh = pl.ds(HALF_K + j * LANES, LANES)
                hr = hh[e, sl]
                hi = hh[e, sh]
                rr_ = rr[e, sl]
                ri = rr[e, sh]
                mb[e, sl] = hr * rr_ - hi * ri
                mb[e, sh] = hr * ri + hi * rr_
            return carry
        lax.fori_loop(0, CHUNK, _row, 0)

        def _cpidx(i, carry):
            sl = pl.ds(i * LANES, LANES)
            sdst[sl] = ib[1, sl]
            return carry
        lax.fori_loop(0, CHUNK // LANES, _cpidx, 0)
        pltpu.async_copy(mb, agg_sp.at[sdst], sem_s, add=True)
        _load_idx(k + 2, ib, sem_i)

    _load_idx(0, ib0, sem_i0)
    _load_idx(1, ib1, sem_i1)
    _issue(ib0, hh0, rr0, sem_g0, sem_i0)

    npairs = (nq + 1) // 2

    def _pair(p, carry):
        k = 2 * p
        _stage(k, ib1, hh1, rr1, sem_g1, sem_i1,
               ib0, sdst0, hh0, rr0, m0, sem_g0, sem_s0, sem_i0)

        @pl.when(k + 1 < nq)
        def _():
            _stage(k + 1, ib0, hh0, rr0, sem_g0, sem_i0,
                   ib1, sdst1, hh1, rr1, m1, sem_g1, sem_s1, sem_i1)
        return carry
    lax.fori_loop(0, npairs, _pair, 0)

    @pl.when(nq % 2 == 0)
    def _():
        pltpu.make_async_copy(ent2_hbm.at[ib0.at[0]], hh0, sem_g0).wait()
        pltpu.make_async_copy(rel2_hbm.at[ib0.at[2]], rr0, sem_g0).wait()
        pltpu.make_async_copy(ei_hbm.at[pl.ds(0, 3)], ib1, sem_i1).wait()

    @pl.when(nq % 2 == 1)
    def _():
        pltpu.make_async_copy(ent2_hbm.at[ib1.at[0]], hh1, sem_g1).wait()
        pltpu.make_async_copy(rel2_hbm.at[ib1.at[2]], rr1, sem_g1).wait()
        pltpu.make_async_copy(ei_hbm.at[pl.ds(0, 3)], ib0, sem_i0).wait()
    pltpu.make_async_copy(m0, agg_sp.at[sdst0], sem_s0).wait()
    pltpu.make_async_copy(m1, agg_sp.at[sdst1], sem_s1).wait()

    plsc.subcore_barrier()

    def _wb(b, carry):
        off = base + b * BB
        pltpu.sync_copy(agg_sp.at[pl.ds(off, BB)], m0.at[pl.ds(0, BB)])
        pltpu.sync_copy(m0.at[pl.ds(0, BB)], agg_out.at[pl.ds(ent_off + off, BB)])
        return carry
    lax.fori_loop(0, nb, _wb, 0)


_edge_kernel = functools.partial(
    pl.kernel,
    out_type=jax.ShapeDtypeStruct((2 * NUM_ENT_K, DIM_K), _f32),
    mesh=_MESH,
    scratch_types=[
        pltpu.VMEM((3, CHUNK), _i32),
        pltpu.VMEM((3, CHUNK), _i32),
        pltpu.VMEM((CHUNK,), _i32),
        pltpu.VMEM((CHUNK,), _i32),
        pltpu.VMEM((CHUNK, DIM_K), _f32),
        pltpu.VMEM((CHUNK, DIM_K), _f32),
        pltpu.VMEM((CHUNK, DIM_K), _f32),
        pltpu.VMEM((CHUNK, DIM_K), _f32),
        pltpu.VMEM((CHUNK, DIM_K), _f32),
        pltpu.VMEM((CHUNK, DIM_K), _f32),
        pltpu.VMEM_SHARED((NUM_ENT_K, DIM_K), _f32),
        pltpu.SemaphoreType.DMA,
        pltpu.SemaphoreType.DMA,
        pltpu.SemaphoreType.DMA,
        pltpu.SemaphoreType.DMA,
        pltpu.SemaphoreType.DMA,
        pltpu.SemaphoreType.DMA,
    ],
    compiler_params=pltpu.CompilerParams(use_tc_tiling_on_sc=False),
)(_edge_body)


_EDGES_PER_CORE = N_EDGES_K // NCORES
_DCHUNK = 128
_DCHUNKS = _EDGES_PER_CORE // _DCHUNK
_DSTRIPE = 640
_DBB = 80


def _deg_body(dst_hbm, deg_out, idx0, idx1, ones_v, zdeg, deg_sp,
              sem_d0, sem_d1):
    c = lax.axis_index("c")
    s = lax.axis_index("s")
    zero16 = jnp.zeros((LANES,), _f32)
    one16 = jnp.ones((LANES,), _f32)

    def _fill_row(e, carry):
        ones_v[e, :] = one16
        return carry
    lax.fori_loop(0, _DCHUNK, _fill_row, 0)

    def _z_zdeg(e, carry):
        zdeg[e, :] = zero16
        return carry
    lax.fori_loop(0, _DBB, _z_zdeg, 0)

    base = s * _DSTRIPE
    nb = jnp.where(s == NSUB - 1, (NUM_ENT_K - (NSUB - 1) * _DSTRIPE) // _DBB,
                   _DSTRIPE // _DBB)

    def _z_sp(b, carry):
        pltpu.sync_copy(zdeg, deg_sp.at[pl.ds(base + b * _DBB, _DBB)])
        return carry
    lax.fori_loop(0, nb, _z_sp, 0)
    plsc.subcore_barrier()

    nq = jnp.where(s < _DCHUNKS - (_DCHUNKS // NSUB) * NSUB,
                   _DCHUNKS // NSUB + 1, _DCHUNKS // NSUB)

    def _load(q, idx, sem):
        qq = jnp.minimum(q, nq - 1)
        eoff = c * _EDGES_PER_CORE + (qq * NSUB + s) * _DCHUNK
        pltpu.async_copy(dst_hbm.at[pl.ds(eoff, _DCHUNK)], idx, sem)

    def _dstage(q, idx, sem):
        pltpu.make_async_copy(dst_hbm.at[pl.ds(0, _DCHUNK)], idx, sem).wait()
        pltpu.sync_copy(ones_v, deg_sp.at[idx], add=True)
        _load(q + 2, idx, sem)

    _load(0, idx0, sem_d0)
    _load(1, idx1, sem_d1)

    def _dpair(p, carry):
        q = 2 * p
        _dstage(q, idx0, sem_d0)

        @pl.when(q + 1 < nq)
        def _():
            _dstage(q + 1, idx1, sem_d1)
        return carry
    lax.fori_loop(0, (nq + 1) // 2, _dpair, 0)

    pltpu.make_async_copy(dst_hbm.at[pl.ds(0, _DCHUNK)], idx0, sem_d0).wait()
    pltpu.make_async_copy(dst_hbm.at[pl.ds(0, _DCHUNK)], idx1, sem_d1).wait()

    plsc.subcore_barrier()

    def _wb(b, carry):
        off = base + b * _DBB
        pltpu.sync_copy(deg_sp.at[pl.ds(off, _DBB)], zdeg)
        pltpu.sync_copy(zdeg, deg_out.at[pl.ds(c * NUM_ENT_K + off, _DBB)])
        return carry
    lax.fori_loop(0, nb, _wb, 0)


_deg_kernel = functools.partial(
    pl.kernel,
    out_type=jax.ShapeDtypeStruct((2 * NUM_ENT_K, LANES), _f32),
    mesh=_MESH,
    scratch_types=[
        pltpu.VMEM((_DCHUNK,), _i32),
        pltpu.VMEM((_DCHUNK,), _i32),
        pltpu.VMEM((_DCHUNK, LANES), _f32),
        pltpu.VMEM((_DBB, LANES), _f32),
        pltpu.VMEM_SHARED((NUM_ENT_K, LANES), _f32),
        pltpu.SemaphoreType.DMA,
        pltpu.SemaphoreType.DMA,
    ],
    compiler_params=pltpu.CompilerParams(use_tc_tiling_on_sc=False),
)(_deg_body)


def _gather_body(out_r_hbm, out_i_hbm, ror_hbm, roi_hbm, sub_hbm, rel_hbm,
                 ser_out, sei_out, rer_out, rei_out,
                 idx_v, buf, sem):
    c = lax.axis_index("c")
    s = lax.axis_index("s")
    wid = s * NCORES + c
    per = BATCH_K // (NCORES * NSUB)
    base = wid * per
    pltpu.sync_copy(sub_hbm.at[pl.ds(base, per)], idx_v)
    pltpu.async_copy(out_r_hbm.at[idx_v], buf, sem).wait()
    pltpu.sync_copy(buf, ser_out.at[pl.ds(base, per)])
    pltpu.async_copy(out_i_hbm.at[idx_v], buf, sem).wait()
    pltpu.sync_copy(buf, sei_out.at[pl.ds(base, per)])
    pltpu.sync_copy(rel_hbm.at[pl.ds(base, per)], idx_v)
    pltpu.async_copy(ror_hbm.at[idx_v], buf, sem).wait()
    pltpu.sync_copy(buf, rer_out.at[pl.ds(base, per)])
    pltpu.async_copy(roi_hbm.at[idx_v], buf, sem).wait()
    pltpu.sync_copy(buf, rei_out.at[pl.ds(base, per)])


_gather_kernel = functools.partial(
    pl.kernel,
    out_type=(
        jax.ShapeDtypeStruct((BATCH_K, DIM_K), _f32),
        jax.ShapeDtypeStruct((BATCH_K, DIM_K), _f32),
        jax.ShapeDtypeStruct((BATCH_K, DIM_K), _f32),
        jax.ShapeDtypeStruct((BATCH_K, DIM_K), _f32),
    ),
    mesh=_MESH,
    scratch_types=[
        pltpu.VMEM((BATCH_K // (NCORES * NSUB),), _i32),
        pltpu.VMEM((BATCH_K // (NCORES * NSUB), DIM_K), _f32),
        pltpu.SemaphoreType.DMA,
    ],
)(_gather_body)



def kernel(init_embed_real, init_embed_imag, init_rel_real, init_rel_imag,
           im_proj, W_ent, W_rel, edge_index, edge_type, sub, rel):
    ent2, rel2, rel_i = pl.pallas_call(
        _proj_body,
        out_shape=(
            jax.ShapeDtypeStruct((2 * NUM_ENT_K, DIM_K), _f32),
            jax.ShapeDtypeStruct((2 * NUM_RELROWS_K, DIM_K), _f32),
            jax.ShapeDtypeStruct((NUM_RELROWS_K, DIM_K), _f32),
        ),
    )(init_embed_real, init_embed_imag, init_rel_real, init_rel_imag, im_proj)

    src = edge_index[0].astype(_i32)
    dst = edge_index[1].astype(_i32)
    et = edge_type.astype(_i32)

    ei = jnp.stack([src.reshape(-1, CHUNK), dst.reshape(-1, CHUNK),
                    et.reshape(-1, CHUNK)], axis=1).reshape(-1, CHUNK)

    deg16 = _deg_kernel(dst)
    agg2 = _edge_kernel(ent2, rel2, ei)

    out_r, out_i, rel_out_r, rel_out_i = pl.pallas_call(
        _node_body,
        out_shape=(
            jax.ShapeDtypeStruct((NUM_ENT_K, DIM_K), _f32),
            jax.ShapeDtypeStruct((NUM_ENT_K, DIM_K), _f32),
            jax.ShapeDtypeStruct((NUM_RELROWS_K, DIM_K), _f32),
            jax.ShapeDtypeStruct((NUM_RELROWS_K, DIM_K), _f32),
        ),
    )(agg2, deg16, init_rel_real, rel_i, W_ent, W_rel)

    sub_emb_r, sub_emb_i, rel_emb_r, rel_emb_i = _gather_kernel(
        out_r, out_i, rel_out_r, rel_out_i,
        sub.astype(_i32), rel.astype(_i32))

    return (sub_emb_r, sub_emb_i, rel_emb_r, rel_emb_i, out_r, out_i)

# --- scband reference (transcript-rebuilt; emitter-appended) ---
"""Pipeline reference for scband-comp-rambase-45629732552952 (READ-ONLY COPY).

The authoritative reference and input builder live on the scoring server;
editing this copy changes nothing except your own understanding.
"""

import jax, jax.numpy as jnp
import numpy as np

NUM_ENT = 10000
NUM_REL = 200
N_EDGES = 320000
DIM = 128
BATCH = 4096


def setup_inputs(seed: int = 0) -> dict:
    key = jax.random.key(seed)
    ks = jax.random.split(key, 12)
    scale = 0.1
    wscale = 1.0 / np.sqrt(DIM)
    inp = {
        "init_embed_real": jax.random.normal(ks[0], (NUM_ENT, DIM), dtype=jnp.float32) * scale,
        "init_embed_imag": jax.random.normal(ks[1], (NUM_ENT, DIM), dtype=jnp.float32) * scale,
        "init_rel_real": jax.random.normal(ks[2], (2 * NUM_REL, DIM), dtype=jnp.float32) * scale,
        "init_rel_imag": jax.random.normal(ks[3], (2 * NUM_REL, DIM), dtype=jnp.float32) * scale,
        "im_proj": jax.random.normal(ks[4], (DIM, DIM), dtype=jnp.float32) * wscale,
        "W_ent": jax.random.normal(ks[5], (DIM, DIM), dtype=jnp.float32) * wscale,
        "W_rel": jax.random.normal(ks[6], (DIM, DIM), dtype=jnp.float32) * wscale,
        "edge_index": jax.random.randint(ks[7], (2, N_EDGES), 0, NUM_ENT),
        "edge_type": jax.random.randint(ks[8], (N_EDGES,), 0, 2 * NUM_REL),
        "sub": jax.random.randint(ks[9], (BATCH,), 0, NUM_ENT),
        "rel": jax.random.randint(ks[10], (BATCH,), 0, 2 * NUM_REL),
    }
    return inp


def reference(init_embed_real, init_embed_imag, init_rel_real, init_rel_imag,
              im_proj, W_ent, W_rel, edge_index, edge_type, sub, rel):
    # forward_base with gcn_layer == 1; dropouts are identity (eval mode).
    # Imaginary parts are projected through im_proj as in the torch module.
    rel_i = init_rel_imag @ im_proj
    ent_i = init_embed_imag @ im_proj
    ent_r = init_embed_real
    rel_r = init_rel_real

    # CompRAM conv1: complex (ComplEx-style) composition of source entity and
    # relation embeddings per edge, mean-aggregated onto destination nodes.
    src = edge_index[0]
    dst = edge_index[1]
    h_r = jnp.take(ent_r, src, axis=0)
    h_i = jnp.take(ent_i, src, axis=0)
    r_r = jnp.take(rel_r, edge_type, axis=0)
    r_i = jnp.take(rel_i, edge_type, axis=0)
    m_r = h_r * r_r - h_i * r_i
    m_i = h_r * r_i + h_i * r_r
    agg_r = jax.ops.segment_sum(m_r, dst, num_segments=NUM_ENT)
    agg_i = jax.ops.segment_sum(m_i, dst, num_segments=NUM_ENT)
    deg = jax.ops.segment_sum(jnp.ones((N_EDGES,), dtype=jnp.float32), dst, num_segments=NUM_ENT)
    deg = jnp.where(deg == 0.0, 1.0, deg)[:, None]
    out_r = jnp.tanh((agg_r / deg) @ W_ent)
    out_i = jnp.tanh((agg_i / deg) @ W_ent)
    rel_out_r = rel_r @ W_rel
    rel_out_i = rel_i @ W_rel

    # index_select for the query batch
    sub_emb_r = jnp.take(out_r, sub, axis=0)
    sub_emb_i = jnp.take(out_i, sub, axis=0)
    rel_emb_r = jnp.take(rel_out_r, rel, axis=0)
    rel_emb_i = jnp.take(rel_out_i, rel, axis=0)
    return (sub_emb_r, sub_emb_i, rel_emb_r, rel_emb_i, out_r, out_i)

if __name__ == "__main__":
    import jax
    _d = setup_inputs()
    print(jax.jit(kernel)(*tuple(_d.values())))

</pallas_src>

<mosaic_0001>
#map = affine_map<(d0, d1) -> (0)>
#map1 = affine_map<(d0, d1) -> (0, 0)>
module attributes {stable_mosaic.version = 14 : i64} {
  func.func @_deg_body(%arg0: i32, %arg1: i32, %arg2: memref<320000xi32, #tpu.memory_space<hbm>>, %arg3: memref<20000x16xf32, #tpu.memory_space<hbm>>, %arg4: memref<128xi32, #tpu.memory_space<vmem>>, %arg5: memref<128xi32, #tpu.memory_space<vmem>>, %arg6: memref<128x16xf32, #tpu.memory_space<vmem>>, %arg7: memref<80x16xf32, #tpu.memory_space<vmem>>, %arg8: memref<10000x16xf32, #tpu.memory_space<vmem_shared>>, %arg9: memref<!tpu.dma_semaphore, #tpu.memory_space<semaphore_mem>>, %arg10: memref<!tpu.dma_semaphore, #tpu.memory_space<semaphore_mem>>) attributes {dimension_semantics = [#tpu.dimension_semantics<core_parallel>, #tpu.dimension_semantics<subcore_parallel>], iteration_bounds = array<i64: 2, 16>, scalar_prefetch = 0 : i64, scratch_operands = 7 : i64, tpu.core_type = #tpu.core_type<sc_vector_subcore>, window_params = [{transform_indices = #map}, {transform_indices = #map1}]} {
    %broadcast_in_dim3A = arith.constant 0.000000e+00 : f32
    %broadcast_in_dim3A_0 = vector.broadcast %broadcast_in_dim3A : f32 to vector<16xf32>
    %broadcast_in_dim3A_1 = arith.constant 1.000000e+00 : f32
    %broadcast_in_dim3A_2 = vector.broadcast %broadcast_in_dim3A_1 : f32 to vector<16xf32>
    %scan3A = arith.constant 0 : i32
    %scan3A_3 = arith.constant 0 : i32
    %scan3A_4 = arith.constant 128 : i32
    %scan3A_5 = arith.addi %scan3A_3, %scan3A_4 : i32
    %scan3A_6 = arith.constant 1 : i32
    scf.for %scan3A_103 = %scan3A_3 to %scan3A_5 step %scan3A_6  : i32 {
      %swap3A = arith.index_cast %scan3A_103 : i32 to index
      %swap3A_104 = arith.constant 0 : index
      %swap3A_105 = tpu.vector_load %arg6[%swap3A, %swap3A_104] {strides = array<i32>} : memref<128x16xf32, #tpu.memory_space<vmem>>, vector<1x16xf32>,
      %swap3A_106 = vector.shape_cast %swap3A_105 : vector<1x16xf32> to vector<16xf32>
      %swap3A_107 = vector.shape_cast %broadcast_in_dim3A_2 : vector<16xf32> to vector<1x16xf32>
      tpu.vector_store %arg6[%swap3A, %swap3A_104], %swap3A_107 {strides = array<i32>} : memref<128x16xf32, #tpu.memory_space<vmem>>, vector<1x16xf32>,
    }
    %scan3A_7 = arith.constant 128 : i32
    %scan3A_8 = arith.constant 0 : i32
    %scan3A_9 = arith.constant 0 : i32
    %scan3A_10 = arith.constant 80 : i32
    %scan3A_11 = arith.addi %scan3A_9, %scan3A_10 : i32
    %scan3A_12 = arith.constant 1 : i32
    scf.for %scan3A_103 = %scan3A_9 to %scan3A_11 step %scan3A_12  : i32 {
      %swap3A = arith.index_cast %scan3A_103 : i32 to index
      %swap3A_104 = arith.constant 0 : index
      %swap3A_105 = tpu.vector_load %arg7[%swap3A, %swap3A_104] {strides = array<i32>} : memref<80x16xf32, #tpu.memory_space<vmem>>, vector<1x16xf32>,
      %swap3A_106 = vector.shape_cast %swap3A_105 : vector<1x16xf32> to vector<16xf32>
      %swap3A_107 = vector.shape_cast %broadcast_in_dim3A_0 : vector<16xf32> to vector<1x16xf32>
      tpu.vector_store %arg7[%swap3A, %swap3A_104], %swap3A_107 {strides = array<i32>} : memref<80x16xf32, #tpu.memory_space<vmem>>, vector<1x16xf32>,
    }
    %scan3A_13 = arith.constant 80 : i32
    %mul3A = arith.constant 640 : i32
    %mul3A_14 = arith.muli %arg1, %mul3A : i32
    %eq3A = arith.constant 15 : i32
    %eq3A_15 = arith.cmpi eq, %arg1, %eq3A : i32
    %jit3A = arith.constant 5 : i32
    %jit3A_16 = arith.constant 8 : i32
    %select_n3A = arith.select %eq3A_15, %jit3A, %jit3A_16 : i32
    %while3A = arith.constant 0 : i32
    %while3A_17 = arith.constant 0 : i32
    %while3A_18 = arith.subi %select_n3A, %while3A_17 : i32
    %while3A_19 = arith.addi %while3A_17, %while3A_18 : i32
    %while3A_20 = arith.constant 1 : i32
    %while3A_21 = arith.divsi %while3A_18, %while3A_20 : i32
    %while3A_22 = arith.muli %while3A_21, %while3A_20 : i32
    %while3A_23 = arith.addi %while3A_17, %while3A_22 : i32
    %while3A_24 = arith.constant 1 : i32
    scf.for %while3A_103 = %while3A_17 to %while3A_23 step %while3A_24  : i32 {
      %mul3A_104 = arith.constant 80 : i32
      %mul3A_105 = arith.muli %while3A_103, %mul3A_104 : i32
      %add3A_106 = arith.addi %mul3A_14, %mul3A_105 : i32
      "tpu.region"() ({
        %run_scoped3A = tpu.sem_alloc : memref<!tpu.dma_semaphore, #tpu.memory_space<semaphore_mem>>
        %dma_start3A_107 = arith.constant 0 : i32
        %dma_start3A_108 = tpu.memref_slice %arg8[%add3A_106, %dma_start3A_107] : memref<10000x16xf32, #tpu.memory_space<vmem_shared>> -> memref<80x16xf32, #tpu.memory_space<vmem_shared>>
        %dma_start3A_109 = arith.constant 0 : i32
        %dma_start3A_110 = tpu.memref_slice %arg8[%add3A_106, %dma_start3A_109] : memref<10000x16xf32, #tpu.memory_space<vmem_shared>> -> memref<80x16xf32, #tpu.memory_space<vmem_shared>>
        tpu.enqueue_dma source(%arg7 : memref<80x16xf32, #tpu.memory_space<vmem>>) target(%dma_start3A_110 : memref<80x16xf32, #tpu.memory_space<vmem_shared>>) target_semaphore(%run_scoped3A : memref<!tpu.dma_semaphore, #tpu.memory_space<semaphore_mem>>)
        %dma_wait3A_111 = arith.constant 0 : i32
        %dma_wait3A_112 = tpu.memref_slice %arg8[%add3A_106, %dma_wait3A_111] : memref<10000x16xf32, #tpu.memory_space<vmem_shared>> -> memref<80x16xf32, #tpu.memory_space<vmem_shared>>
        %dma_wait3A_113 = arith.constant 0 : i32
        %dma_wait3A_114 = tpu.memref_slice %arg8[%add3A_106, %dma_wait3A_113] : memref<10000x16xf32, #tpu.memory_space<vmem_shared>> -> memref<80x16xf32, #tpu.memory_space<vmem_shared>>
        tpu.wait_dma2 semaphore(%run_scoped3A : memref<!tpu.dma_semaphore, #tpu.memory_space<semaphore_mem>>) src(%arg7 : memref<80x16xf32, #tpu.memory_space<vmem>>) dst(%dma_wait3A_114 : memref<80x16xf32, #tpu.memory_space<vmem_shared>>)
        tpu.yield
      }) : () -> ()
    }
    %while3A_25 = arith.constant 1 : i32
    scf.for %while3A_103 = %while3A_23 to %while3A_19 step %while3A_25  : i32 {
      %mul3A_104 = arith.constant 80 : i32
      %mul3A_105 = arith.muli %while3A_103, %mul3A_104 : i32
      %add3A_106 = arith.addi %mul3A_14, %mul3A_105 : i32
      "tpu.region"() ({
        %run_scoped3A = tpu.sem_alloc : memref<!tpu.dma_semaphore, #tpu.memory_space<semaphore_mem>>
        %dma_start3A_107 = arith.constant 0 : i32
        %dma_start3A_108 = tpu.memref_slice %arg8[%add3A_106, %dma_start3A_107] : memref<10000x16xf32, #tpu.memory_space<vmem_shared>> -> memref<80x16xf32, #tpu.memory_space<vmem_shared>>
        %dma_start3A_109 = arith.constant 0 : i32
        %dma_start3A_110 = tpu.memref_slice %arg8[%add3A_106, %dma_start3A_109] : memref<10000x16xf32, #tpu.memory_space<vmem_shared>> -> memref<80x16xf32, #tpu.memory_space<vmem_shared>>
        tpu.enqueue_dma source(%arg7 : memref<80x16xf32, #tpu.memory_space<vmem>>) target(%dma_start3A_110 : memref<80x16xf32, #tpu.memory_space<vmem_shared>>) target_semaphore(%run_scoped3A : memref<!tpu.dma_semaphore, #tpu.memory_space<semaphore_mem>>)
        %dma_wait3A_111 = arith.constant 0 : i32
        %dma_wait3A_112 = tpu.memref_slice %arg8[%add3A_106, %dma_wait3A_111] : memref<10000x16xf32, #tpu.memory_space<vmem_shared>> -> memref<80x16xf32, #tpu.memory_space<vmem_shared>>
        %dma_wait3A_113 = arith.constant 0 : i32
        %dma_wait3A_114 = tpu.memref_slice %arg8[%add3A_106, %dma_wait3A_113] : memref<10000x16xf32, #tpu.memory_space<vmem_shared>> -> memref<80x16xf32, #tpu.memory_space<vmem_shared>>
        tpu.wait_dma2 semaphore(%run_scoped3A : memref<!tpu.dma_semaphore, #tpu.memory_space<semaphore_mem>>) src(%arg7 : memref<80x16xf32, #tpu.memory_space<vmem>>) dst(%dma_wait3A_114 : memref<80x16xf32, #tpu.memory_space<vmem_shared>>)
        tpu.yield
      }) : () -> ()
    }
    %barrier3A = arith.constant 0 : index
    tpu.barrier barrier_id(%barrier3A)
    %lt3A = arith.constant 2 : i32
    %lt3A_26 = arith.cmpi slt, %arg1, %lt3A : i32
    %jit3A_27 = arith.constant 79 : i32
    %jit3A_28 = arith.constant 78 : i32
    %select_n3A_29 = arith.select %lt3A_26, %jit3A_27, %jit3A_28 : i32
    %sub3A = arith.constant 1 : i32
    %sub3A_30 = arith.subi %select_n3A_29, %sub3A : i32
    %min3A = arith.constant 0 : i32
    %min3A_31 = arith.minsi %min3A, %sub3A_30 : i32
    %mul3A_32 = arith.constant 160000 : i32
    %mul3A_33 = arith.muli %arg0, %mul3A_32 : i32
    %mul3A_34 = arith.constant 16 : i32
    %mul3A_35 = arith.muli %min3A_31, %mul3A_34 : i32
    %add3A = arith.addi %mul3A_35, %arg1 : i32
    %mul3A_36 = arith.constant 128 : i32
    %mul3A_37 = arith.muli %add3A, %mul3A_36 : i32
    %add3A_38 = arith.addi %mul3A_33, %mul3A_37 : i32
    %dma_start3A = tpu.memref_slice %arg2[%add3A_38] : memref<320000xi32, #tpu.memory_space<hbm>> -> memref<128xi32, #tpu.memory_space<hbm>>
    %dma_start3A_39 = tpu.memref_slice %arg2[%add3A_38] : memref<320000xi32, #tpu.memory_space<hbm>> -> memref<128xi32, #tpu.memory_space<hbm>>
    tpu.enqueue_dma source(%dma_start3A_39 : memref<128xi32, #tpu.memory_space<hbm>>) target(%arg4 : memref<128xi32, #tpu.memory_space<vmem>>) target_semaphore(%arg9 : memref<!tpu.dma_semaphore, #tpu.memory_space<semaphore_mem>>)
    %sub3A_40 = arith.constant 1 : i32
    %sub3A_41 = arith.subi %select_n3A_29, %sub3A_40 : i32
    %min3A_42 = arith.constant 1 : i32
    %min3A_43 = arith.minsi %min3A_42, %sub3A_41 : i32
    %mul3A_44 = arith.constant 160000 : i32
    %mul3A_45 = arith.muli %arg0, %mul3A_44 : i32
    %mul3A_46 = arith.constant 16 : i32
    %mul3A_47 = arith.muli %min3A_43, %mul3A_46 : i32
    %add3A_48 = arith.addi %mul3A_47, %arg1 : i32
    %mul3A_49 = arith.constant 128 : i32
    %mul3A_50 = arith.muli %add3A_48, %mul3A_49 : i32
    %add3A_51 = arith.addi %mul3A_45, %mul3A_50 : i32
    %dma_start3A_52 = tpu.memref_slice %arg2[%add3A_51] : memref<320000xi32, #tpu.memory_space<hbm>> -> memref<128xi32, #tpu.memory_space<hbm>>
    %dma_start3A_53 = tpu.memref_slice %arg2[%add3A_51] : memref<320000xi32, #tpu.memory_space<hbm>> -> memref<128xi32, #tpu.memory_space<hbm>>
    tpu.enqueue_dma source(%dma_start3A_53 : memref<128xi32, #tpu.memory_space<hbm>>) target(%arg5 : memref<128xi32, #tpu.memory_space<vmem>>) target_semaphore(%arg10 : memref<!tpu.dma_semaphore, #tpu.memory_space<semaphore_mem>>)
    %add3A_54 = arith.constant 1 : i32
    %add3A_55 = arith.addi %select_n3A_29, %add3A_54 : i32
    %jit3A_56 = arith.constant 2 : i32
    %div3A = arith.divsi %add3A_55, %jit3A_56 : i32
    %sign3A = arith.constant 0 : i32
    %sign3A_57 = arith.cmpi sgt, %add3A_55, %sign3A : i32
    %sign3A_58 = arith.extui %sign3A_57 : i1 to i32
    %sign3A_59 = arith.constant 0 : i32
    %sign3A_60 = arith.cmpi slt, %add3A_55, %sign3A_59 : i32
    %sign3A_61 = arith.extui %sign3A_60 : i1 to i32
    %sign3A_62 = arith.subi %sign3A_58, %sign3A_61 : i32
    %sign3A_63 = arith.constant 0 : i32
    %sign3A_64 = arith.cmpi sgt, %jit3A_56, %sign3A_63 : i32
    %sign3A_65 = arith.extui %sign3A_64 : i1 to i32
    %sign3A_66 = arith.constant 0 : i32
    %sign3A_67 = arith.cmpi slt, %jit3A_56, %sign3A_66 : i32
    %sign3A_68 = arith.extui %sign3A_67 : i1 to i32
    %sign3A_69 = arith.subi %sign3A_65, %sign3A_68 : i32
    %ne3A = arith.cmpi ne, %sign3A_62, %sign3A_69 : i32
    %rem3A = arith.remsi %add3A_55, %jit3A_56 : i32
    %ne3A_70 = arith.constant 0 : i32
    %ne3A_71 = arith.cmpi ne, %rem3A, %ne3A_70 : i32
    %and3A = arith.andi %ne3A, %ne3A_71 : i1
    %sub3A_72 = arith.constant 1 : i32
    %sub3A_73 = arith.subi %div3A, %sub3A_72 : i32
    %select_n3A_74 = arith.select %and3A, %sub3A_73, %div3A : i32
    %while3A_75 = arith.constant 0 : i32
    %while3A_76 = arith.constant 0 : i32
    %while3A_77 = arith.subi %select_n3A_74, %while3A_76 : i32
    %while3A_78 = arith.addi %while3A_76, %while3A_77 : i32
    %while3A_79 = arith.constant 1 : i32
    %while3A_80 = arith.divsi %while3A_77, %while3A_79 : i32
    %while3A_81 = arith.muli %while3A_80, %while3A_79 : i32
    %while3A_82 = arith.addi %while3A_76, %while3A_81 : i32
    %while3A_83 = arith.constant 1 : i32
    scf.for %while3A_103 = %while3A_76 to %while3A_82 step %while3A_83  : i32 {
      %mul3A_104 = arith.constant 2 : i32
      %mul3A_105 = arith.muli %mul3A_104, %while3A_103 : i32
      %dma_wait3A_106 = arith.constant 0 : i32
      %dma_wait3A_107 = tpu.memref_slice %arg2[%dma_wait3A_106] : memref<320000xi32, #tpu.memory_space<hbm>> -> memref<128xi32, #tpu.memory_space<hbm>>
      %dma_wait3A_108 = arith.constant 0 : i32
      %dma_wait3A_109 = tpu.memref_slice %arg2[%dma_wait3A_108] : memref<320000xi32, #tpu.memory_space<hbm>> -> memref<128xi32, #tpu.memory_space<hbm>>
      tpu.wait_dma2 semaphore(%arg9 : memref<!tpu.dma_semaphore, #tpu.memory_space<semaphore_mem>>) src(%dma_wait3A_109 : memref<128xi32, #tpu.memory_space<hbm>>) dst(%arg4 : memref<128xi32, #tpu.memory_space<vmem>>)
      "tpu.region"() ({
        %run_scoped3A = tpu.sem_alloc : memref<!tpu.dma_semaphore, #tpu.memory_space<semaphore_mem>>
        %dma_start3A_129 = arith.constant 0 : i32
        %dma_start3A_130 = arith.constant 0 : i32
        %dma_start3A_131 = tpu.memref_slice %arg8[%dma_start3A_129, %dma_start3A_130] : memref<10000x16xf32, #tpu.memory_space<vmem_shared>> -> memref<10000x16xf32, #tpu.memory_space<vmem_shared>>
        tpu.enqueue_indirect_dma source(%arg6 : memref<128x16xf32, #tpu.memory_space<vmem>>) target(%dma_start3A_131 : memref<10000x16xf32, #tpu.memory_space<vmem_shared>>) offsets(%arg4 : memref<128xi32, #tpu.memory_space<vmem>>) semaphore(%run_scoped3A : memref<!tpu.dma_semaphore, #tpu.memory_space<semaphore_mem>>) {add = true}
        %dma_wait3A_132 = arith.constant 0 : i32
        %dma_wait3A_133 = arith.constant 0 : i32
        %dma_wait3A_134 = tpu.memref_slice %arg8[%dma_wait3A_132, %dma_wait3A_133] : memref<10000x16xf32, #tpu.memory_space<vmem_shared>> -> memref<10000x16xf32, #tpu.memory_space<vmem_shared>>
        tpu.wait_indirect_dma semaphore(%run_scoped3A : memref<!tpu.dma_semaphore, #tpu.memory_space<semaphore_mem>>) src(%arg6 : memref<128x16xf32, #tpu.memory_space<vmem>>) dst(%dma_wait3A_134 : memref<10000x16xf32, #tpu.memory_space<vmem_shared>>)
        tpu.yield
      }) : () -> ()
      %add3A_110 = arith.constant 2 : i32
      %add3A_111 = arith.addi %mul3A_105, %add3A_110 : i32
      %sub3A_112 = arith.constant 1 : i32
      %sub3A_113 = arith.subi %select_n3A_29, %sub3A_112 : i32
      %min3A_114 = arith.minsi %add3A_111, %sub3A_113 : i32
      %mul3A_115 = arith.constant 160000 : i32
      %mul3A_116 = arith.muli %arg0, %mul3A_115 : i32
      %mul3A_117 = arith.constant 16 : i32
      %mul3A_118 = arith.muli %min3A_114, %mul3A_117 : i32
      %add3A_119 = arith.addi %mul3A_118, %arg1 : i32
      %mul3A_120 = arith.constant 128 : i32
      %mul3A_121 = arith.muli %add3A_119, %mul3A_120 : i32
      %add3A_122 = arith.addi %mul3A_116, %mul3A_121 : i32
      %dma_start3A_123 = tpu.memref_slice %arg2[%add3A_122] : memref<320000xi32, #tpu.memory_space<hbm>> -> memref<128xi32, #tpu.memory_space<hbm>>
      %dma_start3A_124 = tpu.memref_slice %arg2[%add3A_122] : memref<320000xi32, #tpu.memory_space<hbm>> -> memref<128xi32, #tpu.memory_space<hbm>>
      tpu.enqueue_dma source(%dma_start3A_124 : memref<128xi32, #tpu.memory_space<hbm>>) target(%arg4 : memref<128xi32, #tpu.memory_space<vmem>>) target_semaphore(%arg9 : memref<!tpu.dma_semaphore, #tpu.memory_space<semaphore_mem>>)
      %add3A_125 = arith.constant 1 : i32
      %add3A_126 = arith.addi %mul3A_105, %add3A_125 : i32
      %lt3A_127 = arith.cmpi slt, %add3A_126, %select_n3A_29 : i32
      %convert_element_type3A = arith.extui %lt3A_127 : i1 to i32
      %cond3A = arith.constant 0 : i32
      %cond3A_128 = arith.cmpi ne, %convert_element_type3A, %cond3A : i32
      scf.if %cond3A_128 {
        %add3A_129 = arith.constant 1 : i32
        %add3A_130 = arith.addi %mul3A_105, %add3A_129 : i32
        %dma_wait3A_131 = arith.constant 0 : i32
        %dma_wait3A_132 = tpu.memref_slice %arg2[%dma_wait3A_131] : memref<320000xi32, #tpu.memory_space<hbm>> -> memref<128xi32, #tpu.memory_space<hbm>>
        %dma_wait3A_133 = arith.constant 0 : i32
        %dma_wait3A_134 = tpu.memref_slice %arg2[%dma_wait3A_133] : memref<320000xi32, #tpu.memory_space<hbm>> -> memref<128xi32, #tpu.memory_space<hbm>>
        tpu.wait_dma2 semaphore(%arg10 : memref<!tpu.dma_semaphore, #tpu.memory_space<semaphore_mem>>) src(%dma_wait3A_134 : memref<128xi32, #tpu.memory_space<hbm>>) dst(%arg5 : memref<128xi32, #tpu.memory_space<vmem>>)
        "tpu.region"() ({
          %run_scoped3A = tpu.sem_alloc : memref<!tpu.dma_semaphore, #tpu.memory_space<semaphore_mem>>
          %dma_start3A_150 = arith.constant 0 : i32
          %dma_start3A_151 = arith.constant 0 : i32
          %dma_start3A_152 = tpu.memref_slice %arg8[%dma_start3A_150, %dma_start3A_151] : memref<10000x16xf32, #tpu.memory_space<vmem_shared>> -> memref<10000x16xf32, #tpu.memory_space<vmem_shared>>
          tpu.enqueue_indirect_dma source(%arg6 : memref<128x16xf32, #tpu.memory_space<vmem>>) target(%dma_start3A_152 : memref<10000x16xf32, #tpu.memory_space<vmem_shared>>) offsets(%arg5 : memref<128xi32, #tpu.memory_space<vmem>>) semaphore(%run_scoped3A : memref<!tpu.dma_semaphore, #tpu.memory_space<semaphore_mem>>) {add = true}
          %dma_wait3A_153 = arith.constant 0 : i32
          %dma_wait3A_154 = arith.constant 0 : i32
          %dma_wait3A_155 = tpu.memref_slice %arg8[%dma_wait3A_153, %dma_wait3A_154] : memref<10000x16xf32, #tpu.memory_space<vmem_shared>> -> memref<10000x16xf32, #tpu.memory_space<vmem_shared>>
          tpu.wait_indirect_dma semaphore(%run_scoped3A : memref<!tpu.dma_semaphore, #tpu.memory_space<semaphore_mem>>) src(%arg6 : memref<128x16xf32, #tpu.memory_space<vmem>>) dst(%dma_wait3A_155 : memref<10000x16xf32, #tpu.memory_space<vmem_shared>>)
          tpu.yield
        }) : () -> ()
        %add3A_135 = arith.constant 2 : i32
        %add3A_136 = arith.addi %add3A_130, %add3A_135 : i32
        %sub3A_137 = arith.constant 1 : i32
        %sub3A_138 = arith.subi %select_n3A_29, %sub3A_137 : i32
        %min3A_139 = arith.minsi %add3A_136, %sub3A_138 : i32
        %mul3A_140 = arith.constant 160000 : i32
        %mul3A_141 = arith.muli %arg0, %mul3A_140 : i32
        %mul3A_142 = arith.constant 16 : i32
        %mul3A_143 = arith.muli %min3A_139, %mul3A_142 : i32
        %add3A_144 = arith.addi %mul3A_143, %arg1 : i32
        %mul3A_145 = arith.constant 128 : i32
        %mul3A_146 = arith.muli %add3A_144, %mul3A_145 : i32
        %add3A_147 = arith.addi %mul3A_141, %mul3A_146 : i32
        %dma_start3A_148 = tpu.memref_slice %arg2[%add3A_147] : memref<320000xi32, #tpu.memory_space<hbm>> -> memref<128xi32, #tpu.memory_space<hbm>>
        %dma_start3A_149 = tpu.memref_slice %arg2[%add3A_147] : memref<320000xi32, #tpu.memory_space<hbm>> -> memref<128xi32, #tpu.memory_space<hbm>>
        tpu.enqueue_dma source(%dma_start3A_149 : memref<128xi32, #tpu.memory_space<hbm>>) target(%arg5 : memref<128xi32, #tpu.memory_space<vmem>>) target_semaphore(%arg10 : memref<!tpu.dma_semaphore, #tpu.memory_space<semaphore_mem>>)
      } else {
      }
    }
    %while3A_84 = arith.constant 1 : i32
    scf.for %while3A_103 = %while3A_82 to %while3A_78 step %while3A_84  : i32 {
      %mul3A_104 = arith.constant 2 : i32
      %mul3A_105 = arith.muli %mul3A_104, %while3A_103 : i32
      %dma_wait3A_106 = arith.constant 0 : i32
      %dma_wait3A_107 = tpu.memref_slice %arg2[%dma_wait3A_106] : memref<320000xi32, #tpu.memory_space<hbm>> -> memref<128xi32, #tpu.memory_space<hbm>>
      %dma_wait3A_108 = arith.constant 0 : i32
      %dma_wait3A_109 = tpu.memref_slice %arg2[%dma_wait3A_108] : memref<320000xi32, #tpu.memory_space<hbm>> -> memref<128xi32, #tpu.memory_space<hbm>>
      tpu.wait_dma2 semaphore(%arg9 : memref<!tpu.dma_semaphore, #tpu.memory_space<semaphore_mem>>) src(%dma_wait3A_109 : memref<128xi32, #tpu.memory_space<hbm>>) dst(%arg4 : memref<128xi32, #tpu.memory_space<vmem>>)
      "tpu.region"() ({
        %run_scoped3A = tpu.sem_alloc : memref<!tpu.dma_semaphore, #tpu.memory_space<semaphore_mem>>
        %dma_start3A_129 = arith.constant 0 : i32
        %dma_start3A_130 = arith.constant 0 : i32
        %dma_start3A_131 = tpu.memref_slice %arg8[%dma_start3A_129, %dma_start3A_130] : memref<10000x16xf32, #tpu.memory_space<vmem_shared>> -> memref<10000x16xf32, #tpu.memory_space<vmem_shared>>
        tpu.enqueue_indirect_dma source(%arg6 : memref<128x16xf32, #tpu.memory_space<vmem>>) target(%dma_start3A_131 : memref<10000x16xf32, #tpu.memory_space<vmem_shared>>) offsets(%arg4 : memref<128xi32, #tpu.memory_space<vmem>>) semaphore(%run_scoped3A : memref<!tpu.dma_semaphore, #tpu.memory_space<semaphore_mem>>) {add = true}
        %dma_wait3A_132 = arith.constant 0 : i32
        %dma_wait3A_133 = arith.constant 0 : i32
        %dma_wait3A_134 = tpu.memref_slice %arg8[%dma_wait3A_132, %dma_wait3A_133] : memref<10000x16xf32, #tpu.memory_space<vmem_shared>> -> memref<10000x16xf32, #tpu.memory_space<vmem_shared>>
        tpu.wait_indirect_dma semaphore(%run_scoped3A : memref<!tpu.dma_semaphore, #tpu.memory_space<semaphore_mem>>) src(%arg6 : memref<128x16xf32, #tpu.memory_space<vmem>>) dst(%dma_wait3A_134 : memref<10000x16xf32, #tpu.memory_space<vmem_shared>>)
        tpu.yield
      }) : () -> ()
      %add3A_110 = arith.constant 2 : i32
      %add3A_111 = arith.addi %mul3A_105, %add3A_110 : i32
      %sub3A_112 = arith.constant 1 : i32
      %sub3A_113 = arith.subi %select_n3A_29, %sub3A_112 : i32
      %min3A_114 = arith.minsi %add3A_111, %sub3A_113 : i32
      %mul3A_115 = arith.constant 160000 : i32
      %mul3A_116 = arith.muli %arg0, %mul3A_115 : i32
      %mul3A_117 = arith.constant 16 : i32
      %mul3A_118 = arith.muli %min3A_114, %mul3A_117 : i32
      %add3A_119 = arith.addi %mul3A_118, %arg1 : i32
      %mul3A_120 = arith.constant 128 : i32
      %mul3A_121 = arith.muli %add3A_119, %mul3A_120 : i32
      %add3A_122 = arith.addi %mul3A_116, %mul3A_121 : i32
      %dma_start3A_123 = tpu.memref_slice %arg2[%add3A_122] : memref<320000xi32, #tpu.memory_space<hbm>> -> memref<128xi32, #tpu.memory_space<hbm>>
      %dma_start3A_124 = tpu.memref_slice %arg2[%add3A_122] : memref<320000xi32, #tpu.memory_space<hbm>> -> memref<128xi32, #tpu.memory_space<hbm>>
      tpu.enqueue_dma source(%dma_start3A_124 : memref<128xi32, #tpu.memory_space<hbm>>) target(%arg4 : memref<128xi32, #tpu.memory_space<vmem>>) target_semaphore(%arg9 : memref<!tpu.dma_semaphore, #tpu.memory_space<semaphore_mem>>)
      %add3A_125 = arith.constant 1 : i32
      %add3A_126 = arith.addi %mul3A_105, %add3A_125 : i32
      %lt3A_127 = arith.cmpi slt, %add3A_126, %select_n3A_29 : i32
      %convert_element_type3A = arith.extui %lt3A_127 : i1 to i32
      %cond3A = arith.constant 0 : i32
      %cond3A_128 = arith.cmpi ne, %convert_element_type3A, %cond3A : i32
      scf.if %cond3A_128 {
        %add3A_129 = arith.constant 1 : i32
        %add3A_130 = arith.addi %mul3A_105, %add3A_129 : i32
        %dma_wait3A_131 = arith.constant 0 : i32
        %dma_wait3A_132 = tpu.memref_slice %arg2[%dma_wait3A_131] : memref<320000xi32, #tpu.memory_space<hbm>> -> memref<128xi32, #tpu.memory_space<hbm>>
        %dma_wait3A_133 = arith.constant 0 : i32
        %dma_wait3A_134 = tpu.memref_slice %arg2[%dma_wait3A_133] : memref<320000xi32, #tpu.memory_space<hbm>> -> memref<128xi32, #tpu.memory_space<hbm>>
        tpu.wait_dma2 semaphore(%arg10 : memref<!tpu.dma_semaphore, #tpu.memory_space<semaphore_mem>>) src(%dma_wait3A_134 : memref<128xi32, #tpu.memory_space<hbm>>) dst(%arg5 : memref<128xi32, #tpu.memory_space<vmem>>)
        "tpu.region"() ({
          %run_scoped3A = tpu.sem_alloc : memref<!tpu.dma_semaphore, #tpu.memory_space<semaphore_mem>>
          %dma_start3A_150 = arith.constant 0 : i32
          %dma_start3A_151 = arith.constant 0 : i32
          %dma_start3A_152 = tpu.memref_slice %arg8[%dma_start3A_150, %dma_start3A_151] : memref<10000x16xf32, #tpu.memory_space<vmem_shared>> -> memref<10000x16xf32, #tpu.memory_space<vmem_shared>>
          tpu.enqueue_indirect_dma source(%arg6 : memref<128x16xf32, #tpu.memory_space<vmem>>) target(%dma_start3A_152 : memref<10000x16xf32, #tpu.memory_space<vmem_shared>>) offsets(%arg5 : memref<128xi32, #tpu.memory_space<vmem>>) semaphore(%run_scoped3A : memref<!tpu.dma_semaphore, #tpu.memory_space<semaphore_mem>>) {add = true}
          %dma_wait3A_153 = arith.constant 0 : i32
          %dma_wait3A_154 = arith.constant 0 : i32
          %dma_wait3A_155 = tpu.memref_slice %arg8[%dma_wait3A_153, %dma_wait3A_154] : memref<10000x16xf32, #tpu.memory_space<vmem_shared>> -> memref<10000x16xf32, #tpu.memory_space<vmem_shared>>
          tpu.wait_indirect_dma semaphore(%run_scoped3A : memref<!tpu.dma_semaphore, #tpu.memory_space<semaphore_mem>>) src(%arg6 : memref<128x16xf32, #tpu.memory_space<vmem>>) dst(%dma_wait3A_155 : memref<10000x16xf32, #tpu.memory_space<vmem_shared>>)
          tpu.yield
        }) : () -> ()
        %add3A_135 = arith.constant 2 : i32
        %add3A_136 = arith.addi %add3A_130, %add3A_135 : i32
        %sub3A_137 = arith.constant 1 : i32
        %sub3A_138 = arith.subi %select_n3A_29, %sub3A_137 : i32
        %min3A_139 = arith.minsi %add3A_136, %sub3A_138 : i32
        %mul3A_140 = arith.constant 160000 : i32
        %mul3A_141 = arith.muli %arg0, %mul3A_140 : i32
        %mul3A_142 = arith.constant 16 : i32
        %mul3A_143 = arith.muli %min3A_139, %mul3A_142 : i32
        %add3A_144 = arith.addi %mul3A_143, %arg1 : i32
        %mul3A_145 = arith.constant 128 : i32
        %mul3A_146 = arith.muli %add3A_144, %mul3A_145 : i32
        %add3A_147 = arith.addi %mul3A_141, %mul3A_146 : i32
        %dma_start3A_148 = tpu.memref_slice %arg2[%add3A_147] : memref<320000xi32, #tpu.memory_space<hbm>> -> memref<128xi32, #tpu.memory_space<hbm>>
        %dma_start3A_149 = tpu.memref_slice %arg2[%add3A_147] : memref<320000xi32, #tpu.memory_space<hbm>> -> memref<128xi32, #tpu.memory_space<hbm>>
        tpu.enqueue_dma source(%dma_start3A_149 : memref<128xi32, #tpu.memory_space<hbm>>) target(%arg5 : memref<128xi32, #tpu.memory_space<vmem>>) target_semaphore(%arg10 : memref<!tpu.dma_semaphore, #tpu.memory_space<semaphore_mem>>)
      } else {
      }
    }
    %dma_wait3A = arith.constant 0 : i32
    %dma_wait3A_85 = tpu.memref_slice %arg2[%dma_wait3A] : memref<320000xi32, #tpu.memory_space<hbm>> -> memref<128xi32, #tpu.memory_space<hbm>>
    %dma_wait3A_86 = arith.constant 0 : i32
    %dma_wait3A_87 = tpu.memref_slice %arg2[%dma_wait3A_86] : memref<320000xi32, #tpu.memory_space<hbm>> -> memref<128xi32, #tpu.memory_space<hbm>>
    tpu.wait_dma2 semaphore(%arg9 : memref<!tpu.dma_semaphore, #tpu.memory_space<semaphore_mem>>) src(%dma_wait3A_87 : memref<128xi32, #tpu.memory_space<hbm>>) dst(%arg4 : memref<128xi32, #tpu.memory_space<vmem>>)
    %dma_wait3A_88 = arith.constant 0 : i32
    %dma_wait3A_89 = tpu.memref_slice %arg2[%dma_wait3A_88] : memref<320000xi32, #tpu.memory_space<hbm>> -> memref<128xi32, #tpu.memory_space<hbm>>
    %dma_wait3A_90 = arith.constant 0 : i32
    %dma_wait3A_91 = tpu.memref_slice %arg2[%dma_wait3A_90] : memref<320000xi32, #tpu.memory_space<hbm>> -> memref<128xi32, #tpu.memory_space<hbm>>
    tpu.wait_dma2 semaphore(%arg10 : memref<!tpu.dma_semaphore, #tpu.memory_space<semaphore_mem>>) src(%dma_wait3A_91 : memref<128xi32, #tpu.memory_space<hbm>>) dst(%arg5 : memref<128xi32, #tpu.memory_space<vmem>>)
    %barrier3A_92 = arith.constant 0 : index
    tpu.barrier barrier_id(%barrier3A_92)
    %while3A_93 = arith.constant 0 : i32
    %while3A_94 = arith.constant 0 : i32
    %while3A_95 = arith.subi %select_n3A, %while3A_94 : i32
    %while3A_96 = arith.addi %while3A_94, %while3A_95 : i32
    %while3A_97 = arith.constant 1 : i32
    %while3A_98 = arith.divsi %while3A_95, %while3A_97 : i32
    %while3A_99 = arith.muli %while3A_98, %while3A_97 : i32
    %while3A_100 = arith.addi %while3A_94, %while3A_99 : i32
    %while3A_101 = arith.constant 1 : i32
    scf.for %while3A_103 = %while3A_94 to %while3A_100 step %while3A_101  : i32 {
      %mul3A_104 = arith.constant 80 : i32
      %mul3A_105 = arith.muli %while3A_103, %mul3A_104 : i32
      %add3A_106 = arith.addi %mul3A_14, %mul3A_105 : i32
      "tpu.region"() ({
        %run_scoped3A = tpu.sem_alloc : memref<!tpu.dma_semaphore, #tpu.memory_space<semaphore_mem>>
        %dma_start3A_110 = arith.constant 0 : i32
        %dma_start3A_111 = tpu.memref_slice %arg8[%add3A_106, %dma_start3A_110] : memref<10000x16xf32, #tpu.memory_space<vmem_shared>> -> memref<80x16xf32, #tpu.memory_space<vmem_shared>>
        %dma_start3A_112 = arith.constant 0 : i32
        %dma_start3A_113 = tpu.memref_slice %arg8[%add3A_106, %dma_start3A_112] : memref<10000x16xf32, #tpu.memory_space<vmem_shared>> -> memref<80x16xf32, #tpu.memory_space<vmem_shared>>
        tpu.enqueue_dma source(%dma_start3A_113 : memref<80x16xf32, #tpu.memory_space<vmem_shared>>) target(%arg7 : memref<80x16xf32, #tpu.memory_space<vmem>>) target_semaphore(%run_scoped3A : memref<!tpu.dma_semaphore, #tpu.memory_space<semaphore_mem>>)
        %dma_wait3A_114 = arith.constant 0 : i32
        %dma_wait3A_115 = tpu.memref_slice %arg8[%add3A_106, %dma_wait3A_114] : memref<10000x16xf32, #tpu.memory_space<vmem_shared>> -> memref<80x16xf32, #tpu.memory_space<vmem_shared>>
        %dma_wait3A_116 = arith.constant 0 : i32
        %dma_wait3A_117 = tpu.memref_slice %arg8[%add3A_106, %dma_wait3A_116] : memref<10000x16xf32, #tpu.memory_space<vmem_shared>> -> memref<80x16xf32, #tpu.memory_space<vmem_shared>>
        tpu.wait_dma2 semaphore(%run_scoped3A : memref<!tpu.dma_semaphore, #tpu.memory_space<semaphore_mem>>) src(%dma_wait3A_117 : memref<80x16xf32, #tpu.memory_space<vmem_shared>>) dst(%arg7 : memref<80x16xf32, #tpu.memory_space<vmem>>)
        tpu.yield
      }) : () -> ()
      %mul3A_107 = arith.constant 10000 : i32
      %mul3A_108 = arith.muli %arg0, %mul3A_107 : i32
      %add3A_109 = arith.addi %mul3A_108, %add3A_106 : i32
      "tpu.region"() ({
        %run_scoped3A = tpu.sem_alloc : memref<!tpu.dma_semaphore, #tpu.memory_space<semaphore_mem>>
        %dma_start3A_110 = arith.constant 0 : i32
        %dma_start3A_111 = tpu.memref_slice %arg3[%add3A_109, %dma_start3A_110] : memref<20000x16xf32, #tpu.memory_space<hbm>> -> memref<80x16xf32, #tpu.memory_space<hbm>>
        %dma_start3A_112 = arith.constant 0 : i32
        %dma_start3A_113 = tpu.memref_slice %arg3[%add3A_109, %dma_start3A_112] : memref<20000x16xf32, #tpu.memory_space<hbm>> -> memref<80x16xf32, #tpu.memory_space<hbm>>
        tpu.enqueue_dma source(%arg7 : memref<80x16xf32, #tpu.memory_space<vmem>>) target(%dma_start3A_113 : memref<80x16xf32, #tpu.memory_space<hbm>>) target_semaphore(%run_scoped3A : memref<!tpu.dma_semaphore, #tpu.memory_space<semaphore_mem>>)
        %dma_wait3A_114 = arith.constant 0 : i32
        %dma_wait3A_115 = tpu.memref_slice %arg3[%add3A_109, %dma_wait3A_114] : memref<20000x16xf32, #tpu.memory_space<hbm>> -> memref<80x16xf32, #tpu.memory_space<hbm>>
        %dma_wait3A_116 = arith.constant 0 : i32
        %dma_wait3A_117 = tpu.memref_slice %arg3[%add3A_109, %dma_wait3A_116] : memref<20000x16xf32, #tpu.memory_space<hbm>> -> memref<80x16xf32, #tpu.memory_space<hbm>>
        tpu.wait_dma2 semaphore(%run_scoped3A : memref<!tpu.dma_semaphore, #tpu.memory_space<semaphore_mem>>) src(%arg7 : memref<80x16xf32, #tpu.memory_space<vmem>>) dst(%dma_wait3A_117 : memref<80x16xf32, #tpu.memory_space<hbm>>)
        tpu.yield
      }) : () -> ()
    }
    %while3A_102 = arith.constant 1 : i32
    scf.for %while3A_103 = %while3A_100 to %while3A_96 step %while3A_102  : i32 {
      %mul3A_104 = arith.constant 80 : i32
      %mul3A_105 = arith.muli %while3A_103, %mul3A_104 : i32
      %add3A_106 = arith.addi %mul3A_14, %mul3A_105 : i32
      "tpu.region"() ({
        %run_scoped3A = tpu.sem_alloc : memref<!tpu.dma_semaphore, #tpu.memory_space<semaphore_mem>>
        %dma_start3A_110 = arith.constant 0 : i32
        %dma_start3A_111 = tpu.memref_slice %arg8[%add3A_106, %dma_start3A_110] : memref<10000x16xf32, #tpu.memory_space<vmem_shared>> -> memref<80x16xf32, #tpu.memory_space<vmem_shared>>
        %dma_start3A_112 = arith.constant 0 : i32
        %dma_start3A_113 = tpu.memref_slice %arg8[%add3A_106, %dma_start3A_112] : memref<10000x16xf32, #tpu.memory_space<vmem_shared>> -> memref<80x16xf32, #tpu.memory_space<vmem_shared>>
        tpu.enqueue_dma source(%dma_start3A_113 : memref<80x16xf32, #tpu.memory_space<vmem_shared>>) target(%arg7 : memref<80x16xf32, #tpu.memory_space<vmem>>) target_semaphore(%run_scoped3A : memref<!tpu.dma_semaphore, #tpu.memory_space<semaphore_mem>>)
        %dma_wait3A_114 = arith.constant 0 : i32
        %dma_wait3A_115 = tpu.memref_slice %arg8[%add3A_106, %dma_wait3A_114] : memref<10000x16xf32, #tpu.memory_space<vmem_shared>> -> memref<80x16xf32, #tpu.memory_space<vmem_shared>>
        %dma_wait3A_116 = arith.constant 0 : i32
        %dma_wait3A_117 = tpu.memref_slice %arg8[%add3A_106, %dma_wait3A_116] : memref<10000x16xf32, #tpu.memory_space<vmem_shared>> -> memref<80x16xf32, #tpu.memory_space<vmem_shared>>
        tpu.wait_dma2 semaphore(%run_scoped3A : memref<!tpu.dma_semaphore, #tpu.memory_space<semaphore_mem>>) src(%dma_wait3A_117 : memref<80x16xf32, #tpu.memory_space<vmem_shared>>) dst(%arg7 : memref<80x16xf32, #tpu.memory_space<vmem>>)
        tpu.yield
      }) : () -> ()
      %mul3A_107 = arith.constant 10000 : i32
      %mul3A_108 = arith.muli %arg0, %mul3A_107 : i32
      %add3A_109 = arith.addi %mul3A_108, %add3A_106 : i32
      "tpu.region"() ({
        %run_scoped3A = tpu.sem_alloc : memref<!tpu.dma_semaphore, #tpu.memory_space<semaphore_mem>>
        %dma_start3A_110 = arith.constant 0 : i32
        %dma_start3A_111 = tpu.memref_slice %arg3[%add3A_109, %dma_start3A_110] : memref<20000x16xf32, #tpu.memory_space<hbm>> -> memref<80x16xf32, #tpu.memory_space<hbm>>
        %dma_start3A_112 = arith.constant 0 : i32
        %dma_start3A_113 = tpu.memref_slice %arg3[%add3A_109, %dma_start3A_112] : memref<20000x16xf32, #tpu.memory_space<hbm>> -> memref<80x16xf32, #tpu.memory_space<hbm>>
        tpu.enqueue_dma source(%arg7 : memref<80x16xf32, #tpu.memory_space<vmem>>) target(%dma_start3A_113 : memref<80x16xf32, #tpu.memory_space<hbm>>) target_semaphore(%run_scoped3A : memref<!tpu.dma_semaphore, #tpu.memory_space<semaphore_mem>>)
        %dma_wait3A_114 = arith.constant 0 : i32
        %dma_wait3A_115 = tpu.memref_slice %arg3[%add3A_109, %dma_wait3A_114] : memref<20000x16xf32, #tpu.memory_space<hbm>> -> memref<80x16xf32, #tpu.memory_space<hbm>>
        %dma_wait3A_116 = arith.constant 0 : i32
        %dma_wait3A_117 = tpu.memref_slice %arg3[%add3A_109, %dma_wait3A_116] : memref<20000x16xf32, #tpu.memory_space<hbm>> -> memref<80x16xf32, #tpu.memory_space<hbm>>
        tpu.wait_dma2 semaphore(%run_scoped3A : memref<!tpu.dma_semaphore, #tpu.memory_space<semaphore_mem>>) src(%arg7 : memref<80x16xf32, #tpu.memory_space<vmem>>) dst(%dma_wait3A_117 : memref<80x16xf32, #tpu.memory_space<hbm>>)
        tpu.yield
      }) : () -> ()
    }
    return
  }
}

#map = affine_map<(d0, d1) -> (0, 0)>
#map1 = affine_map<(d0, d1) -> (0)>
module attributes {stable_mosaic.version = 14 : i64} {
  func.func @_gather_body(%arg0: i32, %arg1: i32, %arg2: memref<10000x128xf32, #tpu.memory_space<hbm>>, %arg3: memref<10000x128xf32, #tpu.memory_space<hbm>>, %arg4: memref<400x128xf32, #tpu.memory_space<hbm>>, %arg5: memref<400x128xf32, #tpu.memory_space<hbm>>, %arg6: memref<4096xi32, #tpu.memory_space<hbm>>, %arg7: memref<4096xi32, #tpu.memory_space<hbm>>, %arg8: memref<4096x128xf32, #tpu.memory_space<hbm>>, %arg9: memref<4096x128xf32, #tpu.memory_space<hbm>>, %arg10: memref<4096x128xf32, #tpu.memory_space<hbm>>, %arg11: memref<4096x128xf32, #tpu.memory_space<hbm>>, %arg12: memref<128xi32, #tpu.memory_space<vmem>>, %arg13: memref<128x128xf32, #tpu.memory_space<vmem>>, %arg14: memref<!tpu.dma_semaphore, #tpu.memory_space<semaphore_mem>>) attributes {dimension_semantics = [#tpu.dimension_semantics<core_parallel>, #tpu.dimension_semantics<subcore_parallel>], iteration_bounds = array<i64: 2, 16>, scalar_prefetch = 0 : i64, scratch_operands = 3 : i64, tpu.core_type = #tpu.core_type<sc_vector_subcore>, window_params = [{transform_indices = #map}, {transform_indices = #map}, {transform_indices = #map}, {transform_indices = #map}, {transform_indices = #map1}, {transform_indices = #map1}, {transform_indices = #map}, {transform_indices = #map}, {transform_indices = #map}, {transform_indices = #map}]} {
    %mul3A = arith.constant 2 : i32
    %mul3A_0 = arith.muli %arg1, %mul3A : i32
    %add3A = arith.addi %mul3A_0, %arg0 : i32
    %mul3A_1 = arith.constant 128 : i32
    %mul3A_2 = arith.muli %add3A, %mul3A_1 : i32
    "tpu.region"() ({
      %run_scoped3A = tpu.sem_alloc : memref<!tpu.dma_semaphore, #tpu.memory_space<semaphore_mem>>
      %dma_start3A_25 = tpu.memref_slice %arg6[%mul3A_2] : memref<4096xi32, #tpu.memory_space<hbm>> -> memref<128xi32, #tpu.memory_space<hbm>>
      %dma_start3A_26 = tpu.memref_slice %arg6[%mul3A_2] : memref<4096xi32, #tpu.memory_space<hbm>> -> memref<128xi32, #tpu.memory_space<hbm>>
      tpu.enqueue_dma source(%dma_start3A_26 : memref<128xi32, #tpu.memory_space<hbm>>) target(%arg12 : memref<128xi32, #tpu.memory_space<vmem>>) target_semaphore(%run_scoped3A : memref<!tpu.dma_semaphore, #tpu.memory_space<semaphore_mem>>)
      %dma_wait3A_27 = tpu.memref_slice %arg6[%mul3A_2] : memref<4096xi32, #tpu.memory_space<hbm>> -> memref<128xi32, #tpu.memory_space<hbm>>
      %dma_wait3A_28 = tpu.memref_slice %arg6[%mul3A_2] : memref<4096xi32, #tpu.memory_space<hbm>> -> memref<128xi32, #tpu.memory_space<hbm>>
      tpu.wait_dma2 semaphore(%run_scoped3A : memref<!tpu.dma_semaphore, #tpu.memory_space<semaphore_mem>>) src(%dma_wait3A_28 : memref<128xi32, #tpu.memory_space<hbm>>) dst(%arg12 : memref<128xi32, #tpu.memory_space<vmem>>)
      tpu.yield
    }) : () -> ()
    %dma_start3A = arith.constant 0 : i32
    %dma_start3A_3 = arith.constant 0 : i32
    %dma_start3A_4 = tpu.memref_slice %arg2[%dma_start3A, %dma_start3A_3] : memref<10000x128xf32, #tpu.memory_space<hbm>> -> memref<10000x128xf32, #tpu.memory_space<hbm>>
    tpu.enqueue_indirect_dma source(%dma_start3A_4 : memref<10000x128xf32, #tpu.memory_space<hbm>>) target(%arg13 : memref<128x128xf32, #tpu.memory_space<vmem>>) offsets(%arg12 : memref<128xi32, #tpu.memory_space<vmem>>) semaphore(%arg14 : memref<!tpu.dma_semaphore, #tpu.memory_space<semaphore_mem>>)
    %dma_wait3A = arith.constant 0 : i32
    %dma_wait3A_5 = arith.constant 0 : i32
    %dma_wait3A_6 = tpu.memref_slice %arg2[%dma_wait3A, %dma_wait3A_5] : memref<10000x128xf32, #tpu.memory_space<hbm>> -> memref<10000x128xf32, #tpu.memory_space<hbm>>
    tpu.wait_indirect_dma semaphore(%arg14 : memref<!tpu.dma_semaphore, #tpu.memory_space<semaphore_mem>>) src(%dma_wait3A_6 : memref<10000x128xf32, #tpu.memory_space<hbm>>) dst(%arg13 : memref<128x128xf32, #tpu.memory_space<vmem>>)
    "tpu.region"() ({
      %run_scoped3A = tpu.sem_alloc : memref<!tpu.dma_semaphore, #tpu.memory_space<semaphore_mem>>
      %dma_start3A_25 = arith.constant 0 : i32
      %dma_start3A_26 = tpu.memref_slice %arg8[%mul3A_2, %dma_start3A_25] : memref<4096x128xf32, #tpu.memory_space<hbm>> -> memref<128x128xf32, #tpu.memory_space<hbm>>
      %dma_start3A_27 = arith.constant 0 : i32
      %dma_start3A_28 = tpu.memref_slice %arg8[%mul3A_2, %dma_start3A_27] : memref<4096x128xf32, #tpu.memory_space<hbm>> -> memref<128x128xf32, #tpu.memory_space<hbm>>
      tpu.enqueue_dma source(%arg13 : memref<128x128xf32, #tpu.memory_space<vmem>>) target(%dma_start3A_28 : memref<128x128xf32, #tpu.memory_space<hbm>>) target_semaphore(%run_scoped3A : memref<!tpu.dma_semaphore, #tpu.memory_space<semaphore_mem>>)
      %dma_wait3A_29 = arith.constant 0 : i32
      %dma_wait3A_30 = tpu.memref_slice %arg8[%mul3A_2, %dma_wait3A_29] : memref<4096x128xf32, #tpu.memory_space<hbm>> -> memref<128x128xf32, #tpu.memory_space<hbm>>
      %dma_wait3A_31 = arith.constant 0 : i32
      %dma_wait3A_32 = tpu.memref_slice %arg8[%mul3A_2, %dma_wait3A_31] : memref<4096x128xf32, #tpu.memory_space<hbm>> -> memref<128x128xf32, #tpu.memory_space<hbm>>
      tpu.wait_dma2 semaphore(%run_scoped3A : memref<!tpu.dma_semaphore, #tpu.memory_space<semaphore_mem>>) src(%arg13 : memref<128x128xf32, #tpu.memory_space<vmem>>) dst(%dma_wait3A_32 : memref<128x128xf32, #tpu.memory_space<hbm>>)
      tpu.yield
    }) : () -> ()
    %dma_start3A_7 = arith.constant 0 : i32
    %dma_start3A_8 = arith.constant 0 : i32
    %dma_start3A_9 = tpu.memref_slice %arg3[%dma_start3A_7, %dma_start3A_8] : memref<10000x128xf32, #tpu.memory_space<hbm>> -> memref<10000x128xf32, #tpu.memory_space<hbm>>
    tpu.enqueue_indirect_dma source(%dma_start3A_9 : memref<10000x128xf32, #tpu.memory_space<hbm>>) target(%arg13 : memref<128x128xf32, #tpu.memory_space<vmem>>) offsets(%arg12 : memref<128xi32, #tpu.memory_space<vmem>>) semaphore(%arg14 : memref<!tpu.dma_semaphore, #tpu.memory_space<semaphore_mem>>)
    %dma_wait3A_10 = arith.constant 0 : i32
    %dma_wait3A_11 = arith.constant 0 : i32
    %dma_wait3A_12 = tpu.memref_slice %arg3[%dma_wait3A_10, %dma_wait3A_11] : memref<10000x128xf32, #tpu.memory_space<hbm>> -> memref<10000x128xf32, #tpu.memory_space<hbm>>
    tpu.wait_indirect_dma semaphore(%arg14 : memref<!tpu.dma_semaphore, #tpu.memory_space<semaphore_mem>>) src(%dma_wait3A_12 : memref<10000x128xf32, #tpu.memory_space<hbm>>) dst(%arg13 : memref<128x128xf32, #tpu.memory_space<vmem>>)
    "tpu.region"() ({
      %run_scoped3A = tpu.sem_alloc : memref<!tpu.dma_semaphore, #tpu.memory_space<semaphore_mem>>
      %dma_start3A_25 = arith.constant 0 : i32
      %dma_start3A_26 = tpu.memref_slice %arg9[%mul3A_2, %dma_start3A_25] : memref<4096x128xf32, #tpu.memory_space<hbm>> -> memref<128x128xf32, #tpu.memory_space<hbm>>
      %dma_start3A_27 = arith.constant 0 : i32
      %dma_start3A_28 = tpu.memref_slice %arg9[%mul3A_2, %dma_start3A_27] : memref<4096x128xf32, #tpu.memory_space<hbm>> -> memref<128x128xf32, #tpu.memory_space<hbm>>
      tpu.enqueue_dma source(%arg13 : memref<128x128xf32, #tpu.memory_space<vmem>>) target(%dma_start3A_28 : memref<128x128xf32, #tpu.memory_space<hbm>>) target_semaphore(%run_scoped3A : memref<!tpu.dma_semaphore, #tpu.memory_space<semaphore_mem>>)
      %dma_wait3A_29 = arith.constant 0 : i32
      %dma_wait3A_30 = tpu.memref_slice %arg9[%mul3A_2, %dma_wait3A_29] : memref<4096x128xf32, #tpu.memory_space<hbm>> -> memref<128x128xf32, #tpu.memory_space<hbm>>
      %dma_wait3A_31 = arith.constant 0 : i32
      %dma_wait3A_32 = tpu.memref_slice %arg9[%mul3A_2, %dma_wait3A_31] : memref<4096x128xf32, #tpu.memory_space<hbm>> -> memref<128x128xf32, #tpu.memory_space<hbm>>
      tpu.wait_dma2 semaphore(%run_scoped3A : memref<!tpu.dma_semaphore, #tpu.memory_space<semaphore_mem>>) src(%arg13 : memref<128x128xf32, #tpu.memory_space<vmem>>) dst(%dma_wait3A_32 : memref<128x128xf32, #tpu.memory_space<hbm>>)
      tpu.yield
    }) : () -> ()
    "tpu.region"() ({
      %run_scoped3A = tpu.sem_alloc : memref<!tpu.dma_semaphore, #tpu.memory_space<semaphore_mem>>
      %dma_start3A_25 = tpu.memref_slice %arg7[%mul3A_2] : memref<4096xi32, #tpu.memory_space<hbm>> -> memref<128xi32, #tpu.memory_space<hbm>>
      %dma_start3A_26 = tpu.memref_slice %arg7[%mul3A_2] : memref<4096xi32, #tpu.memory_space<hbm>> -> memref<128xi32, #tpu.memory_space<hbm>>
      tpu.enqueue_dma source(%dma_start3A_26 : memref<128xi32, #tpu.memory_space<hbm>>) target(%arg12 : memref<128xi32, #tpu.memory_space<vmem>>) target_semaphore(%run_scoped3A : memref<!tpu.dma_semaphore, #tpu.memory_space<semaphore_mem>>)
      %dma_wait3A_27 = tpu.memref_slice %arg7[%mul3A_2] : memref<4096xi32, #tpu.memory_space<hbm>> -> memref<128xi32, #tpu.memory_space<hbm>>
      %dma_wait3A_28 = tpu.memref_slice %arg7[%mul3A_2] : memref<4096xi32, #tpu.memory_space<hbm>> -> memref<128xi32, #tpu.memory_space<hbm>>
      tpu.wait_dma2 semaphore(%run_scoped3A : memref<!tpu.dma_semaphore, #tpu.memory_space<semaphore_mem>>) src(%dma_wait3A_28 : memref<128xi32, #tpu.memory_space<hbm>>) dst(%arg12 : memref<128xi32, #tpu.memory_space<vmem>>)
      tpu.yield
    }) : () -> ()
    %dma_start3A_13 = arith.constant 0 : i32
    %dma_start3A_14 = arith.constant 0 : i32
    %dma_start3A_15 = tpu.memref_slice %arg4[%dma_start3A_13, %dma_start3A_14] : memref<400x128xf32, #tpu.memory_space<hbm>> -> memref<400x128xf32, #tpu.memory_space<hbm>>
    tpu.enqueue_indirect_dma source(%dma_start3A_15 : memref<400x128xf32, #tpu.memory_space<hbm>>) target(%arg13 : memref<128x128xf32, #tpu.memory_space<vmem>>) offsets(%arg12 : memref<128xi32, #tpu.memory_space<vmem>>) semaphore(%arg14 : memref<!tpu.dma_semaphore, #tpu.memory_space<semaphore_mem>>)
    %dma_wait3A_16 = arith.constant 0 : i32
    %dma_wait3A_17 = arith.constant 0 : i32
    %dma_wait3A_18 = tpu.memref_slice %arg4[%dma_wait3A_16, %dma_wait3A_17] : memref<400x128xf32, #tpu.memory_space<hbm>> -> memref<400x128xf32, #tpu.memory_space<hbm>>
    tpu.wait_indirect_dma semaphore(%arg14 : memref<!tpu.dma_semaphore, #tpu.memory_space<semaphore_mem>>) src(%dma_wait3A_18 : memref<400x128xf32, #tpu.memory_space<hbm>>) dst(%arg13 : memref<128x128xf32, #tpu.memory_space<vmem>>)
    "tpu.region"() ({
      %run_scoped3A = tpu.sem_alloc : memref<!tpu.dma_semaphore, #tpu.memory_space<semaphore_mem>>
      %dma_start3A_25 = arith.constant 0 : i32
      %dma_start3A_26 = tpu.memref_slice %arg10[%mul3A_2, %dma_start3A_25] : memref<4096x128xf32, #tpu.memory_space<hbm>> -> memref<128x128xf32, #tpu.memory_space<hbm>>
      %dma_start3A_27 = arith.constant 0 : i32
      %dma_start3A_28 = tpu.memref_slice %arg10[%mul3A_2, %dma_start3A_27] : memref<4096x128xf32, #tpu.memory_space<hbm>> -> memref<128x128xf32, #tpu.memory_space<hbm>>
      tpu.enqueue_dma source(%arg13 : memref<128x128xf32, #tpu.memory_space<vmem>>) target(%dma_start3A_28 : memref<128x128xf32, #tpu.memory_space<hbm>>) target_semaphore(%run_scoped3A : memref<!tpu.dma_semaphore, #tpu.memory_space<semaphore_mem>>)
      %dma_wait3A_29 = arith.constant 0 : i32
      %dma_wait3A_30 = tpu.memref_slice %arg10[%mul3A_2, %dma_wait3A_29] : memref<4096x128xf32, #tpu.memory_space<hbm>> -> memref<128x128xf32, #tpu.memory_space<hbm>>
      %dma_wait3A_31 = arith.constant 0 : i32
      %dma_wait3A_32 = tpu.memref_slice %arg10[%mul3A_2, %dma_wait3A_31] : memref<4096x128xf32, #tpu.memory_space<hbm>> -> memref<128x128xf32, #tpu.memory_space<hbm>>
      tpu.wait_dma2 semaphore(%run_scoped3A : memref<!tpu.dma_semaphore, #tpu.memory_space<semaphore_mem>>) src(%arg13 : memref<128x128xf32, #tpu.memory_space<vmem>>) dst(%dma_wait3A_32 : memref<128x128xf32, #tpu.memory_space<hbm>>)
      tpu.yield
    }) : () -> ()
    %dma_start3A_19 = arith.constant 0 : i32
    %dma_start3A_20 = arith.constant 0 : i32
    %dma_start3A_21 = tpu.memref_slice %arg5[%dma_start3A_19, %dma_start3A_20] : memref<400x128xf32, #tpu.memory_space<hbm>> -> memref<400x128xf32, #tpu.memory_space<hbm>>
    tpu.enqueue_indirect_dma source(%dma_start3A_21 : memref<400x128xf32, #tpu.memory_space<hbm>>) target(%arg13 : memref<128x128xf32, #tpu.memory_space<vmem>>) offsets(%arg12 : memref<128xi32, #tpu.memory_space<vmem>>) semaphore(%arg14 : memref<!tpu.dma_semaphore, #tpu.memory_space<semaphore_mem>>)
    %dma_wait3A_22 = arith.constant 0 : i32
    %dma_wait3A_23 = arith.constant 0 : i32
    %dma_wait3A_24 = tpu.memref_slice %arg5[%dma_wait3A_22, %dma_wait3A_23] : memref<400x128xf32, #tpu.memory_space<hbm>> -> memref<400x128xf32, #tpu.memory_space<hbm>>
    tpu.wait_indirect_dma semaphore(%arg14 : memref<!tpu.dma_semaphore, #tpu.memory_space<semaphore_mem>>) src(%dma_wait3A_24 : memref<400x128xf32, #tpu.memory_space<hbm>>) dst(%arg13 : memref<128x128xf32, #tpu.memory_space<vmem>>)
    "tpu.region"() ({
      %run_scoped3A = tpu.sem_alloc : memref<!tpu.dma_semaphore, #tpu.memory_space<semaphore_mem>>
      %dma_start3A_25 = arith.constant 0 : i32
      %dma_start3A_26 = tpu.memref_slice %arg11[%mul3A_2, %dma_start3A_25] : memref<4096x128xf32, #tpu.memory_space<hbm>> -> memref<128x128xf32, #tpu.memory_space<hbm>>
      %dma_start3A_27 = arith.constant 0 : i32
      %dma_start3A_28 = tpu.memref_slice %arg11[%mul3A_2, %dma_start3A_27] : memref<4096x128xf32, #tpu.memory_space<hbm>> -> memref<128x128xf32, #tpu.memory_space<hbm>>
      tpu.enqueue_dma source(%arg13 : memref<128x128xf32, #tpu.memory_space<vmem>>) target(%dma_start3A_28 : memref<128x128xf32, #tpu.memory_space<hbm>>) target_semaphore(%run_scoped3A : memref<!tpu.dma_semaphore, #tpu.memory_space<semaphore_mem>>)
      %dma_wait3A_29 = arith.constant 0 : i32
      %dma_wait3A_30 = tpu.memref_slice %arg11[%mul3A_2, %dma_wait3A_29] : memref<4096x128xf32, #tpu.memory_space<hbm>> -> memref<128x128xf32, #tpu.memory_space<hbm>>
      %dma_wait3A_31 = arith.constant 0 : i32
      %dma_wait3A_32 = tpu.memref_slice %arg11[%mul3A_2, %dma_wait3A_31] : memref<4096x128xf32, #tpu.memory_space<hbm>> -> memref<128x128xf32, #tpu.memory_space<hbm>>
      tpu.wait_dma2 semaphore(%run_scoped3A : memref<!tpu.dma_semaphore, #tpu.memory_space<semaphore_mem>>) src(%arg13 : memref<128x128xf32, #tpu.memory_space<vmem>>) dst(%dma_wait3A_32 : memref<128x128xf32, #tpu.memory_space<hbm>>)
      tpu.yield
    }) : () -> ()
    return
  }
}

#map = affine_map<(d0, d1) -> (0, 0)>
module attributes {stable_mosaic.version = 14 : i64} {
  func.func @_edge_body(%arg0: i32, %arg1: i32, %arg2: memref<20000x128xf32, #tpu.memory_space<hbm>>, %arg3: memref<800x128xf32, #tpu.memory_space<hbm>>, %arg4: memref<15000x64xi32, #tpu.memory_space<hbm>>, %arg5: memref<20000x128xf32, #tpu.memory_space<hbm>>, %arg6: memref<3x64xi32, #tpu.memory_space<vmem>>, %arg7: memref<3x64xi32, #tpu.memory_space<vmem>>, %arg8: memref<64xi32, #tpu.memory_space<vmem>>, %arg9: memref<64xi32, #tpu.memory_space<vmem>>, %arg10: memref<64x128xf32, #tpu.memory_space<vmem>>, %arg11: memref<64x128xf32, #tpu.memory_space<vmem>>, %arg12: memref<64x128xf32, #tpu.memory_space<vmem>>, %arg13: memref<64x128xf32, #tpu.memory_space<vmem>>, %arg14: memref<64x128xf32, #tpu.memory_space<vmem>>, %arg15: memref<64x128xf32, #tpu.memory_space<vmem>>, %arg16: memref<10000x128xf32, #tpu.memory_space<vmem_shared>>, %arg17: memref<!tpu.dma_semaphore, #tpu.memory_space<semaphore_mem>>, %arg18: memref<!tpu.dma_semaphore, #tpu.memory_space<semaphore_mem>>, %arg19: memref<!tpu.dma_semaphore, #tpu.memory_space<semaphore_mem>>, %arg20: memref<!tpu.dma_semaphore, #tpu.memory_space<semaphore_mem>>, %arg21: memref<!tpu.dma_semaphore, #tpu.memory_space<semaphore_mem>>, %arg22: memref<!tpu.dma_semaphore, #tpu.memory_space<semaphore_mem>>) attributes {dimension_semantics = [#tpu.dimension_semantics<core_parallel>, #tpu.dimension_semantics<subcore_parallel>], iteration_bounds = array<i64: 2, 16>, scalar_prefetch = 0 : i64, scratch_operands = 17 : i64, tpu.core_type = #tpu.core_type<sc_vector_subcore>, window_params = [{transform_indices = #map}, {transform_indices = #map}, {transform_indices = #map}, {transform_indices = #map}]} {
    %broadcast_in_dim3A = arith.constant 0.000000e+00 : f32
    %broadcast_in_dim3A_0 = vector.broadcast %broadcast_in_dim3A : f32 to vector<16xf32>
    %scan3A = arith.constant 0 : i32
    %scan3A_1 = arith.constant 0 : i32
    %scan3A_2 = arith.constant 40 : i32
    %scan3A_3 = arith.addi %scan3A_1, %scan3A_2 : i32
    %scan3A_4 = arith.constant 1 : i32
    scf.for %scan3A_161 = %scan3A_1 to %scan3A_3 step %scan3A_4  : i32 {
      %swap3A = arith.index_cast %scan3A_161 : i32 to index
      %swap3A_162 = arith.constant 0 : index
      %swap3A_163 = tpu.vector_load %arg14[%swap3A, %swap3A_162] {strides = array<i32>} : memref<64x128xf32, #tpu.memory_space<vmem>>, vector<1x16xf32>,
      %swap3A_164 = vector.shape_cast %swap3A_163 : vector<1x16xf32> to vector<16xf32>
      %swap3A_165 = vector.shape_cast %broadcast_in_dim3A_0 : vector<16xf32> to vector<1x16xf32>
      tpu.vector_store %arg14[%swap3A, %swap3A_162], %swap3A_165 {strides = array<i32>} : memref<64x128xf32, #tpu.memory_space<vmem>>, vector<1x16xf32>,
      %swap3A_166 = arith.index_cast %scan3A_161 : i32 to index
      %swap3A_167 = arith.constant 16 : index
      %swap3A_168 = tpu.vector_load %arg14[%swap3A_166, %swap3A_167] {strides = array<i32>} : memref<64x128xf32, #tpu.memory_space<vmem>>, vector<1x16xf32>,
      %swap3A_169 = vector.shape_cast %swap3A_168 : vector<1x16xf32> to vector<16xf32>
      %swap3A_170 = vector.shape_cast %broadcast_in_dim3A_0 : vector<16xf32> to vector<1x16xf32>
      tpu.vector_store %arg14[%swap3A_166, %swap3A_167], %swap3A_170 {strides = array<i32>} : memref<64x128xf32, #tpu.memory_space<vmem>>, vector<1x16xf32>,
      %swap3A_171 = arith.index_cast %scan3A_161 : i32 to index
      %swap3A_172 = arith.constant 32 : index
      %swap3A_173 = tpu.vector_load %arg14[%swap3A_171, %swap3A_172] {strides = array<i32>} : memref<64x128xf32, #tpu.memory_space<vmem>>, vector<1x16xf32>,
      %swap3A_174 = vector.shape_cast %swap3A_173 : vector<1x16xf32> to vector<16xf32>
      %swap3A_175 = vector.shape_cast %broadcast_in_dim3A_0 : vector<16xf32> to vector<1x16xf32>
      tpu.vector_store %arg14[%swap3A_171, %swap3A_172], %swap3A_175 {strides = array<i32>} : memref<64x128xf32, #tpu.memory_space<vmem>>, vector<1x16xf32>,
      %swap3A_176 = arith.index_cast %scan3A_161 : i32 to index
      %swap3A_177 = arith.constant 48 : index
      %swap3A_178 = tpu.vector_load %arg14[%swap3A_176, %swap3A_177] {strides = array<i32>} : memref<64x128xf32, #tpu.memory_space<vmem>>, vector<1x16xf32>,
      %swap3A_179 = vector.shape_cast %swap3A_178 : vector<1x16xf32> to vector<16xf32>
      %swap3A_180 = vector.shape_cast %broadcast_in_dim3A_0 : vector<16xf32> to vector<1x16xf32>
      tpu.vector_store %arg14[%swap3A_176, %swap3A_177], %swap3A_180 {strides = array<i32>} : memref<64x128xf32, #tpu.memory_space<vmem>>, vector<1x16xf32>,
      %swap3A_181 = arith.index_cast %scan3A_161 : i32 to index
      %swap3A_182 = arith.constant 64 : index
      %swap3A_183 = tpu.vector_load %arg14[%swap3A_181, %swap3A_182] {strides = array<i32>} : memref<64x128xf32, #tpu.memory_space<vmem>>, vector<1x16xf32>,
      %swap3A_184 = vector.shape_cast %swap3A_183 : vector<1x16xf32> to vector<16xf32>
      %swap3A_185 = vector.shape_cast %broadcast_in_dim3A_0 : vector<16xf32> to vector<1x16xf32>
      tpu.vector_store %arg14[%swap3A_181, %swap3A_182], %swap3A_185 {strides = array<i32>} : memref<64x128xf32, #tpu.memory_space<vmem>>, vector<1x16xf32>,
      %swap3A_186 = arith.index_cast %scan3A_161 : i32 to index
      %swap3A_187 = arith.constant 80 : index
      %swap3A_188 = tpu.vector_load %arg14[%swap3A_186, %swap3A_187] {strides = array<i32>} : memref<64x128xf32, #tpu.memory_space<vmem>>, vector<1x16xf32>,
      %swap3A_189 = vector.shape_cast %swap3A_188 : vector<1x16xf32> to vector<16xf32>
      %swap3A_190 = vector.shape_cast %broadcast_in_dim3A_0 : vector<16xf32> to vector<1x16xf32>
      tpu.vector_store %arg14[%swap3A_186, %swap3A_187], %swap3A_190 {strides = array<i32>} : memref<64x128xf32, #tpu.memory_space<vmem>>, vector<1x16xf32>,
      %swap3A_191 = arith.index_cast %scan3A_161 : i32 to index
      %swap3A_192 = arith.constant 96 : index
      %swap3A_193 = tpu.vector_load %arg14[%swap3A_191, %swap3A_192] {strides = array<i32>} : memref<64x128xf32, #tpu.memory_space<vmem>>, vector<1x16xf32>,
      %swap3A_194 = vector.shape_cast %swap3A_193 : vector<1x16xf32> to vector<16xf32>
      %swap3A_195 = vector.shape_cast %broadcast_in_dim3A_0 : vector<16xf32> to vector<1x16xf32>
      tpu.vector_store %arg14[%swap3A_191, %swap3A_192], %swap3A_195 {strides = array<i32>} : memref<64x128xf32, #tpu.memory_space<vmem>>, vector<1x16xf32>,
      %swap3A_196 = arith.index_cast %scan3A_161 : i32 to index
      %swap3A_197 = arith.constant 112 : index
      %swap3A_198 = tpu.vector_load %arg14[%swap3A_196, %swap3A_197] {strides = array<i32>} : memref<64x128xf32, #tpu.memory_space<vmem>>, vector<1x16xf32>,
      %swap3A_199 = vector.shape_cast %swap3A_198 : vector<1x16xf32> to vector<16xf32>
      %swap3A_200 = vector.shape_cast %broadcast_in_dim3A_0 : vector<16xf32> to vector<1x16xf32>
      tpu.vector_store %arg14[%swap3A_196, %swap3A_197], %swap3A_200 {strides = array<i32>} : memref<64x128xf32, #tpu.memory_space<vmem>>, vector<1x16xf32>,
    }
    %scan3A_5 = arith.constant 40 : i32
    %mul3A = arith.constant 640 : i32
    %mul3A_6 = arith.muli %arg1, %mul3A : i32
    %eq3A = arith.constant 15 : i32
    %eq3A_7 = arith.cmpi eq, %arg1, %eq3A : i32
    %jit3A = arith.constant 10 : i32
    %jit3A_8 = arith.constant 16 : i32
    %select_n3A = arith.select %eq3A_7, %jit3A, %jit3A_8 : i32
    %while3A = arith.constant 0 : i32
    %while3A_9 = arith.constant 0 : i32
    %while3A_10 = arith.subi %select_n3A, %while3A_9 : i32
    %while3A_11 = arith.addi %while3A_9, %while3A_10 : i32
    %while3A_12 = arith.constant 1 : i32
    %while3A_13 = arith.divsi %while3A_10, %while3A_12 : i32
    %while3A_14 = arith.muli %while3A_13, %while3A_12 : i32
    %while3A_15 = arith.addi %while3A_9, %while3A_14 : i32
    %while3A_16 = arith.constant 1 : i32
    scf.for %while3A_161 = %while3A_9 to %while3A_15 step %while3A_16  : i32 {
      %mul3A_162 = arith.constant 40 : i32
      %mul3A_163 = arith.muli %while3A_161, %mul3A_162 : i32
      %add3A_164 = arith.addi %mul3A_6, %mul3A_163 : i32
      "tpu.region"() ({
        %run_scoped3A = tpu.sem_alloc : memref<!tpu.dma_semaphore, #tpu.memory_space<semaphore_mem>>
        %dma_start3A_165 = arith.constant 0 : i32
        %dma_start3A_166 = arith.constant 0 : i32
        %dma_start3A_167 = tpu.memref_slice %arg14[%dma_start3A_165, %dma_start3A_166] : memref<64x128xf32, #tpu.memory_space<vmem>> -> memref<40x128xf32, #tpu.memory_space<vmem>>
        %dma_start3A_168 = arith.constant 0 : i32
        %dma_start3A_169 = tpu.memref_slice %arg16[%add3A_164, %dma_start3A_168] : memref<10000x128xf32, #tpu.memory_space<vmem_shared>> -> memref<40x128xf32, #tpu.memory_space<vmem_shared>>
        %dma_start3A_170 = arith.constant 0 : i32
        %dma_start3A_171 = tpu.memref_slice %arg16[%add3A_164, %dma_start3A_170] : memref<10000x128xf32, #tpu.memory_space<vmem_shared>> -> memref<40x128xf32, #tpu.memory_space<vmem_shared>>
        %dma_start3A_172 = arith.constant 0 : i32
        %dma_start3A_173 = arith.constant 0 : i32
        %dma_start3A_174 = tpu.memref_slice %arg14[%dma_start3A_172, %dma_start3A_173] : memref<64x128xf32, #tpu.memory_space<vmem>> -> memref<40x128xf32, #tpu.memory_space<vmem>>
        tpu.enqueue_dma source(%dma_start3A_174 : memref<40x128xf32, #tpu.memory_space<vmem>>) target(%dma_start3A_171 : memref<40x128xf32, #tpu.memory_space<vmem_shared>>) target_semaphore(%run_scoped3A : memref<!tpu.dma_semaphore, #tpu.memory_space<semaphore_mem>>)
        %dma_wait3A_175 = arith.constant 0 : i32
        %dma_wait3A_176 = arith.constant 0 : i32
        %dma_wait3A_177 = tpu.memref_slice %arg14[%dma_wait3A_175, %dma_wait3A_176] : memref<64x128xf32, #tpu.memory_space<vmem>> -> memref<40x128xf32, #tpu.memory_space<vmem>>
        %dma_wait3A_178 = arith.constant 0 : i32
        %dma_wait3A_179 = tpu.memref_slice %arg16[%add3A_164, %dma_wait3A_178] : memref<10000x128xf32, #tpu.memory_space<vmem_shared>> -> memref<40x128xf32, #tpu.memory_space<vmem_shared>>
        %dma_wait3A_180 = arith.constant 0 : i32
        %dma_wait3A_181 = tpu.memref_slice %arg16[%add3A_164, %dma_wait3A_180] : memref<10000x128xf32, #tpu.memory_space<vmem_shared>> -> memref<40x128xf32, #tpu.memory_space<vmem_shared>>
        %dma_wait3A_182 = arith.constant 0 : i32
        %dma_wait3A_183 = arith.constant 0 : i32
        %dma_wait3A_184 = tpu.memref_slice %arg14[%dma_wait3A_182, %dma_wait3A_183] : memref<64x128xf32, #tpu.memory_space<vmem>> -> memref<40x128xf32, #tpu.memory_space<vmem>>
        tpu.wait_dma2 semaphore(%run_scoped3A : memref<!tpu.dma_semaphore, #tpu.memory_space<semaphore_mem>>) src(%dma_wait3A_184 : memref<40x128xf32, #tpu.memory_space<vmem>>) dst(%dma_wait3A_181 : memref<40x128xf32, #tpu.memory_space<vmem_shared>>)
        tpu.yield
      }) : () -> ()
    }
    %while3A_17 = arith.constant 1 : i32
    scf.for %while3A_161 = %while3A_15 to %while3A_11 step %while3A_17  : i32 {
      %mul3A_162 = arith.constant 40 : i32
      %mul3A_163 = arith.muli %while3A_161, %mul3A_162 : i32
      %add3A_164 = arith.addi %mul3A_6, %mul3A_163 : i32
      "tpu.region"() ({
        %run_scoped3A = tpu.sem_alloc : memref<!tpu.dma_semaphore, #tpu.memory_space<semaphore_mem>>
        %dma_start3A_165 = arith.constant 0 : i32
        %dma_start3A_166 = arith.constant 0 : i32
        %dma_start3A_167 = tpu.memref_slice %arg14[%dma_start3A_165, %dma_start3A_166] : memref<64x128xf32, #tpu.memory_space<vmem>> -> memref<40x128xf32, #tpu.memory_space<vmem>>
        %dma_start3A_168 = arith.constant 0 : i32
        %dma_start3A_169 = tpu.memref_slice %arg16[%add3A_164, %dma_start3A_168] : memref<10000x128xf32, #tpu.memory_space<vmem_shared>> -> memref<40x128xf32, #tpu.memory_space<vmem_shared>>
        %dma_start3A_170 = arith.constant 0 : i32
        %dma_start3A_171 = tpu.memref_slice %arg16[%add3A_164, %dma_start3A_170] : memref<10000x128xf32, #tpu.memory_space<vmem_shared>> -> memref<40x128xf32, #tpu.memory_space<vmem_shared>>
        %dma_start3A_172 = arith.constant 0 : i32
        %dma_start3A_173 = arith.constant 0 : i32
        %dma_start3A_174 = tpu.memref_slice %arg14[%dma_start3A_172, %dma_start3A_173] : memref<64x128xf32, #tpu.memory_space<vmem>> -> memref<40x128xf32, #tpu.memory_space<vmem>>
        tpu.enqueue_dma source(%dma_start3A_174 : memref<40x128xf32, #tpu.memory_space<vmem>>) target(%dma_start3A_171 : memref<40x128xf32, #tpu.memory_space<vmem_shared>>) target_semaphore(%run_scoped3A : memref<!tpu.dma_semaphore, #tpu.memory_space<semaphore_mem>>)
        %dma_wait3A_175 = arith.constant 0 : i32
        %dma_wait3A_176 = arith.constant 0 : i32
        %dma_wait3A_177 = tpu.memref_slice %arg14[%dma_wait3A_175, %dma_wait3A_176] : memref<64x128xf32, #tpu.memory_space<vmem>> -> memref<40x128xf32, #tpu.memory_space<vmem>>
        %dma_wait3A_178 = arith.constant 0 : i32
        %dma_wait3A_179 = tpu.memref_slice %arg16[%add3A_164, %dma_wait3A_178] : memref<10000x128xf32, #tpu.memory_space<vmem_shared>> -> memref<40x128xf32, #tpu.memory_space<vmem_shared>>
        %dma_wait3A_180 = arith.constant 0 : i32
        %dma_wait3A_181 = tpu.memref_slice %arg16[%add3A_164, %dma_wait3A_180] : memref<10000x128xf32, #tpu.memory_space<vmem_shared>> -> memref<40x128xf32, #tpu.memory_space<vmem_shared>>
        %dma_wait3A_182 = arith.constant 0 : i32
        %dma_wait3A_183 = arith.constant 0 : i32
        %dma_wait3A_184 = tpu.memref_slice %arg14[%dma_wait3A_182, %dma_wait3A_183] : memref<64x128xf32, #tpu.memory_space<vmem>> -> memref<40x128xf32, #tpu.memory_space<vmem>>
        tpu.wait_dma2 semaphore(%run_scoped3A : memref<!tpu.dma_semaphore, #tpu.memory_space<semaphore_mem>>) src(%dma_wait3A_184 : memref<40x128xf32, #tpu.memory_space<vmem>>) dst(%dma_wait3A_181 : memref<40x128xf32, #tpu.memory_space<vmem_shared>>)
        tpu.yield
      }) : () -> ()
    }
    %barrier3A = arith.constant 0 : index
    tpu.barrier barrier_id(%barrier3A)
    %mul3A_18 = arith.constant 10000 : i32
    %mul3A_19 = arith.muli %arg0, %mul3A_18 : i32
    %mul3A_20 = arith.constant 400 : i32
    %mul3A_21 = arith.muli %arg0, %mul3A_20 : i32
    %lt3A = arith.constant 8 : i32
    %lt3A_22 = arith.cmpi slt, %arg1, %lt3A : i32
    %jit3A_23 = arith.constant 313 : i32
    %jit3A_24 = arith.constant 312 : i32
    %select_n3A_25 = arith.select %lt3A_22, %jit3A_23, %jit3A_24 : i32
    %sub3A = arith.constant 1 : i32
    %sub3A_26 = arith.subi %select_n3A_25, %sub3A : i32
    %min3A = arith.constant 0 : i32
    %min3A_27 = arith.minsi %min3A, %sub3A_26 : i32
    %mul3A_28 = arith.constant 16 : i32
    %mul3A_29 = arith.muli %min3A_27, %mul3A_28 : i32
    %add3A = arith.addi %mul3A_29, %arg1 : i32
    %mul3A_30 = arith.constant 3 : i32
    %mul3A_31 = arith.muli %add3A, %mul3A_30 : i32
    %dma_start3A = arith.constant 0 : i32
    %dma_start3A_32 = tpu.memref_slice %arg4[%mul3A_31, %dma_start3A] : memref<15000x64xi32, #tpu.memory_space<hbm>> -> memref<3x64xi32, #tpu.memory_space<hbm>>
    %dma_start3A_33 = arith.constant 0 : i32
    %dma_start3A_34 = tpu.memref_slice %arg4[%mul3A_31, %dma_start3A_33] : memref<15000x64xi32, #tpu.memory_space<hbm>> -> memref<3x64xi32, #tpu.memory_space<hbm>>
    tpu.enqueue_dma source(%dma_start3A_34 : memref<3x64xi32, #tpu.memory_space<hbm>>) target(%arg6 : memref<3x64xi32, #tpu.memory_space<vmem>>) target_semaphore(%arg21 : memref<!tpu.dma_semaphore, #tpu.memory_space<semaphore_mem>>)
    %sub3A_35 = arith.constant 1 : i32
    %sub3A_36 = arith.subi %select_n3A_25, %sub3A_35 : i32
    %min3A_37 = arith.constant 1 : i32
    %min3A_38 = arith.minsi %min3A_37, %sub3A_36 : i32
    %mul3A_39 = arith.constant 16 : i32
    %mul3A_40 = arith.muli %min3A_38, %mul3A_39 : i32
    %add3A_41 = arith.addi %mul3A_40, %arg1 : i32
    %mul3A_42 = arith.constant 3 : i32
    %mul3A_43 = arith.muli %add3A_41, %mul3A_42 : i32
    %dma_start3A_44 = arith.constant 0 : i32
    %dma_start3A_45 = tpu.memref_slice %arg4[%mul3A_43, %dma_start3A_44] : memref<15000x64xi32, #tpu.memory_space<hbm>> -> memref<3x64xi32, #tpu.memory_space<hbm>>
    %dma_start3A_46 = arith.constant 0 : i32
    %dma_start3A_47 = tpu.memref_slice %arg4[%mul3A_43, %dma_start3A_46] : memref<15000x64xi32, #tpu.memory_space<hbm>> -> memref<3x64xi32, #tpu.memory_space<hbm>>
    tpu.enqueue_dma source(%dma_start3A_47 : memref<3x64xi32, #tpu.memory_space<hbm>>) target(%arg7 : memref<3x64xi32, #tpu.memory_space<vmem>>) target_semaphore(%arg22 : memref<!tpu.dma_semaphore, #tpu.memory_space<semaphore_mem>>)
    %dma_wait3A = arith.constant 0 : i32
    %dma_wait3A_48 = arith.constant 0 : i32
    %dma_wait3A_49 = tpu.memref_slice %arg4[%dma_wait3A, %dma_wait3A_48] : memref<15000x64xi32, #tpu.memory_space<hbm>> -> memref<3x64xi32, #tpu.memory_space<hbm>>
    %dma_wait3A_50 = arith.constant 0 : i32
    %dma_wait3A_51 = arith.constant 0 : i32
    %dma_wait3A_52 = tpu.memref_slice %arg4[%dma_wait3A_50, %dma_wait3A_51] : memref<15000x64xi32, #tpu.memory_space<hbm>> -> memref<3x64xi32, #tpu.memory_space<hbm>>
    tpu.wait_dma2 semaphore(%arg21 : memref<!tpu.dma_semaphore, #tpu.memory_space<semaphore_mem>>) src(%dma_wait3A_52 : memref<3x64xi32, #tpu.memory_space<hbm>>) dst(%arg6 : memref<3x64xi32, #tpu.memory_space<vmem>>)
    %scan3A_53 = arith.constant 0 : i32
    %scan3A_54 = arith.constant 0 : i32
    %scan3A_55 = arith.constant 4 : i32
    %scan3A_56 = arith.addi %scan3A_54, %scan3A_55 : i32
    %scan3A_57 = arith.constant 1 : i32
    scf.for %scan3A_161 = %scan3A_54 to %scan3A_56 step %scan3A_57  : i32 {
      %mul3A_162 = arith.constant 16 : i32
      %mul3A_163 = arith.muli %scan3A_161, %mul3A_162 : i32
      %get3A = arith.constant 0 : i32
      %get3A_164 = arith.index_cast %get3A : i32 to index
      %get3A_165 = arith.index_cast %mul3A_163 : i32 to index
      %get3A_166 = tpu.vector_load %arg6[%get3A_164, %get3A_165] {strides = array<i32>} : memref<3x64xi32, #tpu.memory_space<vmem>>, vector<1x16xi32>,
      %get3A_167 = vector.shape_cast %get3A_166 : vector<1x16xi32> to vector<16xi32>
      %add3A_168 = vector.broadcast %mul3A_19 : i32 to vector<16xi32>
      %add3A_169 = arith.addi %get3A_167, %add3A_168 : vector<16xi32>
      %swap3A = arith.constant 0 : i32
      %swap3A_170 = arith.index_cast %swap3A : i32 to index
      %swap3A_171 = arith.index_cast %mul3A_163 : i32 to index
      %swap3A_172 = tpu.vector_load %arg6[%swap3A_170, %swap3A_171] {strides = array<i32>} : memref<3x64xi32, #tpu.memory_space<vmem>>, vector<1x16xi32>,
      %swap3A_173 = vector.shape_cast %swap3A_172 : vector<1x16xi32> to vector<16xi32>
      %swap3A_174 = vector.shape_cast %add3A_169 : vector<16xi32> to vector<1x16xi32>
      tpu.vector_store %arg6[%swap3A_170, %swap3A_171], %swap3A_174 {strides = array<i32>} : memref<3x64xi32, #tpu.memory_space<vmem>>, vector<1x16xi32>,
      %get3A_175 = arith.constant 2 : i32
      %get3A_176 = arith.index_cast %get3A_175 : i32 to index
      %get3A_177 = arith.index_cast %mul3A_163 : i32 to index
      %get3A_178 = tpu.vector_load %arg6[%get3A_176, %get3A_177] {strides = array<i32>} : memref<3x64xi32, #tpu.memory_space<vmem>>, vector<1x16xi32>,
      %get3A_179 = vector.shape_cast %get3A_178 : vector<1x16xi32> to vector<16xi32>
      %add3A_180 = vector.broadcast %mul3A_21 : i32 to vector<16xi32>
      %add3A_181 = arith.addi %get3A_179, %add3A_180 : vector<16xi32>
      %swap3A_182 = arith.constant 2 : i32
      %swap3A_183 = arith.index_cast %swap3A_182 : i32 to index
      %swap3A_184 = arith.index_cast %mul3A_163 : i32 to index
      %swap3A_185 = tpu.vector_load %arg6[%swap3A_183, %swap3A_184] {strides = array<i32>} : memref<3x64xi32, #tpu.memory_space<vmem>>, vector<1x16xi32>,
      %swap3A_186 = vector.shape_cast %swap3A_185 : vector<1x16xi32> to vector<16xi32>
      %swap3A_187 = vector.shape_cast %add3A_181 : vector<16xi32> to vector<1x16xi32>
      tpu.vector_store %arg6[%swap3A_183, %swap3A_184], %swap3A_187 {strides = array<i32>} : memref<3x64xi32, #tpu.memory_space<vmem>>, vector<1x16xi32>,
    }
    %scan3A_58 = arith.constant 4 : i32
    %dma_start3A_59 = arith.constant 0 : i32
    %dma_start3A_60 = arith.constant 0 : i32
    %dma_start3A_61 = tpu.memref_slice %arg6[%dma_start3A_59, %dma_start3A_60] : memref<3x64xi32, #tpu.memory_space<vmem>> -> memref<1x64xi32, #tpu.memory_space<vmem>>
    %dma_start3A_62 = tpu.memref_squeeze %dma_start3A_61 : memref<1x64xi32, #tpu.memory_space<vmem>> -> memref<64xi32, #tpu.memory_space<vmem>>
    %dma_start3A_63 = arith.constant 0 : i32
    %dma_start3A_64 = arith.constant 0 : i32
    %dma_start3A_65 = tpu.memref_slice %arg2[%dma_start3A_63, %dma_start3A_64] : memref<20000x128xf32, #tpu.memory_space<hbm>> -> memref<20000x128xf32, #tpu.memory_space<hbm>>
    tpu.enqueue_indirect_dma source(%dma_start3A_65 : memref<20000x128xf32, #tpu.memory_space<hbm>>) target(%arg10 : memref<64x128xf32, #tpu.memory_space<vmem>>) offsets(%dma_start3A_62 : memref<64xi32, #tpu.memory_space<vmem>>) semaphore(%arg17 : memref<!tpu.dma_semaphore, #tpu.memory_space<semaphore_mem>>)
    %dma_start3A_66 = arith.constant 2 : i32
    %dma_start3A_67 = arith.constant 0 : i32
    %dma_start3A_68 = tpu.memref_slice %arg6[%dma_start3A_66, %dma_start3A_67] : memref<3x64xi32, #tpu.memory_space<vmem>> -> memref<1x64xi32, #tpu.memory_space<vmem>>
    %dma_start3A_69 = tpu.memref_squeeze %dma_start3A_68 : memref<1x64xi32, #tpu.memory_space<vmem>> -> memref<64xi32, #tpu.memory_space<vmem>>
    %dma_start3A_70 = arith.constant 0 : i32
    %dma_start3A_71 = arith.constant 0 : i32
    %dma_start3A_72 = tpu.memref_slice %arg3[%dma_start3A_70, %dma_start3A_71] : memref<800x128xf32, #tpu.memory_space<hbm>> -> memref<800x128xf32, #tpu.memory_space<hbm>>
    tpu.enqueue_indirect_dma source(%dma_start3A_72 : memref<800x128xf32, #tpu.memory_space<hbm>>) target(%arg11 : memref<64x128xf32, #tpu.memory_space<vmem>>) offsets(%dma_start3A_69 : memref<64xi32, #tpu.memory_space<vmem>>) semaphore(%arg17 : memref<!tpu.dma_semaphore, #tpu.memory_space<semaphore_mem>>)
    %add3A_73 = arith.constant 1 : i32
    %add3A_74 = arith.addi %select_n3A_25, %add3A_73 : i32
    %jit3A_75 = arith.constant 2 : i32
    %div3A = arith.divsi %add3A_74, %jit3A_75 : i32
    %sign3A = arith.constant 0 : i32
    %sign3A_76 = arith.cmpi sgt, %add3A_74, %sign3A : i32
    %sign3A_77 = arith.extui %sign3A_76 : i1 to i32
    %sign3A_78 = arith.constant 0 : i32
    %sign3A_79 = arith.cmpi slt, %add3A_74, %sign3A_78 : i32
    %sign3A_80 = arith.extui %sign3A_79 : i1 to i32
    %sign3A_81 = arith.subi %sign3A_77, %sign3A_80 : i32
    %sign3A_82 = arith.constant 0 : i32
    %sign3A_83 = arith.cmpi sgt, %jit3A_75, %sign3A_82 : i32
    %sign3A_84 = arith.extui %sign3A_83 : i1 to i32
    %sign3A_85 = arith.constant 0 : i32
    %sign3A_86 = arith.cmpi slt, %jit3A_75, %sign3A_85 : i32
    %sign3A_87 = arith.extui %sign3A_86 : i1 to i32
    %sign3A_88 = arith.subi %sign3A_84, %sign3A_87 : i32
    %ne3A = arith.cmpi ne, %sign3A_81, %sign3A_88 : i32
    %rem3A = arith.remsi %add3A_74, %jit3A_75 : i32
    %ne3A_89 = arith.constant 0 : i32
    %ne3A_90 = arith.cmpi ne, %rem3A, %ne3A_89 : i32
    %and3A = arith.andi %ne3A, %ne3A_90 : i1
    %sub3A_91 = arith.constant 1 : i32
    %sub3A_92 = arith.subi %div3A, %sub3A_91 : i32
    %select_n3A_93 = arith.select %and3A, %sub3A_92, %div3A : i32
    %while3A_94 = arith.constant 0 : i32
    %while3A_95 = arith.constant 0 : i32
    %while3A_96 = arith.subi %select_n3A_93, %while3A_95 : i32
    %while3A_97 = arith.addi %while3A_95, %while3A_96 : i32
    %while3A_98 = arith.constant 1 : i32
    %while3A_99 = arith.divsi %while3A_96, %while3A_98 : i32
    %while3A_100 = arith.muli %while3A_99, %while3A_98 : i32
    %while3A_101 = arith.addi %while3A_95, %while3A_100 : i32
    %while3A_102 = arith.constant 1 : i32
    scf.for %while3A_161 = %while3A_95 to %while3A_101 step %while3A_102  : i32 {
      %mul3A_162 = arith.constant 2 : i32
      %mul3A_163 = arith.muli %mul3A_162, %while3A_161 : i32
      %dma_wait3A_164 = arith.constant 0 : i32
      %dma_wait3A_165 = arith.constant 0 : i32
      %dma_wait3A_166 = tpu.memref_slice %arg4[%dma_wait3A_164, %dma_wait3A_165] : memref<15000x64xi32, #tpu.memory_space<hbm>> -> memref<3x64xi32, #tpu.memory_space<hbm>>
      %dma_wait3A_167 = arith.constant 0 : i32
      %dma_wait3A_168 = arith.constant 0 : i32
      %dma_wait3A_169 = tpu.memref_slice %arg4[%dma_wait3A_167, %dma_wait3A_168] : memref<15000x64xi32, #tpu.memory_space<hbm>> -> memref<3x64xi32, #tpu.memory_space<hbm>>
      tpu.wait_dma2 semaphore(%arg22 : memref<!tpu.dma_semaphore, #tpu.memory_space<semaphore_mem>>) src(%dma_wait3A_169 : memref<3x64xi32, #tpu.memory_space<hbm>>) dst(%arg7 : memref<3x64xi32, #tpu.memory_space<vmem>>)
      %scan3A_170 = arith.constant 0 : i32
      %scan3A_171 = arith.constant 0 : i32
      %scan3A_172 = arith.constant 4 : i32
      %scan3A_173 = arith.addi %scan3A_171, %scan3A_172 : i32
      %scan3A_174 = arith.constant 1 : i32
      scf.for %scan3A_243 = %scan3A_171 to %scan3A_173 step %scan3A_174  : i32 {
        %mul3A_244 = arith.constant 16 : i32
        %mul3A_245 = arith.muli %scan3A_243, %mul3A_244 : i32
        %get3A = arith.constant 0 : i32
        %get3A_246 = arith.index_cast %get3A : i32 to index
        %get3A_247 = arith.index_cast %mul3A_245 : i32 to index
        %get3A_248 = tpu.vector_load %arg7[%get3A_246, %get3A_247] {strides = array<i32>} : memref<3x64xi32, #tpu.memory_space<vmem>>, vector<1x16xi32>,
        %get3A_249 = vector.shape_cast %get3A_248 : vector<1x16xi32> to vector<16xi32>
        %add3A_250 = vector.broadcast %mul3A_19 : i32 to vector<16xi32>
        %add3A_251 = arith.addi %get3A_249, %add3A_250 : vector<16xi32>
        %swap3A = arith.constant 0 : i32
        %swap3A_252 = arith.index_cast %swap3A : i32 to index
        %swap3A_253 = arith.index_cast %mul3A_245 : i32 to index
        %swap3A_254 = tpu.vector_load %arg7[%swap3A_252, %swap3A_253] {strides = array<i32>} : memref<3x64xi32, #tpu.memory_space<vmem>>, vector<1x16xi32>,
        %swap3A_255 = vector.shape_cast %swap3A_254 : vector<1x16xi32> to vector<16xi32>
        %swap3A_256 = vector.shape_cast %add3A_251 : vector<16xi32> to vector<1x16xi32>
        tpu.vector_store %arg7[%swap3A_252, %swap3A_253], %swap3A_256 {strides = array<i32>} : memref<3x64xi32, #tpu.memory_space<vmem>>, vector<1x16xi32>,
        %get3A_257 = arith.constant 2 : i32
        %get3A_258 = arith.index_cast %get3A_257 : i32 to index
        %get3A_259 = arith.index_cast %mul3A_245 : i32 to index
        %get3A_260 = tpu.vector_load %arg7[%get3A_258, %get3A_259] {strides = array<i32>} : memref<3x64xi32, #tpu.memory_space<vmem>>, vector<1x16xi32>,
        %get3A_261 = vector.shape_cast %get3A_260 : vector<1x16xi32> to vector<16xi32>
        %add3A_262 = vector.broadcast %mul3A_21 : i32 to vector<16xi32>
        %add3A_263 = arith.addi %get3A_261, %add3A_262 : vector<16xi32>
        %swap3A_264 = arith.constant 2 : i32
        %swap3A_265 = arith.index_cast %swap3A_264 : i32 to index
        %swap3A_266 = arith.index_cast %mul3A_245 : i32 to index
        %swap3A_267 = tpu.vector_load %arg7[%swap3A_265, %swap3A_266] {strides = array<i32>} : memref<3x64xi32, #tpu.memory_space<vmem>>, vector<1x16xi32>,
        %swap3A_268 = vector.shape_cast %swap3A_267 : vector<1x16xi32> to vector<16xi32>
        %swap3A_269 = vector.shape_cast %add3A_263 : vector<16xi32> to vector<1x16xi32>
        tpu.vector_store %arg7[%swap3A_265, %swap3A_266], %swap3A_269 {strides = array<i32>} : memref<3x64xi32, #tpu.memory_space<vmem>>, vector<1x16xi32>,
      }
      %scan3A_175 = arith.constant 4 : i32
      %dma_start3A_176 = arith.constant 0 : i32
      %dma_start3A_177 = arith.constant 0 : i32
      %dma_start3A_178 = tpu.memref_slice %arg7[%dma_start3A_176, %dma_start3A_177] : memref<3x64xi32, #tpu.memory_space<vmem>> -> memref<1x64xi32, #tpu.memory_space<vmem>>
      %dma_start3A_179 = tpu.memref_squeeze %dma_start3A_178 : memref<1x64xi32, #tpu.memory_space<vmem>> -> memref<64xi32, #tpu.memory_space<vmem>>
      %dma_start3A_180 = arith.constant 0 : i32
      %dma_start3A_181 = arith.constant 0 : i32
      %dma_start3A_182 = tpu.memref_slice %arg2[%dma_start3A_180, %dma_start3A_181] : memref<20000x128xf32, #tpu.memory_space<hbm>> -> memref<20000x128xf32, #tpu.memory_space<hbm>>
      tpu.enqueue_indirect_dma source(%dma_start3A_182 : memref<20000x128xf32, #tpu.memory_space<hbm>>) target(%arg12 : memref<64x128xf32, #tpu.memory_space<vmem>>) offsets(%dma_start3A_179 : memref<64xi32, #tpu.memory_space<vmem>>) semaphore(%arg18 : memref<!tpu.dma_semaphore, #tpu.memory_space<semaphore_mem>>)
      %dma_start3A_183 = arith.constant 2 : i32
      %dma_start3A_184 = arith.constant 0 : i32
      %dma_start3A_185 = tpu.memref_slice %arg7[%dma_start3A_183, %dma_start3A_184] : memref<3x64xi32, #tpu.memory_space<vmem>> -> memref<1x64xi32, #tpu.memory_space<vmem>>
      %dma_start3A_186 = tpu.memref_squeeze %dma_start3A_185 : memref<1x64xi32, #tpu.memory_space<vmem>> -> memref<64xi32, #tpu.memory_space<vmem>>
      %dma_start3A_187 = arith.constant 0 : i32
      %dma_start3A_188 = arith.constant 0 : i32
      %dma_start3A_189 = tpu.memref_slice %arg3[%dma_start3A_187, %dma_start3A_188] : memref<800x128xf32, #tpu.memory_space<hbm>> -> memref<800x128xf32, #tpu.memory_space<hbm>>
      tpu.enqueue_indirect_dma source(%dma_start3A_189 : memref<800x128xf32, #tpu.memory_space<hbm>>) target(%arg13 : memref<64x128xf32, #tpu.memory_space<vmem>>) offsets(%dma_start3A_186 : memref<64xi32, #tpu.memory_space<vmem>>) semaphore(%arg18 : memref<!tpu.dma_semaphore, #tpu.memory_space<semaphore_mem>>)
      %dma_wait3A_190 = arith.constant 0 : i32
      %dma_wait3A_191 = arith.constant 0 : i32
      %dma_wait3A_192 = tpu.memref_slice %arg6[%dma_wait3A_190, %dma_wait3A_191] : memref<3x64xi32, #tpu.memory_space<vmem>> -> memref<1x64xi32, #tpu.memory_space<vmem>>
      %dma_wait3A_193 = tpu.memref_squeeze %dma_wait3A_192 : memref<1x64xi32, #tpu.memory_space<vmem>> -> memref<64xi32, #tpu.memory_space<vmem>>
      %dma_wait3A_194 = arith.constant 0 : i32
      %dma_wait3A_195 = arith.constant 0 : i32
      %dma_wait3A_196 = tpu.memref_slice %arg2[%dma_wait3A_194, %dma_wait3A_195] : memref<20000x128xf32, #tpu.memory_space<hbm>> -> memref<20000x128xf32, #tpu.memory_space<hbm>>
      tpu.wait_indirect_dma semaphore(%arg17 : memref<!tpu.dma_semaphore, #tpu.memory_space<semaphore_mem>>) src(%dma_wait3A_196 : memref<20000x128xf32, #tpu.memory_space<hbm>>) dst(%arg10 : memref<64x128xf32, #tpu.memory_space<vmem>>)
      %dma_wait3A_197 = arith.constant 2 : i32
      %dma_wait3A_198 = arith.constant 0 : i32
      %dma_wait3A_199 = tpu.memref_slice %arg6[%dma_wait3A_197, %dma_wait3A_198] : memref<3x64xi32, #tpu.memory_space<vmem>> -> memref<1x64xi32, #tpu.memory_space<vmem>>
      %dma_wait3A_200 = tpu.memref_squeeze %dma_wait3A_199 : memref<1x64xi32, #tpu.memory_space<vmem>> -> memref<64xi32, #tpu.memory_space<vmem>>
      %dma_wait3A_201 = arith.constant 0 : i32
      %dma_wait3A_202 = arith.constant 0 : i32
      %dma_wait3A_203 = tpu.memref_slice %arg3[%dma_wait3A_201, %dma_wait3A_202] : memref<800x128xf32, #tpu.memory_space<hbm>> -> memref<800x128xf32, #tpu.memory_space<hbm>>
      tpu.wait_indirect_dma semaphore(%arg17 : memref<!tpu.dma_semaphore, #tpu.memory_space<semaphore_mem>>) src(%dma_wait3A_203 : memref<800x128xf32, #tpu.memory_space<hbm>>) dst(%arg11 : memref<64x128xf32, #tpu.memory_space<vmem>>)
      %ge3A = arith.constant 2 : i32
      %ge3A_204 = arith.cmpi sge, %mul3A_163, %ge3A : i32
      %convert_element_type3A_205 = arith.extui %ge3A_204 : i1 to i32
      %cond3A_206 = arith.constant 0 : i32
      %cond3A_207 = arith.cmpi ne, %convert_element_type3A_205, %cond3A_206 : i32
      scf.if %cond3A_207 {
        %dma_wait3A_243 = arith.constant 0 : i32
        %dma_wait3A_244 = arith.constant 0 : i32
        %dma_wait3A_245 = tpu.memref_slice %arg16[%dma_wait3A_243, %dma_wait3A_244] : memref<10000x128xf32, #tpu.memory_space<vmem_shared>> -> memref<10000x128xf32, #tpu.memory_space<vmem_shared>>
        tpu.wait_indirect_dma semaphore(%arg19 : memref<!tpu.dma_semaphore, #tpu.memory_space<semaphore_mem>>) src(%arg14 : memref<64x128xf32, #tpu.memory_space<vmem>>) dst(%dma_wait3A_245 : memref<10000x128xf32, #tpu.memory_space<vmem_shared>>)
      } else {
      }
      %scan3A_208 = arith.constant 0 : i32
      %scan3A_209 = arith.constant 0 : i32
      %scan3A_210 = arith.constant 64 : i32
      %scan3A_211 = arith.addi %scan3A_209, %scan3A_210 : i32
      %scan3A_212 = arith.constant 1 : i32
      scf.for %scan3A_243 = %scan3A_209 to %scan3A_211 step %scan3A_212  : i32 {
        %get3A = arith.index_cast %scan3A_243 : i32 to index
        %get3A_244 = arith.constant 0 : index
        %get3A_245 = tpu.vector_load %arg10[%get3A, %get3A_244] {strides = array<i32>} : memref<64x128xf32, #tpu.memory_space<vmem>>, vector<1x16xf32>,
        %get3A_246 = vector.shape_cast %get3A_245 : vector<1x16xf32> to vector<16xf32>
        %get3A_247 = arith.index_cast %scan3A_243 : i32 to index
        %get3A_248 = arith.constant 64 : index
        %get3A_249 = tpu.vector_load %arg10[%get3A_247, %get3A_248] {strides = array<i32>} : memref<64x128xf32, #tpu.memory_space<vmem>>, vector<1x16xf32>,
        %get3A_250 = vector.shape_cast %get3A_249 : vector<1x16xf32> to vector<16xf32>
        %get3A_251 = arith.index_cast %scan3A_243 : i32 to index
        %get3A_252 = arith.constant 0 : index
        %get3A_253 = tpu.vector_load %arg11[%get3A_251, %get3A_252] {strides = array<i32>} : memref<64x128xf32, #tpu.memory_space<vmem>>, vector<1x16xf32>,
        %get3A_254 = vector.shape_cast %get3A_253 : vector<1x16xf32> to vector<16xf32>
        %get3A_255 = arith.index_cast %scan3A_243 : i32 to index
        %get3A_256 = arith.constant 64 : index
        %get3A_257 = tpu.vector_load %arg11[%get3A_255, %get3A_256] {strides = array<i32>} : memref<64x128xf32, #tpu.memory_space<vmem>>, vector<1x16xf32>,
        %get3A_258 = vector.shape_cast %get3A_257 : vector<1x16xf32> to vector<16xf32>
        %mul3A_259 = arith.mulf %get3A_246, %get3A_254 : vector<16xf32>
        %mul3A_260 = arith.mulf %get3A_250, %get3A_258 : vector<16xf32>
        %sub3A_261 = arith.subf %mul3A_259, %mul3A_260 : vector<16xf32>
        %swap3A = arith.index_cast %scan3A_243 : i32 to index
        %swap3A_262 = arith.constant 0 : index
        %swap3A_263 = tpu.vector_load %arg14[%swap3A, %swap3A_262] {strides = array<i32>} : memref<64x128xf32, #tpu.memory_space<vmem>>, vector<1x16xf32>,
        %swap3A_264 = vector.shape_cast %swap3A_263 : vector<1x16xf32> to vector<16xf32>
        %swap3A_265 = vector.shape_cast %sub3A_261 : vector<16xf32> to vector<1x16xf32>
        tpu.vector_store %arg14[%swap3A, %swap3A_262], %swap3A_265 {strides = array<i32>} : memref<64x128xf32, #tpu.memory_space<vmem>>, vector<1x16xf32>,
        %mul3A_266 = arith.mulf %get3A_246, %get3A_258 : vector<16xf32>
        %mul3A_267 = arith.mulf %get3A_250, %get3A_254 : vector<16xf32>
        %add3A_268 = arith.addf %mul3A_266, %mul3A_267 : vector<16xf32>
        %swap3A_269 = arith.index_cast %scan3A_243 : i32 to index
        %swap3A_270 = arith.constant 64 : index
        %swap3A_271 = tpu.vector_load %arg14[%swap3A_269, %swap3A_270] {strides = array<i32>} : memref<64x128xf32, #tpu.memory_space<vmem>>, vector<1x16xf32>,
        %swap3A_272 = vector.shape_cast %swap3A_271 : vector<1x16xf32> to vector<16xf32>
        %swap3A_273 = vector.shape_cast %add3A_268 : vector<16xf32> to vector<1x16xf32>
        tpu.vector_store %arg14[%swap3A_269, %swap3A_270], %swap3A_273 {strides = array<i32>} : memref<64x128xf32, #tpu.memory_space<vmem>>, vector<1x16xf32>,
        %get3A_274 = arith.index_cast %scan3A_243 : i32 to index
        %get3A_275 = arith.constant 16 : index
        %get3A_276 = tpu.vector_load %arg10[%get3A_274, %get3A_275] {strides = array<i32>} : memref<64x128xf32, #tpu.memory_space<vmem>>, vector<1x16xf32>,
        %get3A_277 = vector.shape_cast %get3A_276 : vector<1x16xf32> to vector<16xf32>
        %get3A_278 = arith.index_cast %scan3A_243 : i32 to index
        %get3A_279 = arith.constant 80 : index
        %get3A_280 = tpu.vector_load %arg10[%get3A_278, %get3A_279] {strides = array<i32>} : memref<64x128xf32, #tpu.memory_space<vmem>>, vector<1x16xf32>,
        %get3A_281 = vector.shape_cast %get3A_280 : vector<1x16xf32> to vector<16xf32>
        %get3A_282 = arith.index_cast %scan3A_243 : i32 to index
        %get3A_283 = arith.constant 16 : index
        %get3A_284 = tpu.vector_load %arg11[%get3A_282, %get3A_283] {strides = array<i32>} : memref<64x128xf32, #tpu.memory_space<vmem>>, vector<1x16xf32>,
        %get3A_285 = vector.shape_cast %get3A_284 : vector<1x16xf32> to vector<16xf32>
        %get3A_286 = arith.index_cast %scan3A_243 : i32 to index
        %get3A_287 = arith.constant 80 : index
        %get3A_288 = tpu.vector_load %arg11[%get3A_286, %get3A_287] {strides = array<i32>} : memref<64x128xf32, #tpu.memory_space<vmem>>, vector<1x16xf32>,
        %get3A_289 = vector.shape_cast %get3A_288 : vector<1x16xf32> to vector<16xf32>
        %mul3A_290 = arith.mulf %get3A_277, %get3A_285 : vector<16xf32>
        %mul3A_291 = arith.mulf %get3A_281, %get3A_289 : vector<16xf32>
        %sub3A_292 = arith.subf %mul3A_290, %mul3A_291 : vector<16xf32>
        %swap3A_293 = arith.index_cast %scan3A_243 : i32 to index
        %swap3A_294 = arith.constant 16 : index
        %swap3A_295 = tpu.vector_load %arg14[%swap3A_293, %swap3A_294] {strides = array<i32>} : memref<64x128xf32, #tpu.memory_space<vmem>>, vector<1x16xf32>,
        %swap3A_296 = vector.shape_cast %swap3A_295 : vector<1x16xf32> to vector<16xf32>
        %swap3A_297 = vector.shape_cast %sub3A_292 : vector<16xf32> to vector<1x16xf32>
        tpu.vector_store %arg14[%swap3A_293, %swap3A_294], %swap3A_297 {strides = array<i32>} : memref<64x128xf32, #tpu.memory_space<vmem>>, vector<1x16xf32>,
        %mul3A_298 = arith.mulf %get3A_277, %get3A_289 : vector<16xf32>
        %mul3A_299 = arith.mulf %get3A_281, %get3A_285 : vector<16xf32>
        %add3A_300 = arith.addf %mul3A_298, %mul3A_299 : vector<16xf32>
        %swap3A_301 = arith.index_cast %scan3A_243 : i32 to index
        %swap3A_302 = arith.constant 80 : index
        %swap3A_303 = tpu.vector_load %arg14[%swap3A_301, %swap3A_302] {strides = array<i32>} : memref<64x128xf32, #tpu.memory_space<vmem>>, vector<1x16xf32>,
        %swap3A_304 = vector.shape_cast %swap3A_303 : vector<1x16xf32> to vector<16xf32>
        %swap3A_305 = vector.shape_cast %add3A_300 : vector<16xf32> to vector<1x16xf32>
        tpu.vector_store %arg14[%swap3A_301, %swap3A_302], %swap3A_305 {strides = array<i32>} : memref<64x128xf32, #tpu.memory_space<vmem>>, vector<1x16xf32>,
        %get3A_306 = arith.index_cast %scan3A_243 : i32 to index
        %get3A_307 = arith.constant 32 : index
        %get3A_308 = tpu.vector_load %arg10[%get3A_306, %get3A_307] {strides = array<i32>} : memref<64x128xf32, #tpu.memory_space<vmem>>, vector<1x16xf32>,
        %get3A_309 = vector.shape_cast %get3A_308 : vector<1x16xf32> to vector<16xf32>
        %get3A_310 = arith.index_cast %scan3A_243 : i32 to index
        %get3A_311 = arith.constant 96 : index
        %get3A_312 = tpu.vector_load %arg10[%get3A_310, %get3A_311] {strides = array<i32>} : memref<64x128xf32, #tpu.memory_space<vmem>>, vector<1x16xf32>,
        %get3A_313 = vector.shape_cast %get3A_312 : vector<1x16xf32> to vector<16xf32>
        %get3A_314 = arith.index_cast %scan3A_243 : i32 to index
        %get3A_315 = arith.constant 32 : index
        %get3A_316 = tpu.vector_load %arg11[%get3A_314, %get3A_315] {strides = array<i32>} : memref<64x128xf32, #tpu.memory_space<vmem>>, vector<1x16xf32>,
        %get3A_317 = vector.shape_cast %get3A_316 : vector<1x16xf32> to vector<16xf32>
        %get3A_318 = arith.index_cast %scan3A_243 : i32 to index
        %get3A_319 = arith.constant 96 : index
        %get3A_320 = tpu.vector_load %arg11[%get3A_318, %get3A_319] {strides = array<i32>} : memref<64x128xf32, #tpu.memory_space<vmem>>, vector<1x16xf32>,
        %get3A_321 = vector.shape_cast %get3A_320 : vector<1x16xf32> to vector<16xf32>
        %mul3A_322 = arith.mulf %get3A_309, %get3A_317 : vector<16xf32>
        %mul3A_323 = arith.mulf %get3A_313, %get3A_321 : vector<16xf32>
        %sub3A_324 = arith.subf %mul3A_322, %mul3A_323 : vector<16xf32>
        %swap3A_325 = arith.index_cast %scan3A_243 : i32 to index
        %swap3A_326 = arith.constant 32 : index
        %swap3A_327 = tpu.vector_load %arg14[%swap3A_325, %swap3A_326] {strides = array<i32>} : memref<64x128xf32, #tpu.memory_space<vmem>>, vector<1x16xf32>,
        %swap3A_328 = vector.shape_cast %swap3A_327 : vector<1x16xf32> to vector<16xf32>
        %swap3A_329 = vector.shape_cast %sub3A_324 : vector<16xf32> to vector<1x16xf32>
        tpu.vector_store %arg14[%swap3A_325, %swap3A_326], %swap3A_329 {strides = array<i32>} : memref<64x128xf32, #tpu.memory_space<vmem>>, vector<1x16xf32>,
        %mul3A_330 = arith.mulf %get3A_309, %get3A_321 : vector<16xf32>
        %mul3A_331 = arith.mulf %get3A_313, %get3A_317 : vector<16xf32>
        %add3A_332 = arith.addf %mul3A_330, %mul3A_331 : vector<16xf32>
        %swap3A_333 = arith.index_cast %scan3A_243 : i32 to index
        %swap3A_334 = arith.constant 96 : index
        %swap3A_335 = tpu.vector_load %arg14[%swap3A_333, %swap3A_334] {strides = array<i32>} : memref<64x128xf32, #tpu.memory_space<vmem>>, vector<1x16xf32>,
        %swap3A_336 = vector.shape_cast %swap3A_335 : vector<1x16xf32> to vector<16xf32>
        %swap3A_337 = vector.shape_cast %add3A_332 : vector<16xf32> to vector<1x16xf32>
        tpu.vector_store %arg14[%swap3A_333, %swap3A_334], %swap3A_337 {strides = array<i32>} : memref<64x128xf32, #tpu.memory_space<vmem>>, vector<1x16xf32>,
        %get3A_338 = arith.index_cast %scan3A_243 : i32 to index
        %get3A_339 = arith.constant 48 : index
        %get3A_340 = tpu.vector_load %arg10[%get3A_338, %get3A_339] {strides = array<i32>} : memref<64x128xf32, #tpu.memory_space<vmem>>, vector<1x16xf32>,
        %get3A_341 = vector.shape_cast %get3A_340 : vector<1x16xf32> to vector<16xf32>
        %get3A_342 = arith.index_cast %scan3A_243 : i32 to index
        %get3A_343 = arith.constant 112 : index
        %get3A_344 = tpu.vector_load %arg10[%get3A_342, %get3A_343] {strides = array<i32>} : memref<64x128xf32, #tpu.memory_space<vmem>>, vector<1x16xf32>,
        %get3A_345 = vector.shape_cast %get3A_344 : vector<1x16xf32> to vector<16xf32>
        %get3A_346 = arith.index_cast %scan3A_243 : i32 to index
        %get3A_347 = arith.constant 48 : index
        %get3A_348 = tpu.vector_load %arg11[%get3A_346, %get3A_347] {strides = array<i32>} : memref<64x128xf32, #tpu.memory_space<vmem>>, vector<1x16xf32>,
        %get3A_349 = vector.shape_cast %get3A_348 : vector<1x16xf32> to vector<16xf32>
        %get3A_350 = arith.index_cast %scan3A_243 : i32 to index
        %get3A_351 = arith.constant 112 : index
        %get3A_352 = tpu.vector_load %arg11[%get3A_350, %get3A_351] {strides = array<i32>} : memref<64x128xf32, #tpu.memory_space<vmem>>, vector<1x16xf32>,
        %get3A_353 = vector.shape_cast %get3A_352 : vector<1x16xf32> to vector<16xf32>
        %mul3A_354 = arith.mulf %get3A_341, %get3A_349 : vector<16xf32>
        %mul3A_355 = arith.mulf %get3A_345, %get3A_353 : vector<16xf32>
        %sub3A_356 = arith.subf %mul3A_354, %mul3A_355 : vector<16xf32>
        %swap3A_357 = arith.index_cast %scan3A_243 : i32 to index
        %swap3A_358 = arith.constant 48 : index
        %swap3A_359 = tpu.vector_load %arg14[%swap3A_357, %swap3A_358] {strides = array<i32>} : memref<64x128xf32, #tpu.memory_space<vmem>>, vector<1x16xf32>,
        %swap3A_360 = vector.shape_cast %swap3A_359 : vector<1x16xf32> to vector<16xf32>
        %swap3A_361 = vector.shape_cast %sub3A_356 : vector<16xf32> to vector<1x16xf32>
        tpu.vector_store %arg14[%swap3A_357, %swap3A_358], %swap3A_361 {strides = array<i32>} : memref<64x128xf32, #tpu.memory_space<vmem>>, vector<1x16xf32>,
        %mul3A_362 = arith.mulf %get3A_341, %get3A_353 : vector<16xf32>
        %mul3A_363 = arith.mulf %get3A_345, %get3A_349 : vector<16xf32>
        %add3A_364 = arith.addf %mul3A_362, %mul3A_363 : vector<16xf32>
        %swap3A_365 = arith.index_cast %scan3A_243 : i32 to index
        %swap3A_366 = arith.constant 112 : index
        %swap3A_367 = tpu.vector_load %arg14[%swap3A_365, %swap3A_366] {strides = array<i32>} : memref<64x128xf32, #tpu.memory_space<vmem>>, vector<1x16xf32>,
        %swap3A_368 = vector.shape_cast %swap3A_367 : vector<1x16xf32> to vector<16xf32>
        %swap3A_369 = vector.shape_cast %add3A_364 : vector<16xf32> to vector<1x16xf32>
        tpu.vector_store %arg14[%swap3A_365, %swap3A_366], %swap3A_369 {strides = array<i32>} : memref<64x128xf32, #tpu.memory_space<vmem>>, vector<1x16xf32>,
      }
      %scan3A_213 = arith.constant 64 : i32
      %scan3A_214 = arith.constant 0 : i32
      %scan3A_215 = arith.constant 0 : i32
      %scan3A_216 = arith.constant 4 : i32
      %scan3A_217 = arith.addi %scan3A_215, %scan3A_216 : i32
      %scan3A_218 = arith.constant 1 : i32
      scf.for %scan3A_243 = %scan3A_215 to %scan3A_217 step %scan3A_218  : i32 {
        %mul3A_244 = arith.constant 16 : i32
        %mul3A_245 = arith.muli %scan3A_243, %mul3A_244 : i32
        %get3A = arith.constant 1 : i32
        %get3A_246 = arith.index_cast %get3A : i32 to index
        %get3A_247 = arith.index_cast %mul3A_245 : i32 to index
        %get3A_248 = tpu.vector_load %arg6[%get3A_246, %get3A_247] {strides = array<i32>} : memref<3x64xi32, #tpu.memory_space<vmem>>, vector<1x16xi32>,
        %get3A_249 = vector.shape_cast %get3A_248 : vector<1x16xi32> to vector<16xi32>
        %swap3A = arith.index_cast %mul3A_245 : i32 to index
        %swap3A_250 = tpu.vector_load %arg8[%swap3A] {strides = array<i32>} : memref<64xi32, #tpu.memory_space<vmem>>, vector<16xi32>,
        %swap3A_251 = vector.shape_cast %swap3A_250 : vector<16xi32> to vector<16xi32>
        %swap3A_252 = vector.shape_cast %get3A_249 : vector<16xi32> to vector<16xi32>
        tpu.vector_store %arg8[%swap3A], %swap3A_252 {strides = array<i32>} : memref<64xi32, #tpu.memory_space<vmem>>, vector<16xi32>,
      }
      %scan3A_219 = arith.constant 4 : i32
      %dma_start3A_220 = arith.constant 0 : i32
      %dma_start3A_221 = arith.constant 0 : i32
      %dma_start3A_222 = tpu.memref_slice %arg16[%dma_start3A_220, %dma_start3A_221] : memref<10000x128xf32, #tpu.memory_space<vmem_shared>> -> memref<10000x128xf32, #tpu.memory_space<vmem_shared>>
      tpu.enqueue_indirect_dma source(%arg14 : memref<64x128xf32, #tpu.memory_space<vmem>>) target(%dma_start3A_222 : memref<10000x128xf32, #tpu.memory_space<vmem_shared>>) offsets(%arg8 : memref<64xi32, #tpu.memory_space<vmem>>) semaphore(%arg19 : memref<!tpu.dma_semaphore, #tpu.memory_space<semaphore_mem>>) {add = true}
      %add3A_223 = arith.constant 2 : i32
      %add3A_224 = arith.addi %mul3A_163, %add3A_223 : i32
      %sub3A_225 = arith.constant 1 : i32
      %sub3A_226 = arith.subi %select_n3A_25, %sub3A_225 : i32
      %min3A_227 = arith.minsi %add3A_224, %sub3A_226 : i32
      %mul3A_228 = arith.constant 16 : i32
      %mul3A_229 = arith.muli %min3A_227, %mul3A_228 : i32
      %add3A_230 = arith.addi %mul3A_229, %arg1 : i32
      %mul3A_231 = arith.constant 3 : i32
      %mul3A_232 = arith.muli %add3A_230, %mul3A_231 : i32
      %dma_start3A_233 = arith.constant 0 : i32
      %dma_start3A_234 = tpu.memref_slice %arg4[%mul3A_232, %dma_start3A_233] : memref<15000x64xi32, #tpu.memory_space<hbm>> -> memref<3x64xi32, #tpu.memory_space<hbm>>
      %dma_start3A_235 = arith.constant 0 : i32
      %dma_start3A_236 = tpu.memref_slice %arg4[%mul3A_232, %dma_start3A_235] : memref<15000x64xi32, #tpu.memory_space<hbm>> -> memref<3x64xi32, #tpu.memory_space<hbm>>
      tpu.enqueue_dma source(%dma_start3A_236 : memref<3x64xi32, #tpu.memory_space<hbm>>) target(%arg6 : memref<3x64xi32, #tpu.memory_space<vmem>>) target_semaphore(%arg21 : memref<!tpu.dma_semaphore, #tpu.memory_space<semaphore_mem>>)
      %add3A_237 = arith.constant 1 : i32
      %add3A_238 = arith.addi %mul3A_163, %add3A_237 : i32
      %lt3A_239 = arith.cmpi slt, %add3A_238, %select_n3A_25 : i32
      %convert_element_type3A_240 = arith.extui %lt3A_239 : i1 to i32
      %cond3A_241 = arith.constant 0 : i32
      %cond3A_242 = arith.cmpi ne, %convert_element_type3A_240, %cond3A_241 : i32
      scf.if %cond3A_242 {
        %add3A_243 = arith.constant 1 : i32
        %add3A_244 = arith.addi %mul3A_163, %add3A_243 : i32
        %dma_wait3A_245 = arith.constant 0 : i32
        %dma_wait3A_246 = arith.constant 0 : i32
        %dma_wait3A_247 = tpu.memref_slice %arg4[%dma_wait3A_245, %dma_wait3A_246] : memref<15000x64xi32, #tpu.memory_space<hbm>> -> memref<3x64xi32, #tpu.memory_space<hbm>>
        %dma_wait3A_248 = arith.constant 0 : i32
        %dma_wait3A_249 = arith.constant 0 : i32
        %dma_wait3A_250 = tpu.memref_slice %arg4[%dma_wait3A_248, %dma_wait3A_249] : memref<15000x64xi32, #tpu.memory_space<hbm>> -> memref<3x64xi32, #tpu.memory_space<hbm>>
        tpu.wait_dma2 semaphore(%arg21 : memref<!tpu.dma_semaphore, #tpu.memory_space<semaphore_mem>>) src(%dma_wait3A_250 : memref<3x64xi32, #tpu.memory_space<hbm>>) dst(%arg6 : memref<3x64xi32, #tpu.memory_space<vmem>>)
        %scan3A_251 = arith.constant 0 : i32
        %scan3A_252 = arith.constant 0 : i32
        %scan3A_253 = arith.constant 4 : i32
        %scan3A_254 = arith.addi %scan3A_252, %scan3A_253 : i32
        %scan3A_255 = arith.constant 1 : i32
        scf.for %scan3A_319 = %scan3A_252 to %scan3A_254 step %scan3A_255  : i32 {
          %mul3A_320 = arith.constant 16 : i32
          %mul3A_321 = arith.muli %scan3A_319, %mul3A_320 : i32
          %get3A = arith.constant 0 : i32
          %get3A_322 = arith.index_cast %get3A : i32 to index
          %get3A_323 = arith.index_cast %mul3A_321 : i32 to index
          %get3A_324 = tpu.vector_load %arg6[%get3A_322, %get3A_323] {strides = array<i32>} : memref<3x64xi32, #tpu.memory_space<vmem>>, vector<1x16xi32>,
          %get3A_325 = vector.shape_cast %get3A_324 : vector<1x16xi32> to vector<16xi32>
          %add3A_326 = vector.broadcast %mul3A_19 : i32 to vector<16xi32>
          %add3A_327 = arith.addi %get3A_325, %add3A_326 : vector<16xi32>
          %swap3A = arith.constant 0 : i32
          %swap3A_328 = arith.index_cast %swap3A : i32 to index
          %swap3A_329 = arith.index_cast %mul3A_321 : i32 to index
          %swap3A_330 = tpu.vector_load %arg6[%swap3A_328, %swap3A_329] {strides = array<i32>} : memref<3x64xi32, #tpu.memory_space<vmem>>, vector<1x16xi32>,
          %swap3A_331 = vector.shape_cast %swap3A_330 : vector<1x16xi32> to vector<16xi32>
          %swap3A_332 = vector.shape_cast %add3A_327 : vector<16xi32> to vector<1x16xi32>
          tpu.vector_store %arg6[%swap3A_328, %swap3A_329], %swap3A_332 {strides = array<i32>} : memref<3x64xi32, #tpu.memory_space<vmem>>, vector<1x16xi32>,
          %get3A_333 = arith.constant 2 : i32
          %get3A_334 = arith.index_cast %get3A_333 : i32 to index
          %get3A_335 = arith.index_cast %mul3A_321 : i32 to index
          %get3A_336 = tpu.vector_load %arg6[%get3A_334, %get3A_335] {strides = array<i32>} : memref<3x64xi32, #tpu.memory_space<vmem>>, vector<1x16xi32>,
          %get3A_337 = vector.shape_cast %get3A_336 : vector<1x16xi32> to vector<16xi32>
          %add3A_338 = vector.broadcast %mul3A_21 : i32 to vector<16xi32>
          %add3A_339 = arith.addi %get3A_337, %add3A_338 : vector<16xi32>
          %swap3A_340 = arith.constant 2 : i32
          %swap3A_341 = arith.index_cast %swap3A_340 : i32 to index
          %swap3A_342 = arith.index_cast %mul3A_321 : i32 to index
          %swap3A_343 = tpu.vector_load %arg6[%swap3A_341, %swap3A_342] {strides = array<i32>} : memref<3x64xi32, #tpu.memory_space<vmem>>, vector<1x16xi32>,
          %swap3A_344 = vector.shape_cast %swap3A_343 : vector<1x16xi32> to vector<16xi32>
          %swap3A_345 = vector.shape_cast %add3A_339 : vector<16xi32> to vector<1x16xi32>
          tpu.vector_store %arg6[%swap3A_341, %swap3A_342], %swap3A_345 {strides = array<i32>} : memref<3x64xi32, #tpu.memory_space<vmem>>, vector<1x16xi32>,
        }
        %scan3A_256 = arith.constant 4 : i32
        %dma_start3A_257 = arith.constant 0 : i32
        %dma_start3A_258 = arith.constant 0 : i32
        %dma_start3A_259 = tpu.memref_slice %arg6[%dma_start3A_257, %dma_start3A_258] : memref<3x64xi32, #tpu.memory_space<vmem>> -> memref<1x64xi32, #tpu.memory_space<vmem>>
        %dma_start3A_260 = tpu.memref_squeeze %dma_start3A_259 : memref<1x64xi32, #tpu.memory_space<vmem>> -> memref<64xi32, #tpu.memory_space<vmem>>
        %dma_start3A_261 = arith.constant 0 : i32
        %dma_start3A_262 = arith.constant 0 : i32
        %dma_start3A_263 = tpu.memref_slice %arg2[%dma_start3A_261, %dma_start3A_262] : memref<20000x128xf32, #tpu.memory_space<hbm>> -> memref<20000x128xf32, #tpu.memory_space<hbm>>
        tpu.enqueue_indirect_dma source(%dma_start3A_263 : memref<20000x128xf32, #tpu.memory_space<hbm>>) target(%arg10 : memref<64x128xf32, #tpu.memory_space<vmem>>) offsets(%dma_start3A_260 : memref<64xi32, #tpu.memory_space<vmem>>) semaphore(%arg17 : memref<!tpu.dma_semaphore, #tpu.memory_space<semaphore_mem>>)
        %dma_start3A_264 = arith.constant 2 : i32
        %dma_start3A_265 = arith.constant 0 : i32
        %dma_start3A_266 = tpu.memref_slice %arg6[%dma_start3A_264, %dma_start3A_265] : memref<3x64xi32, #tpu.memory_space<vmem>> -> memref<1x64xi32, #tpu.memory_space<vmem>>
        %dma_start3A_267 = tpu.memref_squeeze %dma_start3A_266 : memref<1x64xi32, #tpu.memory_space<vmem>> -> memref<64xi32, #tpu.memory_space<vmem>>
        %dma_start3A_268 = arith.constant 0 : i32
        %dma_start3A_269 = arith.constant 0 : i32
        %dma_start3A_270 = tpu.memref_slice %arg3[%dma_start3A_268, %dma_start3A_269] : memref<800x128xf32, #tpu.memory_space<hbm>> -> memref<800x128xf32, #tpu.memory_space<hbm>>
        tpu.enqueue_indirect_dma source(%dma_start3A_270 : memref<800x128xf32, #tpu.memory_space<hbm>>) target(%arg11 : memref<64x128xf32, #tpu.memory_space<vmem>>) offsets(%dma_start3A_267 : memref<64xi32, #tpu.memory_space<vmem>>) semaphore(%arg17 : memref<!tpu.dma_semaphore, #tpu.memory_space<semaphore_mem>>)
        %dma_wait3A_271 = arith.constant 0 : i32
        %dma_wait3A_272 = arith.constant 0 : i32
        %dma_wait3A_273 = tpu.memref_slice %arg7[%dma_wait3A_271, %dma_wait3A_272] : memref<3x64xi32, #tpu.memory_space<vmem>> -> memref<1x64xi32, #tpu.memory_space<vmem>>
        %dma_wait3A_274 = tpu.memref_squeeze %dma_wait3A_273 : memref<1x64xi32, #tpu.memory_space<vmem>> -> memref<64xi32, #tpu.memory_space<vmem>>
        %dma_wait3A_275 = arith.constant 0 : i32
        %dma_wait3A_276 = arith.constant 0 : i32
        %dma_wait3A_277 = tpu.memref_slice %arg2[%dma_wait3A_275, %dma_wait3A_276] : memref<20000x128xf32, #tpu.memory_space<hbm>> -> memref<20000x128xf32, #tpu.memory_space<hbm>>
        tpu.wait_indirect_dma semaphore(%arg18 : memref<!tpu.dma_semaphore, #tpu.memory_space<semaphore_mem>>) src(%dma_wait3A_277 : memref<20000x128xf32, #tpu.memory_space<hbm>>) dst(%arg12 : memref<64x128xf32, #tpu.memory_space<vmem>>)
        %dma_wait3A_278 = arith.constant 2 : i32
        %dma_wait3A_279 = arith.constant 0 : i32
        %dma_wait3A_280 = tpu.memref_slice %arg7[%dma_wait3A_278, %dma_wait3A_279] : memref<3x64xi32, #tpu.memory_space<vmem>> -> memref<1x64xi32, #tpu.memory_space<vmem>>
        %dma_wait3A_281 = tpu.memref_squeeze %dma_wait3A_280 : memref<1x64xi32, #tpu.memory_space<vmem>> -> memref<64xi32, #tpu.memory_space<vmem>>
        %dma_wait3A_282 = arith.constant 0 : i32
        %dma_wait3A_283 = arith.constant 0 : i32
        %dma_wait3A_284 = tpu.memref_slice %arg3[%dma_wait3A_282, %dma_wait3A_283] : memref<800x128xf32, #tpu.memory_space<hbm>> -> memref<800x128xf32, #tpu.memory_space<hbm>>
        tpu.wait_indirect_dma semaphore(%arg18 : memref<!tpu.dma_semaphore, #tpu.memory_space<semaphore_mem>>) src(%dma_wait3A_284 : memref<800x128xf32, #tpu.memory_space<hbm>>) dst(%arg13 : memref<64x128xf32, #tpu.memory_space<vmem>>)
        %ge3A_285 = arith.constant 2 : i32
        %ge3A_286 = arith.cmpi sge, %add3A_244, %ge3A_285 : i32
        %convert_element_type3A_287 = arith.extui %ge3A_286 : i1 to i32
        %cond3A_288 = arith.constant 0 : i32
        %cond3A_289 = arith.cmpi ne, %convert_element_type3A_287, %cond3A_288 : i32
        scf.if %cond3A_289 {
          %dma_wait3A_319 = arith.constant 0 : i32
          %dma_wait3A_320 = arith.constant 0 : i32
          %dma_wait3A_321 = tpu.memref_slice %arg16[%dma_wait3A_319, %dma_wait3A_320] : memref<10000x128xf32, #tpu.memory_space<vmem_shared>> -> memref<10000x128xf32, #tpu.memory_space<vmem_shared>>
          tpu.wait_indirect_dma semaphore(%arg20 : memref<!tpu.dma_semaphore, #tpu.memory_space<semaphore_mem>>) src(%arg15 : memref<64x128xf32, #tpu.memory_space<vmem>>) dst(%dma_wait3A_321 : memref<10000x128xf32, #tpu.memory_space<vmem_shared>>)
        } else {
        }
        %scan3A_290 = arith.constant 0 : i32
        %scan3A_291 = arith.constant 0 : i32
        %scan3A_292 = arith.constant 64 : i32
        %scan3A_293 = arith.addi %scan3A_291, %scan3A_292 : i32
        %scan3A_294 = arith.constant 1 : i32
        scf.for %scan3A_319 = %scan3A_291 to %scan3A_293 step %scan3A_294  : i32 {
          %get3A = arith.index_cast %scan3A_319 : i32 to index
          %get3A_320 = arith.constant 0 : index
          %get3A_321 = tpu.vector_load %arg12[%get3A, %get3A_320] {strides = array<i32>} : memref<64x128xf32, #tpu.memory_space<vmem>>, vector<1x16xf32>,
          %get3A_322 = vector.shape_cast %get3A_321 : vector<1x16xf32> to vector<16xf32>
          %get3A_323 = arith.index_cast %scan3A_319 : i32 to index
          %get3A_324 = arith.constant 64 : index
          %get3A_325 = tpu.vector_load %arg12[%get3A_323, %get3A_324] {strides = array<i32>} : memref<64x128xf32, #tpu.memory_space<vmem>>, vector<1x16xf32>,
          %get3A_326 = vector.shape_cast %get3A_325 : vector<1x16xf32> to vector<16xf32>
          %get3A_327 = arith.index_cast %scan3A_319 : i32 to index
          %get3A_328 = arith.constant 0 : index
          %get3A_329 = tpu.vector_load %arg13[%get3A_327, %get3A_328] {strides = array<i32>} : memref<64x128xf32, #tpu.memory_space<vmem>>, vector<1x16xf32>,
          %get3A_330 = vector.shape_cast %get3A_329 : vector<1x16xf32> to vector<16xf32>
          %get3A_331 = arith.index_cast %scan3A_319 : i32 to index
          %get3A_332 = arith.constant 64 : index
          %get3A_333 = tpu.vector_load %arg13[%get3A_331, %get3A_332] {strides = array<i32>} : memref<64x128xf32, #tpu.memory_space<vmem>>, vector<1x16xf32>,
          %get3A_334 = vector.shape_cast %get3A_333 : vector<1x16xf32> to vector<16xf32>
          %mul3A_335 = arith.mulf %get3A_322, %get3A_330 : vector<16xf32>
          %mul3A_336 = arith.mulf %get3A_326, %get3A_334 : vector<16xf32>
          %sub3A_337 = arith.subf %mul3A_335, %mul3A_336 : vector<16xf32>
          %swap3A = arith.index_cast %scan3A_319 : i32 to index
          %swap3A_338 = arith.constant 0 : index
          %swap3A_339 = tpu.vector_load %arg15[%swap3A, %swap3A_338] {strides = array<i32>} : memref<64x128xf32, #tpu.memory_space<vmem>>, vector<1x16xf32>,
          %swap3A_340 = vector.shape_cast %swap3A_339 : vector<1x16xf32> to vector<16xf32>
          %swap3A_341 = vector.shape_cast %sub3A_337 : vector<16xf32> to vector<1x16xf32>
          tpu.vector_store %arg15[%swap3A, %swap3A_338], %swap3A_341 {strides = array<i32>} : memref<64x128xf32, #tpu.memory_space<vmem>>, vector<1x16xf32>,
          %mul3A_342 = arith.mulf %get3A_322, %get3A_334 : vector<16xf32>
          %mul3A_343 = arith.mulf %get3A_326, %get3A_330 : vector<16xf32>
          %add3A_344 = arith.addf %mul3A_342, %mul3A_343 : vector<16xf32>
          %swap3A_345 = arith.index_cast %scan3A_319 : i32 to index
          %swap3A_346 = arith.constant 64 : index
          %swap3A_347 = tpu.vector_load %arg15[%swap3A_345, %swap3A_346] {strides = array<i32>} : memref<64x128xf32, #tpu.memory_space<vmem>>, vector<1x16xf32>,
          %swap3A_348 = vector.shape_cast %swap3A_347 : vector<1x16xf32> to vector<16xf32>
          %swap3A_349 = vector.shape_cast %add3A_344 : vector<16xf32> to vector<1x16xf32>
          tpu.vector_store %arg15[%swap3A_345, %swap3A_346], %swap3A_349 {strides = array<i32>} : memref<64x128xf32, #tpu.memory_space<vmem>>, vector<1x16xf32>,
          %get3A_350 = arith.index_cast %scan3A_319 : i32 to index
          %get3A_351 = arith.constant 16 : index
          %get3A_352 = tpu.vector_load %arg12[%get3A_350, %get3A_351] {strides = array<i32>} : memref<64x128xf32, #tpu.memory_space<vmem>>, vector<1x16xf32>,
          %get3A_353 = vector.shape_cast %get3A_352 : vector<1x16xf32> to vector<16xf32>
          %get3A_354 = arith.index_cast %scan3A_319 : i32 to index
          %get3A_355 = arith.constant 80 : index
          %get3A_356 = tpu.vector_load %arg12[%get3A_354, %get3A_355] {strides = array<i32>} : memref<64x128xf32, #tpu.memory_space<vmem>>, vector<1x16xf32>,
          %get3A_357 = vector.shape_cast %get3A_356 : vector<1x16xf32> to vector<16xf32>
          %get3A_358 = arith.index_cast %scan3A_319 : i32 to index
          %get3A_359 = arith.constant 16 : index
          %get3A_360 = tpu.vector_load %arg13[%get3A_358, %get3A_359] {strides = array<i32>} : memref<64x128xf32, #tpu.memory_space<vmem>>, vector<1x16xf32>,
          %get3A_361 = vector.shape_cast %get3A_360 : vector<1x16xf32> to vector<16xf32>
          %get3A_362 = arith.index_cast %scan3A_319 : i32 to index
          %get3A_363 = arith.constant 80 : index
          %get3A_364 = tpu.vector_load %arg13[%get3A_362, %get3A_363] {strides = array<i32>} : memref<64x128xf32, #tpu.memory_space<vmem>>, vector<1x16xf32>,
          %get3A_365 = vector.shape_cast %get3A_364 : vector<1x16xf32> to vector<16xf32>
          %mul3A_366 = arith.mulf %get3A_353, %get3A_361 : vector<16xf32>
          %mul3A_367 = arith.mulf %get3A_357, %get3A_365 : vector<16xf32>
          %sub3A_368 = arith.subf %mul3A_366, %mul3A_367 : vector<16xf32>
          %swap3A_369 = arith.index_cast %scan3A_319 : i32 to index
          %swap3A_370 = arith.constant 16 : index
          %swap3A_371 = tpu.vector_load %arg15[%swap3A_369, %swap3A_370] {strides = array<i32>} : memref<64x128xf32, #tpu.memory_space<vmem>>, vector<1x16xf32>,
          %swap3A_372 = vector.shape_cast %swap3A_371 : vector<1x16xf32> to vector<16xf32>
          %swap3A_373 = vector.shape_cast %sub3A_368 : vector<16xf32> to vector<1x16xf32>
          tpu.vector_store %arg15[%swap3A_369, %swap3A_370], %swap3A_373 {strides = array<i32>} : memref<64x128xf32, #tpu.memory_space<vmem>>, vector<1x16xf32>,
          %mul3A_374 = arith.mulf %get3A_353, %get3A_365 : vector<16xf32>
          %mul3A_375 = arith.mulf %get3A_357, %get3A_361 : vector<16xf32>
          %add3A_376 = arith.addf %mul3A_374, %mul3A_375 : vector<16xf32>
          %swap3A_377 = arith.index_cast %scan3A_319 : i32 to index
          %swap3A_378 = arith.constant 80 : index
          %swap3A_379 = tpu.vector_load %arg15[%swap3A_377, %swap3A_378] {strides = array<i32>} : memref<64x128xf32, #tpu.memory_space<vmem>>, vector<1x16xf32>,
          %swap3A_380 = vector.shape_cast %swap3A_379 : vector<1x16xf32> to vector<16xf32>
          %swap3A_381 = vector.shape_cast %add3A_376 : vector<16xf32> to vector<1x16xf32>
          tpu.vector_store %arg15[%swap3A_377, %swap3A_378], %swap3A_381 {strides = array<i32>} : memref<64x128xf32, #tpu.memory_space<vmem>>, vector<1x16xf32>,
          %get3A_382 = arith.index_cast %scan3A_319 : i32 to index
          %get3A_383 = arith.constant 32 : index
          %get3A_384 = tpu.vector_load %arg12[%get3A_382, %get3A_383] {strides = array<i32>} : memref<64x128xf32, #tpu.memory_space<vmem>>, vector<1x16xf32>,
          %get3A_385 = vector.shape_cast %get3A_384 : vector<1x16xf32> to vector<16xf32>
          %get3A_386 = arith.index_cast %scan3A_319 : i32 to index
          %get3A_387 = arith.constant 96 : index
          %get3A_388 = tpu.vector_load %arg12[%get3A_386, %get3A_387] {strides = array<i32>} : memref<64x128xf32, #tpu.memory_space<vmem>>, vector<1x16xf32>,
          %get3A_389 = vector.shape_cast %get3A_388 : vector<1x16xf32> to vector<16xf32>
          %get3A_390 = arith.index_cast %scan3A_319 : i32 to index
          %get3A_391 = arith.constant 32 : index
          %get3A_392 = tpu.vector_load %arg13[%get3A_390, %get3A_391] {strides = array<i32>} : memref<64x128xf32, #tpu.memory_space<vmem>>, vector<1x16xf32>,
          %get3A_393 = vector.shape_cast %get3A_392 : vector<1x16xf32> to vector<16xf32>
          %get3A_394 = arith.index_cast %scan3A_319 : i32 to index
          %get3A_395 = arith.constant 96 : index
          %get3A_396 = tpu.vector_load %arg13[%get3A_394, %get3A_395] {strides = array<i32>} : memref<64x128xf32, #tpu.memory_space<vmem>>, vector<1x16xf32>,
          %get3A_397 = vector.shape_cast %get3A_396 : vector<1x16xf32> to vector<16xf32>
          %mul3A_398 = arith.mulf %get3A_385, %get3A_393 : vector<16xf32>
          %mul3A_399 = arith.mulf %get3A_389, %get3A_397 : vector<16xf32>
          %sub3A_400 = arith.subf %mul3A_398, %mul3A_399 : vector<16xf32>
          %swap3A_401 = arith.index_cast %scan3A_319 : i32 to index
          %swap3A_402 = arith.constant 32 : index
          %swap3A_403 = tpu.vector_load %arg15[%swap3A_401, %swap3A_402] {strides = array<i32>} : memref<64x128xf32, #tpu.memory_space<vmem>>, vector<1x16xf32>,
          %swap3A_404 = vector.shape_cast %swap3A_403 : vector<1x16xf32> to vector<16xf32>
          %swap3A_405 = vector.shape_cast %sub3A_400 : vector<16xf32> to vector<1x16xf32>
          tpu.vector_store %arg15[%swap3A_401, %swap3A_402], %swap3A_405 {strides = array<i32>} : memref<64x128xf32, #tpu.memory_space<vmem>>, vector<1x16xf32>,
          %mul3A_406 = arith.mulf %get3A_385, %get3A_397 : vector<16xf32>
          %mul3A_407 = arith.mulf %get3A_389, %get3A_393 : vector<16xf32>
          %add3A_408 = arith.addf %mul3A_406, %mul3A_407 : vector<16xf32>
          %swap3A_409 = arith.index_cast %scan3A_319 : i32 to index
          %swap3A_410 = arith.constant 96 : index
          %swap3A_411 = tpu.vector_load %arg15[%swap3A_409, %swap3A_410] {strides = array<i32>} : memref<64x128xf32, #tpu.memory_space<vmem>>, vector<1x16xf32>,
          %swap3A_412 = vector.shape_cast %swap3A_411 : vector<1x16xf32> to vector<16xf32>
          %swap3A_413 = vector.shape_cast %add3A_408 : vector<16xf32> to vector<1x16xf32>
          tpu.vector_store %arg15[%swap3A_409, %swap3A_410], %swap3A_413 {strides = array<i32>} : memref<64x128xf32, #tpu.memory_space<vmem>>, vector<1x16xf32>,
          %get3A_414 = arith.index_cast %scan3A_319 : i32 to index
          %get3A_415 = arith.constant 48 : index
          %get3A_416 = tpu.vector_load %arg12[%get3A_414, %get3A_415] {strides = array<i32>} : memref<64x128xf32, #tpu.memory_space<vmem>>, vector<1x16xf32>,
          %get3A_417 = vector.shape_cast %get3A_416 : vector<1x16xf32> to vector<16xf32>
          %get3A_418 = arith.index_cast %scan3A_319 : i32 to index
          %get3A_419 = arith.constant 112 : index
          %get3A_420 = tpu.vector_load %arg12[%get3A_418, %get3A_419] {strides = array<i32>} : memref<64x128xf32, #tpu.memory_space<vmem>>, vector<1x16xf32>,
          %get3A_421 = vector.shape_cast %get3A_420 : vector<1x16xf32> to vector<16xf32>
          %get3A_422 = arith.index_cast %scan3A_319 : i32 to index
          %get3A_423 = arith.constant 48 : index
          %get3A_424 = tpu.vector_load %arg13[%get3A_422, %get3A_423] {strides = array<i32>} : memref<64x128xf32, #tpu.memory_space<vmem>>, vector<1x16xf32>,
          %get3A_425 = vector.shape_cast %get3A_424 : vector<1x16xf32> to vector<16xf32>
          %get3A_426 = arith.index_cast %scan3A_319 : i32 to index
          %get3A_427 = arith.constant 112 : index
          %get3A_428 = tpu.vector_load %arg13[%get3A_426, %get3A_427] {strides = array<i32>} : memref<64x128xf32, #tpu.memory_space<vmem>>, vector<1x16xf32>,
          %get3A_429 = vector.shape_cast %get3A_428 : vector<1x16xf32> to vector<16xf32>
          %mul3A_430 = arith.mulf %get3A_417, %get3A_425 : vector<16xf32>
          %mul3A_431 = arith.mulf %get3A_421, %get3A_429 : vector<16xf32>
          %sub3A_432 = arith.subf %mul3A_430, %mul3A_431 : vector<16xf32>
          %swap3A_433 = arith.index_cast %scan3A_319 : i32 to index
          %swap3A_434 = arith.constant 48 : index
          %swap3A_435 = tpu.vector_load %arg15[%swap3A_433, %swap3A_434] {strides = array<i32>} : memref<64x128xf32, #tpu.memory_space<vmem>>, vector<1x16xf32>,
          %swap3A_436 = vector.shape_cast %swap3A_435 : vector<1x16xf32> to vector<16xf32>
          %swap3A_437 = vector.shape_cast %sub3A_432 : vector<16xf32> to vector<1x16xf32>
          tpu.vector_store %arg15[%swap3A_433, %swap3A_434], %swap3A_437 {strides = array<i32>} : memref<64x128xf32, #tpu.memory_space<vmem>>, vector<1x16xf32>,
          %mul3A_438 = arith.mulf %get3A_417, %get3A_429 : vector<16xf32>
          %mul3A_439 = arith.mulf %get3A_421, %get3A_425 : vector<16xf32>
          %add3A_440 = arith.addf %mul3A_438, %mul3A_439 : vector<16xf32>
          %swap3A_441 = arith.index_cast %scan3A_319 : i32 to index
          %swap3A_442 = arith.constant 112 : index
          %swap3A_443 = tpu.vector_load %arg15[%swap3A_441, %swap3A_442] {strides = array<i32>} : memref<64x128xf32, #tpu.memory_space<vmem>>, vector<1x16xf32>,
          %swap3A_444 = vector.shape_cast %swap3A_443 : vector<1x16xf32> to vector<16xf32>
          %swap3A_445 = vector.shape_cast %add3A_440 : vector<16xf32> to vector<1x16xf32>
          tpu.vector_store %arg15[%swap3A_441, %swap3A_442], %swap3A_445 {strides = array<i32>} : memref<64x128xf32, #tpu.memory_space<vmem>>, vector<1x16xf32>,
        }
        %scan3A_295 = arith.constant 64 : i32
        %scan3A_296 = arith.constant 0 : i32
        %scan3A_297 = arith.constant 0 : i32
        %scan3A_298 = arith.constant 4 : i32
        %scan3A_299 = arith.addi %scan3A_297, %scan3A_298 : i32
        %scan3A_300 = arith.constant 1 : i32
        scf.for %scan3A_319 = %scan3A_297 to %scan3A_299 step %scan3A_300  : i32 {
          %mul3A_320 = arith.constant 16 : i32
          %mul3A_321 = arith.muli %scan3A_319, %mul3A_320 : i32
          %get3A = arith.constant 1 : i32
          %get3A_322 = arith.index_cast %get3A : i32 to index
          %get3A_323 = arith.index_cast %mul3A_321 : i32 to index
          %get3A_324 = tpu.vector_load %arg7[%get3A_322, %get3A_323] {strides = array<i32>} : memref<3x64xi32, #tpu.memory_space<vmem>>, vector<1x16xi32>,
          %get3A_325 = vector.shape_cast %get3A_324 : vector<1x16xi32> to vector<16xi32>
          %swap3A = arith.index_cast %mul3A_321 : i32 to index
          %swap3A_326 = tpu.vector_load %arg9[%swap3A] {strides = array<i32>} : memref<64xi32, #tpu.memory_space<vmem>>, vector<16xi32>,
          %swap3A_327 = vector.shape_cast %swap3A_326 : vector<16xi32> to vector<16xi32>
          %swap3A_328 = vector.shape_cast %get3A_325 : vector<16xi32> to vector<16xi32>
          tpu.vector_store %arg9[%swap3A], %swap3A_328 {strides = array<i32>} : memref<64xi32, #tpu.memory_space<vmem>>, vector<16xi32>,
        }
        %scan3A_301 = arith.constant 4 : i32
        %dma_start3A_302 = arith.constant 0 : i32
        %dma_start3A_303 = arith.constant 0 : i32
        %dma_start3A_304 = tpu.memref_slice %arg16[%dma_start3A_302, %dma_start3A_303] : memref<10000x128xf32, #tpu.memory_space<vmem_shared>> -> memref<10000x128xf32, #tpu.memory_space<vmem_shared>>
        tpu.enqueue_indirect_dma source(%arg15 : memref<64x128xf32, #tpu.memory_space<vmem>>) target(%dma_start3A_304 : memref<10000x128xf32, #tpu.memory_space<vmem_shared>>) offsets(%arg9 : memref<64xi32, #tpu.memory_space<vmem>>) semaphore(%arg20 : memref<!tpu.dma_semaphore, #tpu.memory_space<semaphore_mem>>) {add = true}
        %add3A_305 = arith.constant 2 : i32
        %add3A_306 = arith.addi %add3A_244, %add3A_305 : i32
        %sub3A_307 = arith.constant 1 : i32
        %sub3A_308 = arith.subi %select_n3A_25, %sub3A_307 : i32
        %min3A_309 = arith.minsi %add3A_306, %sub3A_308 : i32
        %mul3A_310 = arith.constant 16 : i32
        %mul3A_311 = arith.muli %min3A_309, %mul3A_310 : i32
        %add3A_312 = arith.addi %mul3A_311, %arg1 : i32
        %mul3A_313 = arith.constant 3 : i32
        %mul3A_314 = arith.muli %add3A_312, %mul3A_313 : i32
        %dma_start3A_315 = arith.constant 0 : i32
        %dma_start3A_316 = tpu.memref_slice %arg4[%mul3A_314, %dma_start3A_315] : memref<15000x64xi32, #tpu.memory_space<hbm>> -> memref<3x64xi32, #tpu.memory_space<hbm>>
        %dma_start3A_317 = arith.constant 0 : i32
        %dma_start3A_318 = tpu.memref_slice %arg4[%mul3A_314, %dma_start3A_317] : memref<15000x64xi32, #tpu.memory_space<hbm>> -> memref<3x64xi32, #tpu.memory_space<hbm>>
        tpu.enqueue_dma source(%dma_start3A_318 : memref<3x64xi32, #tpu.memory_space<hbm>>) target(%arg7 : memref<3x64xi32, #tpu.memory_space<vmem>>) target_semaphore(%arg22 : memref<!tpu.dma_semaphore, #tpu.memory_space<semaphore_mem>>)
      } else {
      }
    }
    %while3A_103 = arith.constant 1 : i32
    scf.for %while3A_161 = %while3A_101 to %while3A_97 step %while3A_103  : i32 {
      %mul3A_162 = arith.constant 2 : i32
      %mul3A_163 = arith.muli %mul3A_162, %while3A_161 : i32
      %dma_wait3A_164 = arith.constant 0 : i32
      %dma_wait3A_165 = arith.constant 0 : i32
      %dma_wait3A_166 = tpu.memref_slice %arg4[%dma_wait3A_164, %dma_wait3A_165] : memref<15000x64xi32, #tpu.memory_space<hbm>> -> memref<3x64xi32, #tpu.memory_space<hbm>>
      %dma_wait3A_167 = arith.constant 0 : i32
      %dma_wait3A_168 = arith.constant 0 : i32
      %dma_wait3A_169 = tpu.memref_slice %arg4[%dma_wait3A_167, %dma_wait3A_168] : memref<15000x64xi32, #tpu.memory_space<hbm>> -> memref<3x64xi32, #tpu.memory_space<hbm>>
      tpu.wait_dma2 semaphore(%arg22 : memref<!tpu.dma_semaphore, #tpu.memory_space<semaphore_mem>>) src(%dma_wait3A_169 : memref<3x64xi32, #tpu.memory_space<hbm>>) dst(%arg7 : memref<3x64xi32, #tpu.memory_space<vmem>>)
      %scan3A_170 = arith.constant 0 : i32
      %scan3A_171 = arith.constant 0 : i32
      %scan3A_172 = arith.constant 4 : i32
      %scan3A_173 = arith.addi %scan3A_171, %scan3A_172 : i32
      %scan3A_174 = arith.constant 1 : i32
      scf.for %scan3A_243 = %scan3A_171 to %scan3A_173 step %scan3A_174  : i32 {
        %mul3A_244 = arith.constant 16 : i32
        %mul3A_245 = arith.muli %scan3A_243, %mul3A_244 : i32
        %get3A = arith.constant 0 : i32
        %get3A_246 = arith.index_cast %get3A : i32 to index
        %get3A_247 = arith.index_cast %mul3A_245 : i32 to index
        %get3A_248 = tpu.vector_load %arg7[%get3A_246, %get3A_247] {strides = array<i32>} : memref<3x64xi32, #tpu.memory_space<vmem>>, vector<1x16xi32>,
        %get3A_249 = vector.shape_cast %get3A_248 : vector<1x16xi32> to vector<16xi32>
        %add3A_250 = vector.broadcast %mul3A_19 : i32 to vector<16xi32>
        %add3A_251 = arith.addi %get3A_249, %add3A_250 : vector<16xi32>
        %swap3A = arith.constant 0 : i32
        %swap3A_252 = arith.index_cast %swap3A : i32 to index
        %swap3A_253 = arith.index_cast %mul3A_245 : i32 to index
        %swap3A_254 = tpu.vector_load %arg7[%swap3A_252, %swap3A_253] {strides = array<i32>} : memref<3x64xi32, #tpu.memory_space<vmem>>, vector<1x16xi32>,
        %swap3A_255 = vector.shape_cast %swap3A_254 : vector<1x16xi32> to vector<16xi32>
        %swap3A_256 = vector.shape_cast %add3A_251 : vector<16xi32> to vector<1x16xi32>
        tpu.vector_store %arg7[%swap3A_252, %swap3A_253], %swap3A_256 {strides = array<i32>} : memref<3x64xi32, #tpu.memory_space<vmem>>, vector<1x16xi32>,
        %get3A_257 = arith.constant 2 : i32
        %get3A_258 = arith.index_cast %get3A_257 : i32 to index
        %get3A_259 = arith.index_cast %mul3A_245 : i32 to index
        %get3A_260 = tpu.vector_load %arg7[%get3A_258, %get3A_259] {strides = array<i32>} : memref<3x64xi32, #tpu.memory_space<vmem>>, vector<1x16xi32>,
        %get3A_261 = vector.shape_cast %get3A_260 : vector<1x16xi32> to vector<16xi32>
        %add3A_262 = vector.broadcast %mul3A_21 : i32 to vector<16xi32>
        %add3A_263 = arith.addi %get3A_261, %add3A_262 : vector<16xi32>
        %swap3A_264 = arith.constant 2 : i32
        %swap3A_265 = arith.index_cast %swap3A_264 : i32 to index
        %swap3A_266 = arith.index_cast %mul3A_245 : i32 to index
        %swap3A_267 = tpu.vector_load %arg7[%swap3A_265, %swap3A_266] {strides = array<i32>} : memref<3x64xi32, #tpu.memory_space<vmem>>, vector<1x16xi32>,
        %swap3A_268 = vector.shape_cast %swap3A_267 : vector<1x16xi32> to vector<16xi32>
        %swap3A_269 = vector.shape_cast %add3A_263 : vector<16xi32> to vector<1x16xi32>
        tpu.vector_store %arg7[%swap3A_265, %swap3A_266], %swap3A_269 {strides = array<i32>} : memref<3x64xi32, #tpu.memory_space<vmem>>, vector<1x16xi32>,
      }
      %scan3A_175 = arith.constant 4 : i32
      %dma_start3A_176 = arith.constant 0 : i32
      %dma_start3A_177 = arith.constant 0 : i32
      %dma_start3A_178 = tpu.memref_slice %arg7[%dma_start3A_176, %dma_start3A_177] : memref<3x64xi32, #tpu.memory_space<vmem>> -> memref<1x64xi32, #tpu.memory_space<vmem>>
      %dma_start3A_179 = tpu.memref_squeeze %dma_start3A_178 : memref<1x64xi32, #tpu.memory_space<vmem>> -> memref<64xi32, #tpu.memory_space<vmem>>
      %dma_start3A_180 = arith.constant 0 : i32
      %dma_start3A_181 = arith.constant 0 : i32
      %dma_start3A_182 = tpu.memref_slice %arg2[%dma_start3A_180, %dma_start3A_181] : memref<20000x128xf32, #tpu.memory_space<hbm>> -> memref<20000x128xf32, #tpu.memory_space<hbm>>
      tpu.enqueue_indirect_dma source(%dma_start3A_182 : memref<20000x128xf32, #tpu.memory_space<hbm>>) target(%arg12 : memref<64x128xf32, #tpu.memory_space<vmem>>) offsets(%dma_start3A_179 : memref<64xi32, #tpu.memory_space<vmem>>) semaphore(%arg18 : memref<!tpu.dma_semaphore, #tpu.memory_space<semaphore_mem>>)
      %dma_start3A_183 = arith.constant 2 : i32
      %dma_start3A_184 = arith.constant 0 : i32
      %dma_start3A_185 = tpu.memref_slice %arg7[%dma_start3A_183, %dma_start3A_184] : memref<3x64xi32, #tpu.memory_space<vmem>> -> memref<1x64xi32, #tpu.memory_space<vmem>>
      %dma_start3A_186 = tpu.memref_squeeze %dma_start3A_185 : memref<1x64xi32, #tpu.memory_space<vmem>> -> memref<64xi32, #tpu.memory_space<vmem>>
      %dma_start3A_187 = arith.constant 0 : i32
      %dma_start3A_188 = arith.constant 0 : i32
      %dma_start3A_189 = tpu.memref_slice %arg3[%dma_start3A_187, %dma_start3A_188] : memref<800x128xf32, #tpu.memory_space<hbm>> -> memref<800x128xf32, #tpu.memory_space<hbm>>
      tpu.enqueue_indirect_dma source(%dma_start3A_189 : memref<800x128xf32, #tpu.memory_space<hbm>>) target(%arg13 : memref<64x128xf32, #tpu.memory_space<vmem>>) offsets(%dma_start3A_186 : memref<64xi32, #tpu.memory_space<vmem>>) semaphore(%arg18 : memref<!tpu.dma_semaphore, #tpu.memory_space<semaphore_mem>>)
      %dma_wait3A_190 = arith.constant 0 : i32
      %dma_wait3A_191 = arith.constant 0 : i32
      %dma_wait3A_192 = tpu.memref_slice %arg6[%dma_wait3A_190, %dma_wait3A_191] : memref<3x64xi32, #tpu.memory_space<vmem>> -> memref<1x64xi32, #tpu.memory_space<vmem>>
      %dma_wait3A_193 = tpu.memref_squeeze %dma_wait3A_192 : memref<1x64xi32, #tpu.memory_space<vmem>> -> memref<64xi32, #tpu.memory_space<vmem>>
      %dma_wait3A_194 = arith.constant 0 : i32
      %dma_wait3A_195 = arith.constant 0 : i32
      %dma_wait3A_196 = tpu.memref_slice %arg2[%dma_wait3A_194, %dma_wait3A_195] : memref<20000x128xf32, #tpu.memory_space<hbm>> -> memref<20000x128xf32, #tpu.memory_space<hbm>>
      tpu.wait_indirect_dma semaphore(%arg17 : memref<!tpu.dma_semaphore, #tpu.memory_space<semaphore_mem>>) src(%dma_wait3A_196 : memref<20000x128xf32, #tpu.memory_space<hbm>>) dst(%arg10 : memref<64x128xf32, #tpu.memory_space<vmem>>)
      %dma_wait3A_197 = arith.constant 2 : i32
      %dma_wait3A_198 = arith.constant 0 : i32
      %dma_wait3A_199 = tpu.memref_slice %arg6[%dma_wait3A_197, %dma_wait3A_198] : memref<3x64xi32, #tpu.memory_space<vmem>> -> memref<1x64xi32, #tpu.memory_space<vmem>>
      %dma_wait3A_200 = tpu.memref_squeeze %dma_wait3A_199 : memref<1x64xi32, #tpu.memory_space<vmem>> -> memref<64xi32, #tpu.memory_space<vmem>>
      %dma_wait3A_201 = arith.constant 0 : i32
      %dma_wait3A_202 = arith.constant 0 : i32
      %dma_wait3A_203 = tpu.memref_slice %arg3[%dma_wait3A_201, %dma_wait3A_202] : memref<800x128xf32, #tpu.memory_space<hbm>> -> memref<800x128xf32, #tpu.memory_space<hbm>>
      tpu.wait_indirect_dma semaphore(%arg17 : memref<!tpu.dma_semaphore, #tpu.memory_space<semaphore_mem>>) src(%dma_wait3A_203 : memref<800x128xf32, #tpu.memory_space<hbm>>) dst(%arg11 : memref<64x128xf32, #tpu.memory_space<vmem>>)
      %ge3A = arith.constant 2 : i32
      %ge3A_204 = arith.cmpi sge, %mul3A_163, %ge3A : i32
      %convert_element_type3A_205 = arith.extui %ge3A_204 : i1 to i32
      %cond3A_206 = arith.constant 0 : i32
      %cond3A_207 = arith.cmpi ne, %convert_element_type3A_205, %cond3A_206 : i32
      scf.if %cond3A_207 {
        %dma_wait3A_243 = arith.constant 0 : i32
        %dma_wait3A_244 = arith.constant 0 : i32
        %dma_wait3A_245 = tpu.memref_slice %arg16[%dma_wait3A_243, %dma_wait3A_244] : memref<10000x128xf32, #tpu.memory_space<vmem_shared>> -> memref<10000x128xf32, #tpu.memory_space<vmem_shared>>
        tpu.wait_indirect_dma semaphore(%arg19 : memref<!tpu.dma_semaphore, #tpu.memory_space<semaphore_mem>>) src(%arg14 : memref<64x128xf32, #tpu.memory_space<vmem>>) dst(%dma_wait3A_245 : memref<10000x128xf32, #tpu.memory_space<vmem_shared>>)
      } else {
      }
      %scan3A_208 = arith.constant 0 : i32
      %scan3A_209 = arith.constant 0 : i32
      %scan3A_210 = arith.constant 64 : i32
      %scan3A_211 = arith.addi %scan3A_209, %scan3A_210 : i32
      %scan3A_212 = arith.constant 1 : i32
      scf.for %scan3A_243 = %scan3A_209 to %scan3A_211 step %scan3A_212  : i32 {
        %get3A = arith.index_cast %scan3A_243 : i32 to index
        %get3A_244 = arith.constant 0 : index
        %get3A_245 = tpu.vector_load %arg10[%get3A, %get3A_244] {strides = array<i32>} : memref<64x128xf32, #tpu.memory_space<vmem>>, vector<1x16xf32>,
        %get3A_246 = vector.shape_cast %get3A_245 : vector<1x16xf32> to vector<16xf32>
        %get3A_247 = arith.index_cast %scan3A_243 : i32 to index
        %get3A_248 = arith.constant 64 : index
        %get3A_249 = tpu.vector_load %arg10[%get3A_247, %get3A_248] {strides = array<i32>} : memref<64x128xf32, #tpu.memory_space<vmem>>, vector<1x16xf32>,
        %get3A_250 = vector.shape_cast %get3A_249 : vector<1x16xf32> to vector<16xf32>
        %get3A_251 = arith.index_cast %scan3A_243 : i32 to index
        %get3A_252 = arith.constant 0 : index
        %get3A_253 = tpu.vector_load %arg11[%get3A_251, %get3A_252] {strides = array<i32>} : memref<64x128xf32, #tpu.memory_space<vmem>>, vector<1x16xf32>,
        %get3A_254 = vector.shape_cast %get3A_253 : vector<1x16xf32> to vector<16xf32>
        %get3A_255 = arith.index_cast %scan3A_243 : i32 to index
        %get3A_256 = arith.constant 64 : index
        %get3A_257 = tpu.vector_load %arg11[%get3A_255, %get3A_256] {strides = array<i32>} : memref<64x128xf32, #tpu.memory_space<vmem>>, vector<1x16xf32>,
        %get3A_258 = vector.shape_cast %get3A_257 : vector<1x16xf32> to vector<16xf32>
        %mul3A_259 = arith.mulf %get3A_246, %get3A_254 : vector<16xf32>
        %mul3A_260 = arith.mulf %get3A_250, %get3A_258 : vector<16xf32>
        %sub3A_261 = arith.subf %mul3A_259, %mul3A_260 : vector<16xf32>
        %swap3A = arith.index_cast %scan3A_243 : i32 to index
        %swap3A_262 = arith.constant 0 : index
        %swap3A_263 = tpu.vector_load %arg14[%swap3A, %swap3A_262] {strides = array<i32>} : memref<64x128xf32, #tpu.memory_space<vmem>>, vector<1x16xf32>,
        %swap3A_264 = vector.shape_cast %swap3A_263 : vector<1x16xf32> to vector<16xf32>
        %swap3A_265 = vector.shape_cast %sub3A_261 : vector<16xf32> to vector<1x16xf32>
        tpu.vector_store %arg14[%swap3A, %swap3A_262], %swap3A_265 {strides = array<i32>} : memref<64x128xf32, #tpu.memory_space<vmem>>, vector<1x16xf32>,
        %mul3A_266 = arith.mulf %get3A_246, %get3A_258 : vector<16xf32>
        %mul3A_267 = arith.mulf %get3A_250, %get3A_254 : vector<16xf32>
        %add3A_268 = arith.addf %mul3A_266, %mul3A_267 : vector<16xf32>
        %swap3A_269 = arith.index_cast %scan3A_243 : i32 to index
        %swap3A_270 = arith.constant 64 : index
        %swap3A_271 = tpu.vector_load %arg14[%swap3A_269, %swap3A_270] {strides = array<i32>} : memref<64x128xf32, #tpu.memory_space<vmem>>, vector<1x16xf32>,
        %swap3A_272 = vector.shape_cast %swap3A_271 : vector<1x16xf32> to vector<16xf32>
        %swap3A_273 = vector.shape_cast %add3A_268 : vector<16xf32> to vector<1x16xf32>
        tpu.vector_store %arg14[%swap3A_269, %swap3A_270], %swap3A_273 {strides = array<i32>} : memref<64x128xf32, #tpu.memory_space<vmem>>, vector<1x16xf32>,
        %get3A_274 = arith.index_cast %scan3A_243 : i32 to index
        %get3A_275 = arith.constant 16 : index
        %get3A_276 = tpu.vector_load %arg10[%get3A_274, %get3A_275] {strides = array<i32>} : memref<64x128xf32, #tpu.memory_space<vmem>>, vector<1x16xf32>,
        %get3A_277 = vector.shape_cast %get3A_276 : vector<1x16xf32> to vector<16xf32>
        %get3A_278 = arith.index_cast %scan3A_243 : i32 to index
        %get3A_279 = arith.constant 80 : index
        %get3A_280 = tpu.vector_load %arg10[%get3A_278, %get3A_279] {strides = array<i32>} : memref<64x128xf32, #tpu.memory_space<vmem>>, vector<1x16xf32>,
        %get3A_281 = vector.shape_cast %get3A_280 : vector<1x16xf32> to vector<16xf32>
        %get3A_282 = arith.index_cast %scan3A_243 : i32 to index
        %get3A_283 = arith.constant 16 : index
        %get3A_284 = tpu.vector_load %arg11[%get3A_282, %get3A_283] {strides = array<i32>} : memref<64x128xf32, #tpu.memory_space<vmem>>, vector<1x16xf32>,
        %get3A_285 = vector.shape_cast %get3A_284 : vector<1x16xf32> to vector<16xf32>
        %get3A_286 = arith.index_cast %scan3A_243 : i32 to index
        %get3A_287 = arith.constant 80 : index
        %get3A_288 = tpu.vector_load %arg11[%get3A_286, %get3A_287] {strides = array<i32>} : memref<64x128xf32, #tpu.memory_space<vmem>>, vector<1x16xf32>,
        %get3A_289 = vector.shape_cast %get3A_288 : vector<1x16xf32> to vector<16xf32>
        %mul3A_290 = arith.mulf %get3A_277, %get3A_285 : vector<16xf32>
        %mul3A_291 = arith.mulf %get3A_281, %get3A_289 : vector<16xf32>
        %sub3A_292 = arith.subf %mul3A_290, %mul3A_291 : vector<16xf32>
        %swap3A_293 = arith.index_cast %scan3A_243 : i32 to index
        %swap3A_294 = arith.constant 16 : index
        %swap3A_295 = tpu.vector_load %arg14[%swap3A_293, %swap3A_294] {strides = array<i32>} : memref<64x128xf32, #tpu.memory_space<vmem>>, vector<1x16xf32>,
        %swap3A_296 = vector.shape_cast %swap3A_295 : vector<1x16xf32> to vector<16xf32>
        %swap3A_297 = vector.shape_cast %sub3A_292 : vector<16xf32> to vector<1x16xf32>
        tpu.vector_store %arg14[%swap3A_293, %swap3A_294], %swap3A_297 {strides = array<i32>} : memref<64x128xf32, #tpu.memory_space<vmem>>, vector<1x16xf32>,
        %mul3A_298 = arith.mulf %get3A_277, %get3A_289 : vector<16xf32>
        %mul3A_299 = arith.mulf %get3A_281, %get3A_285 : vector<16xf32>
        %add3A_300 = arith.addf %mul3A_298, %mul3A_299 : vector<16xf32>
        %swap3A_301 = arith.index_cast %scan3A_243 : i32 to index
        %swap3A_302 = arith.constant 80 : index
        %swap3A_303 = tpu.vector_load %arg14[%swap3A_301, %swap3A_302] {strides = array<i32>} : memref<64x128xf32, #tpu.memory_space<vmem>>, vector<1x16xf32>,
        %swap3A_304 = vector.shape_cast %swap3A_303 : vector<1x16xf32> to vector<16xf32>
        %swap3A_305 = vector.shape_cast %add3A_300 : vector<16xf32> to vector<1x16xf32>
        tpu.vector_store %arg14[%swap3A_301, %swap3A_302], %swap3A_305 {strides = array<i32>} : memref<64x128xf32, #tpu.memory_space<vmem>>, vector<1x16xf32>,
        %get3A_306 = arith.index_cast %scan3A_243 : i32 to index
        %get3A_307 = arith.constant 32 : index
        %get3A_308 = tpu.vector_load %arg10[%get3A_306, %get3A_307] {strides = array<i32>} : memref<64x128xf32, #tpu.memory_space<vmem>>, vector<1x16xf32>,
        %get3A_309 = vector.shape_cast %get3A_308 : vector<1x16xf32> to vector<16xf32>
        %get3A_310 = arith.index_cast %scan3A_243 : i32 to index
        %get3A_311 = arith.constant 96 : index
        %get3A_312 = tpu.vector_load %arg10[%get3A_310, %get3A_311] {strides = array<i32>} : memref<64x128xf32, #tpu.memory_space<vmem>>, vector<1x16xf32>,
        %get3A_313 = vector.shape_cast %get3A_312 : vector<1x16xf32> to vector<16xf32>
        %get3A_314 = arith.index_cast %scan3A_243 : i32 to index
        %get3A_315 = arith.constant 32 : index
        %get3A_316 = tpu.vector_load %arg11[%get3A_314, %get3A_315] {strides = array<i32>} : memref<64x128xf32, #tpu.memory_space<vmem>>, vector<1x16xf32>,
        %get3A_317 = vector.shape_cast %get3A_316 : vector<1x16xf32> to vector<16xf32>
        %get3A_318 = arith.index_cast %scan3A_243 : i32 to index
        %get3A_319 = arith.constant 96 : index
        %get3A_320 = tpu.vector_load %arg11[%get3A_318, %get3A_319] {strides = array<i32>} : memref<64x128xf32, #tpu.memory_space<vmem>>, vector<1x16xf32>,
        %get3A_321 = vector.shape_cast %get3A_320 : vector<1x16xf32> to vector<16xf32>
        %mul3A_322 = arith.mulf %get3A_309, %get3A_317 : vector<16xf32>
        %mul3A_323 = arith.mulf %get3A_313, %get3A_321 : vector<16xf32>
        %sub3A_324 = arith.subf %mul3A_322, %mul3A_323 : vector<16xf32>
        %swap3A_325 = arith.index_cast %scan3A_243 : i32 to index
        %swap3A_326 = arith.constant 32 : index
        %swap3A_327 = tpu.vector_load %arg14[%swap3A_325, %swap3A_326] {strides = array<i32>} : memref<64x128xf32, #tpu.memory_space<vmem>>, vector<1x16xf32>,
        %swap3A_328 = vector.shape_cast %swap3A_327 : vector<1x16xf32> to vector<16xf32>
        %swap3A_329 = vector.shape_cast %sub3A_324 : vector<16xf32> to vector<1x16xf32>
        tpu.vector_store %arg14[%swap3A_325, %swap3A_326], %swap3A_329 {strides = array<i32>} : memref<64x128xf32, #tpu.memory_space<vmem>>, vector<1x16xf32>,
        %mul3A_330 = arith.mulf %get3A_309, %get3A_321 : vector<16xf32>
        %mul3A_331 = arith.mulf %get3A_313, %get3A_317 : vector<16xf32>
        %add3A_332 = arith.addf %mul3A_330, %mul3A_331 : vector<16xf32>
        %swap3A_333 = arith.index_cast %scan3A_243 : i32 to index
        %swap3A_334 = arith.constant 96 : index
        %swap3A_335 = tpu.vector_load %arg14[%swap3A_333, %swap3A_334] {strides = array<i32>} : memref<64x128xf32, #tpu.memory_space<vmem>>, vector<1x16xf32>,
        %swap3A_336 = vector.shape_cast %swap3A_335 : vector<1x16xf32> to vector<16xf32>
        %swap3A_337 = vector.shape_cast %add3A_332 : vector<16xf32> to vector<1x16xf32>
        tpu.vector_store %arg14[%swap3A_333, %swap3A_334], %swap3A_337 {strides = array<i32>} : memref<64x128xf32, #tpu.memory_space<vmem>>, vector<1x16xf32>,
        %get3A_338 = arith.index_cast %scan3A_243 : i32 to index
        %get3A_339 = arith.constant 48 : index
        %get3A_340 = tpu.vector_load %arg10[%get3A_338, %get3A_339] {strides = array<i32>} : memref<64x128xf32, #tpu.memory_space<vmem>>, vector<1x16xf32>,
        %get3A_341 = vector.shape_cast %get3A_340 : vector<1x16xf32> to vector<16xf32>
        %get3A_342 = arith.index_cast %scan3A_243 : i32 to index
        %get3A_343 = arith.constant 112 : index
        %get3A_344 = tpu.vector_load %arg10[%get3A_342, %get3A_343] {strides = array<i32>} : memref<64x128xf32, #tpu.memory_space<vmem>>, vector<1x16xf32>,
        %get3A_345 = vector.shape_cast %get3A_344 : vector<1x16xf32> to vector<16xf32>
        %get3A_346 = arith.index_cast %scan3A_243 : i32 to index
        %get3A_347 = arith.constant 48 : index
        %get3A_348 = tpu.vector_load %arg11[%get3A_346, %get3A_347] {strides = array<i32>} : memref<64x128xf32, #tpu.memory_space<vmem>>, vector<1x16xf32>,
        %get3A_349 = vector.shape_cast %get3A_348 : vector<1x16xf32> to vector<16xf32>
        %get3A_350 = arith.index_cast %scan3A_243 : i32 to index
        %get3A_351 = arith.constant 112 : index
        %get3A_352 = tpu.vector_load %arg11[%get3A_350, %get3A_351] {strides = array<i32>} : memref<64x128xf32, #tpu.memory_space<vmem>>, vector<1x16xf32>,
        %get3A_353 = vector.shape_cast %get3A_352 : vector<1x16xf32> to vector<16xf32>
        %mul3A_354 = arith.mulf %get3A_341, %get3A_349 : vector<16xf32>
        %mul3A_355 = arith.mulf %get3A_345, %get3A_353 : vector<16xf32>
        %sub3A_356 = arith.subf %mul3A_354, %mul3A_355 : vector<16xf32>
        %swap3A_357 = arith.index_cast %scan3A_243 : i32 to index
        %swap3A_358 = arith.constant 48 : index
        %swap3A_359 = tpu.vector_load %arg14[%swap3A_357, %swap3A_358] {strides = array<i32>} : memref<64x128xf32, #tpu.memory_space<vmem>>, vector<1x16xf32>,
        %swap3A_360 = vector.shape_cast %swap3A_359 : vector<1x16xf32> to vector<16xf32>
        %swap3A_361 = vector.shape_cast %sub3A_356 : vector<16xf32> to vector<1x16xf32>
        tpu.vector_store %arg14[%swap3A_357, %swap3A_358], %swap3A_361 {strides = array<i32>} : memref<64x128xf32, #tpu.memory_space<vmem>>, vector<1x16xf32>,
        %mul3A_362 = arith.mulf %get3A_341, %get3A_353 : vector<16xf32>
        %mul3A_363 = arith.mulf %get3A_345, %get3A_349 : vector<16xf32>
        %add3A_364 = arith.addf %mul3A_362, %mul3A_363 : vector<16xf32>
        %swap3A_365 = arith.index_cast %scan3A_243 : i32 to index
        %swap3A_366 = arith.constant 112 : index
        %swap3A_367 = tpu.vector_load %arg14[%swap3A_365, %swap3A_366] {strides = array<i32>} : memref<64x128xf32, #tpu.memory_space<vmem>>, vector<1x16xf32>,
        %swap3A_368 = vector.shape_cast %swap3A_367 : vector<1x16xf32> to vector<16xf32>
        %swap3A_369 = vector.shape_cast %add3A_364 : vector<16xf32> to vector<1x16xf32>
        tpu.vector_store %arg14[%swap3A_365, %swap3A_366], %swap3A_369 {strides = array<i32>} : memref<64x128xf32, #tpu.memory_space<vmem>>, vector<1x16xf32>,
      }
      %scan3A_213 = arith.constant 64 : i32
      %scan3A_214 = arith.constant 0 : i32
      %scan3A_215 = arith.constant 0 : i32
      %scan3A_216 = arith.constant 4 : i32
      %scan3A_217 = arith.addi %scan3A_215, %scan3A_216 : i32
      %scan3A_218 = arith.constant 1 : i32
      scf.for %scan3A_243 = %scan3A_215 to %scan3A_217 step %scan3A_218  : i32 {
        %mul3A_244 = arith.constant 16 : i32
        %mul3A_245 = arith.muli %scan3A_243, %mul3A_244 : i32
        %get3A = arith.constant 1 : i32
        %get3A_246 = arith.index_cast %get3A : i32 to index
        %get3A_247 = arith.index_cast %mul3A_245 : i32 to index
        %get3A_248 = tpu.vector_load %arg6[%get3A_246, %get3A_247] {strides = array<i32>} : memref<3x64xi32, #tpu.memory_space<vmem>>, vector<1x16xi32>,
        %get3A_249 = vector.shape_cast %get3A_248 : vector<1x16xi32> to vector<16xi32>
        %swap3A = arith.index_cast %mul3A_245 : i32 to index
        %swap3A_250 = tpu.vector_load %arg8[%swap3A] {strides = array<i32>} : memref<64xi32, #tpu.memory_space<vmem>>, vector<16xi32>,
        %swap3A_251 = vector.shape_cast %swap3A_250 : vector<16xi32> to vector<16xi32>
        %swap3A_252 = vector.shape_cast %get3A_249 : vector<16xi32> to vector<16xi32>
        tpu.vector_store %arg8[%swap3A], %swap3A_252 {strides = array<i32>} : memref<64xi32, #tpu.memory_space<vmem>>, vector<16xi32>,
      }
      %scan3A_219 = arith.constant 4 : i32
      %dma_start3A_220 = arith.constant 0 : i32
      %dma_start3A_221 = arith.constant 0 : i32
      %dma_start3A_222 = tpu.memref_slice %arg16[%dma_start3A_220, %dma_start3A_221] : memref<10000x128xf32, #tpu.memory_space<vmem_shared>> -> memref<10000x128xf32, #tpu.memory_space<vmem_shared>>
      tpu.enqueue_indirect_dma source(%arg14 : memref<64x128xf32, #tpu.memory_space<vmem>>) target(%dma_start3A_222 : memref<10000x128xf32, #tpu.memory_space<vmem_shared>>) offsets(%arg8 : memref<64xi32, #tpu.memory_space<vmem>>) semaphore(%arg19 : memref<!tpu.dma_semaphore, #tpu.memory_space<semaphore_mem>>) {add = true}
      %add3A_223 = arith.constant 2 : i32
      %add3A_224 = arith.addi %mul3A_163, %add3A_223 : i32
      %sub3A_225 = arith.constant 1 : i32
      %sub3A_226 = arith.subi %select_n3A_25, %sub3A_225 : i32
      %min3A_227 = arith.minsi %add3A_224, %sub3A_226 : i32
      %mul3A_228 = arith.constant 16 : i32
      %mul3A_229 = arith.muli %min3A_227, %mul3A_228 : i32
      %add3A_230 = arith.addi %mul3A_229, %arg1 : i32
      %mul3A_231 = arith.constant 3 : i32
      %mul3A_232 = arith.muli %add3A_230, %mul3A_231 : i32
      %dma_start3A_233 = arith.constant 0 : i32
      %dma_start3A_234 = tpu.memref_slice %arg4[%mul3A_232, %dma_start3A_233] : memref<15000x64xi32, #tpu.memory_space<hbm>> -> memref<3x64xi32, #tpu.memory_space<hbm>>
      %dma_start3A_235 = arith.constant 0 : i32
      %dma_start3A_236 = tpu.memref_slice %arg4[%mul3A_232, %dma_start3A_235] : memref<15000x64xi32, #tpu.memory_space<hbm>> -> memref<3x64xi32, #tpu.memory_space<hbm>>
      tpu.enqueue_dma source(%dma_start3A_236 : memref<3x64xi32, #tpu.memory_space<hbm>>) target(%arg6 : memref<3x64xi32, #tpu.memory_space<vmem>>) target_semaphore(%arg21 : memref<!tpu.dma_semaphore, #tpu.memory_space<semaphore_mem>>)
      %add3A_237 = arith.constant 1 : i32
      %add3A_238 = arith.addi %mul3A_163, %add3A_237 : i32
      %lt3A_239 = arith.cmpi slt, %add3A_238, %select_n3A_25 : i32
      %convert_element_type3A_240 = arith.extui %lt3A_239 : i1 to i32
      %cond3A_241 = arith.constant 0 : i32
      %cond3A_242 = arith.cmpi ne, %convert_element_type3A_240, %cond3A_241 : i32
      scf.if %cond3A_242 {
        %add3A_243 = arith.constant 1 : i32
        %add3A_244 = arith.addi %mul3A_163, %add3A_243 : i32
        %dma_wait3A_245 = arith.constant 0 : i32
        %dma_wait3A_246 = arith.constant 0 : i32
        %dma_wait3A_247 = tpu.memref_slice %arg4[%dma_wait3A_245, %dma_wait3A_246] : memref<15000x64xi32, #tpu.memory_space<hbm>> -> memref<3x64xi32, #tpu.memory_space<hbm>>
        %dma_wait3A_248 = arith.constant 0 : i32
        %dma_wait3A_249 = arith.constant 0 : i32
        %dma_wait3A_250 = tpu.memref_slice %arg4[%dma_wait3A_248, %dma_wait3A_249] : memref<15000x64xi32, #tpu.memory_space<hbm>> -> memref<3x64xi32, #tpu.memory_space<hbm>>
        tpu.wait_dma2 semaphore(%arg21 : memref<!tpu.dma_semaphore, #tpu.memory_space<semaphore_mem>>) src(%dma_wait3A_250 : memref<3x64xi32, #tpu.memory_space<hbm>>) dst(%arg6 : memref<3x64xi32, #tpu.memory_space<vmem>>)
        %scan3A_251 = arith.constant 0 : i32
        %scan3A_252 = arith.constant 0 : i32
        %scan3A_253 = arith.constant 4 : i32
        %scan3A_254 = arith.addi %scan3A_252, %scan3A_253 : i32
        %scan3A_255 = arith.constant 1 : i32
        scf.for %scan3A_319 = %scan3A_252 to %scan3A_254 step %scan3A_255  : i32 {
          %mul3A_320 = arith.constant 16 : i32
          %mul3A_321 = arith.muli %scan3A_319, %mul3A_320 : i32
          %get3A = arith.constant 0 : i32
          %get3A_322 = arith.index_cast %get3A : i32 to index
          %get3A_323 = arith.index_cast %mul3A_321 : i32 to index
          %get3A_324 = tpu.vector_load %arg6[%get3A_322, %get3A_323] {strides = array<i32>} : memref<3x64xi32, #tpu.memory_space<vmem>>, vector<1x16xi32>,
          %get3A_325 = vector.shape_cast %get3A_324 : vector<1x16xi32> to vector<16xi32>
          %add3A_326 = vector.broadcast %mul3A_19 : i32 to vector<16xi32>
          %add3A_327 = arith.addi %get3A_325, %add3A_326 : vector<16xi32>
          %swap3A = arith.constant 0 : i32
          %swap3A_328 = arith.index_cast %swap3A : i32 to index
          %swap3A_329 = arith.index_cast %mul3A_321 : i32 to index
          %swap3A_330 = tpu.vector_load %arg6[%swap3A_328, %swap3A_329] {strides = array<i32>} : memref<3x64xi32, #tpu.memory_space<vmem>>, vector<1x16xi32>,
          %swap3A_331 = vector.shape_cast %swap3A_330 : vector<1x16xi32> to vector<16xi32>
          %swap3A_332 = vector.shape_cast %add3A_327 : vector<16xi32> to vector<1x16xi32>
          tpu.vector_store %arg6[%swap3A_328, %swap3A_329], %swap3A_332 {strides = array<i32>} : memref<3x64xi32, #tpu.memory_space<vmem>>, vector<1x16xi32>,
          %get3A_333 = arith.constant 2 : i32
          %get3A_334 = arith.index_cast %get3A_333 : i32 to index
          %get3A_335 = arith.index_cast %mul3A_321 : i32 to index
          %get3A_336 = tpu.vector_load %arg6[%get3A_334, %get3A_335] {strides = array<i32>} : memref<3x64xi32, #tpu.memory_space<vmem>>, vector<1x16xi32>,
          %get3A_337 = vector.shape_cast %get3A_336 : vector<1x16xi32> to vector<16xi32>
          %add3A_338 = vector.broadcast %mul3A_21 : i32 to vector<16xi32>
          %add3A_339 = arith.addi %get3A_337, %add3A_338 : vector<16xi32>
          %swap3A_340 = arith.constant 2 : i32
          %swap3A_341 = arith.index_cast %swap3A_340 : i32 to index
          %swap3A_342 = arith.index_cast %mul3A_321 : i32 to index
          %swap3A_343 = tpu.vector_load %arg6[%swap3A_341, %swap3A_342] {strides = array<i32>} : memref<3x64xi32, #tpu.memory_space<vmem>>, vector<1x16xi32>,
          %swap3A_344 = vector.shape_cast %swap3A_343 : vector<1x16xi32> to vector<16xi32>
          %swap3A_345 = vector.shape_cast %add3A_339 : vector<16xi32> to vector<1x16xi32>
          tpu.vector_store %arg6[%swap3A_341, %swap3A_342], %swap3A_345 {strides = array<i32>} : memref<3x64xi32, #tpu.memory_space<vmem>>, vector<1x16xi32>,
        }
        %scan3A_256 = arith.constant 4 : i32
        %dma_start3A_257 = arith.constant 0 : i32
        %dma_start3A_258 = arith.constant 0 : i32
        %dma_start3A_259 = tpu.memref_slice %arg6[%dma_start3A_257, %dma_start3A_258] : memref<3x64xi32, #tpu.memory_space<vmem>> -> memref<1x64xi32, #tpu.memory_space<vmem>>
        %dma_start3A_260 = tpu.memref_squeeze %dma_start3A_259 : memref<1x64xi32, #tpu.memory_space<vmem>> -> memref<64xi32, #tpu.memory_space<vmem>>
        %dma_start3A_261 = arith.constant 0 : i32
        %dma_start3A_262 = arith.constant 0 : i32
        %dma_start3A_263 = tpu.memref_slice %arg2[%dma_start3A_261, %dma_start3A_262] : memref<20000x128xf32, #tpu.memory_space<hbm>> -> memref<20000x128xf32, #tpu.memory_space<hbm>>
        tpu.enqueue_indirect_dma source(%dma_start3A_263 : memref<20000x128xf32, #tpu.memory_space<hbm>>) target(%arg10 : memref<64x128xf32, #tpu.memory_space<vmem>>) offsets(%dma_start3A_260 : memref<64xi32, #tpu.memory_space<vmem>>) semaphore(%arg17 : memref<!tpu.dma_semaphore, #tpu.memory_space<semaphore_mem>>)
        %dma_start3A_264 = arith.constant 2 : i32
        %dma_start3A_265 = arith.constant 0 : i32
        %dma_start3A_266 = tpu.memref_slice %arg6[%dma_start3A_264, %dma_start3A_265] : memref<3x64xi32, #tpu.memory_space<vmem>> -> memref<1x64xi32, #tpu.memory_space<vmem>>
        %dma_start3A_267 = tpu.memref_squeeze %dma_start3A_266 : memref<1x64xi32, #tpu.memory_space<vmem>> -> memref<64xi32, #tpu.memory_space<vmem>>
        %dma_start3A_268 = arith.constant 0 : i32
        %dma_start3A_269 = arith.constant 0 : i32
        %dma_start3A_270 = tpu.memref_slice %arg3[%dma_start3A_268, %dma_start3A_269] : memref<800x128xf32, #tpu.memory_space<hbm>> -> memref<800x128xf32, #tpu.memory_space<hbm>>
        tpu.enqueue_indirect_dma source(%dma_start3A_270 : memref<800x128xf32, #tpu.memory_space<hbm>>) target(%arg11 : memref<64x128xf32, #tpu.memory_space<vmem>>) offsets(%dma_start3A_267 : memref<64xi32, #tpu.memory_space<vmem>>) semaphore(%arg17 : memref<!tpu.dma_semaphore, #tpu.memory_space<semaphore_mem>>)
        %dma_wait3A_271 = arith.constant 0 : i32
        %dma_wait3A_272 = arith.constant 0 : i32
        %dma_wait3A_273 = tpu.memref_slice %arg7[%dma_wait3A_271, %dma_wait3A_272] : memref<3x64xi32, #tpu.memory_space<vmem>> -> memref<1x64xi32, #tpu.memory_space<vmem>>
        %dma_wait3A_274 = tpu.memref_squeeze %dma_wait3A_273 : memref<1x64xi32, #tpu.memory_space<vmem>> -> memref<64xi32, #tpu.memory_space<vmem>>
        %dma_wait3A_275 = arith.constant 0 : i32
        %dma_wait3A_276 = arith.constant 0 : i32
        %dma_wait3A_277 = tpu.memref_slice %arg2[%dma_wait3A_275, %dma_wait3A_276] : memref<20000x128xf32, #tpu.memory_space<hbm>> -> memref<20000x128xf32, #tpu.memory_space<hbm>>
        tpu.wait_indirect_dma semaphore(%arg18 : memref<!tpu.dma_semaphore, #tpu.memory_space<semaphore_mem>>) src(%dma_wait3A_277 : memref<20000x128xf32, #tpu.memory_space<hbm>>) dst(%arg12 : memref<64x128xf32, #tpu.memory_space<vmem>>)
        %dma_wait3A_278 = arith.constant 2 : i32
        %dma_wait3A_279 = arith.constant 0 : i32
        %dma_wait3A_280 = tpu.memref_slice %arg7[%dma_wait3A_278, %dma_wait3A_279] : memref<3x64xi32, #tpu.memory_space<vmem>> -> memref<1x64xi32, #tpu.memory_space<vmem>>
        %dma_wait3A_281 = tpu.memref_squeeze %dma_wait3A_280 : memref<1x64xi32, #tpu.memory_space<vmem>> -> memref<64xi32, #tpu.memory_space<vmem>>
        %dma_wait3A_282 = arith.constant 0 : i32
        %dma_wait3A_283 = arith.constant 0 : i32
        %dma_wait3A_284 = tpu.memref_slice %arg3[%dma_wait3A_282, %dma_wait3A_283] : memref<800x128xf32, #tpu.memory_space<hbm>> -> memref<800x128xf32, #tpu.memory_space<hbm>>
        tpu.wait_indirect_dma semaphore(%arg18 : memref<!tpu.dma_semaphore, #tpu.memory_space<semaphore_mem>>) src(%dma_wait3A_284 : memref<800x128xf32, #tpu.memory_space<hbm>>) dst(%arg13 : memref<64x128xf32, #tpu.memory_space<vmem>>)
        %ge3A_285 = arith.constant 2 : i32
        %ge3A_286 = arith.cmpi sge, %add3A_244, %ge3A_285 : i32
        %convert_element_type3A_287 = arith.extui %ge3A_286 : i1 to i32
        %cond3A_288 = arith.constant 0 : i32
        %cond3A_289 = arith.cmpi ne, %convert_element_type3A_287, %cond3A_288 : i32
        scf.if %cond3A_289 {
          %dma_wait3A_319 = arith.constant 0 : i32
          %dma_wait3A_320 = arith.constant 0 : i32
          %dma_wait3A_321 = tpu.memref_slice %arg16[%dma_wait3A_319, %dma_wait3A_320] : memref<10000x128xf32, #tpu.memory_space<vmem_shared>> -> memref<10000x128xf32, #tpu.memory_space<vmem_shared>>
          tpu.wait_indirect_dma semaphore(%arg20 : memref<!tpu.dma_semaphore, #tpu.memory_space<semaphore_mem>>) src(%arg15 : memref<64x128xf32, #tpu.memory_space<vmem>>) dst(%dma_wait3A_321 : memref<10000x128xf32, #tpu.memory_space<vmem_shared>>)
        } else {
        }
        %scan3A_290 = arith.constant 0 : i32
        %scan3A_291 = arith.constant 0 : i32
        %scan3A_292 = arith.constant 64 : i32
        %scan3A_293 = arith.addi %scan3A_291, %scan3A_292 : i32
        %scan3A_294 = arith.constant 1 : i32
        scf.for %scan3A_319 = %scan3A_291 to %scan3A_293 step %scan3A_294  : i32 {
          %get3A = arith.index_cast %scan3A_319 : i32 to index
          %get3A_320 = arith.constant 0 : index
          %get3A_321 = tpu.vector_load %arg12[%get3A, %get3A_320] {strides = array<i32>} : memref<64x128xf32, #tpu.memory_space<vmem>>, vector<1x16xf32>,
          %get3A_322 = vector.shape_cast %get3A_321 : vector<1x16xf32> to vector<16xf32>
          %get3A_323 = arith.index_cast %scan3A_319 : i32 to index
          %get3A_324 = arith.constant 64 : index
          %get3A_325 = tpu.vector_load %arg12[%get3A_323, %get3A_324] {strides = array<i32>} : memref<64x128xf32, #tpu.memory_space<vmem>>, vector<1x16xf32>,
          %get3A_326 = vector.shape_cast %get3A_325 : vector<1x16xf32> to vector<16xf32>
          %get3A_327 = arith.index_cast %scan3A_319 : i32 to index
          %get3A_328 = arith.constant 0 : index
          %get3A_329 = tpu.vector_load %arg13[%get3A_327, %get3A_328] {strides = array<i32>} : memref<64x128xf32, #tpu.memory_space<vmem>>, vector<1x16xf32>,
          %get3A_330 = vector.shape_cast %get3A_329 : vector<1x16xf32> to vector<16xf32>
          %get3A_331 = arith.index_cast %scan3A_319 : i32 to index
          %get3A_332 = arith.constant 64 : index
          %get3A_333 = tpu.vector_load %arg13[%get3A_331, %get3A_332] {strides = array<i32>} : memref<64x128xf32, #tpu.memory_space<vmem>>, vector<1x16xf32>,
          %get3A_334 = vector.shape_cast %get3A_333 : vector<1x16xf32> to vector<16xf32>
          %mul3A_335 = arith.mulf %get3A_322, %get3A_330 : vector<16xf32>
          %mul3A_336 = arith.mulf %get3A_326, %get3A_334 : vector<16xf32>
          %sub3A_337 = arith.subf %mul3A_335, %mul3A_336 : vector<16xf32>
          %swap3A = arith.index_cast %scan3A_319 : i32 to index
          %swap3A_338 = arith.constant 0 : index
          %swap3A_339 = tpu.vector_load %arg15[%swap3A, %swap3A_338] {strides = array<i32>} : memref<64x128xf32, #tpu.memory_space<vmem>>, vector<1x16xf32>,
          %swap3A_340 = vector.shape_cast %swap3A_339 : vector<1x16xf32> to vector<16xf32>
          %swap3A_341 = vector.shape_cast %sub3A_337 : vector<16xf32> to vector<1x16xf32>
          tpu.vector_store %arg15[%swap3A, %swap3A_338], %swap3A_341 {strides = array<i32>} : memref<64x128xf32, #tpu.memory_space<vmem>>, vector<1x16xf32>,
          %mul3A_342 = arith.mulf %get3A_322, %get3A_334 : vector<16xf32>
          %mul3A_343 = arith.mulf %get3A_326, %get3A_330 : vector<16xf32>
          %add3A_344 = arith.addf %mul3A_342, %mul3A_343 : vector<16xf32>
          %swap3A_345 = arith.index_cast %scan3A_319 : i32 to index
          %swap3A_346 = arith.constant 64 : index
          %swap3A_347 = tpu.vector_load %arg15[%swap3A_345, %swap3A_346] {strides = array<i32>} : memref<64x128xf32, #tpu.memory_space<vmem>>, vector<1x16xf32>,
          %swap3A_348 = vector.shape_cast %swap3A_347 : vector<1x16xf32> to vector<16xf32>
          %swap3A_349 = vector.shape_cast %add3A_344 : vector<16xf32> to vector<1x16xf32>
          tpu.vector_store %arg15[%swap3A_345, %swap3A_346], %swap3A_349 {strides = array<i32>} : memref<64x128xf32, #tpu.memory_space<vmem>>, vector<1x16xf32>,
          %get3A_350 = arith.index_cast %scan3A_319 : i32 to index
          %get3A_351 = arith.constant 16 : index
          %get3A_352 = tpu.vector_load %arg12[%get3A_350, %get3A_351] {strides = array<i32>} : memref<64x128xf32, #tpu.memory_space<vmem>>, vector<1x16xf32>,
          %get3A_353 = vector.shape_cast %get3A_352 : vector<1x16xf32> to vector<16xf32>
          %get3A_354 = arith.index_cast %scan3A_319 : i32 to index
          %get3A_355 = arith.constant 80 : index
          %get3A_356 = tpu.vector_load %arg12[%get3A_354, %get3A_355] {strides = array<i32>} : memref<64x128xf32, #tpu.memory_space<vmem>>, vector<1x16xf32>,
          %get3A_357 = vector.shape_cast %get3A_356 : vector<1x16xf32> to vector<16xf32>
          %get3A_358 = arith.index_cast %scan3A_319 : i32 to index
          %get3A_359 = arith.constant 16 : index
          %get3A_360 = tpu.vector_load %arg13[%get3A_358, %get3A_359] {strides = array<i32>} : memref<64x128xf32, #tpu.memory_space<vmem>>, vector<1x16xf32>,
          %get3A_361 = vector.shape_cast %get3A_360 : vector<1x16xf32> to vector<16xf32>
          %get3A_362 = arith.index_cast %scan3A_319 : i32 to index
          %get3A_363 = arith.constant 80 : index
          %get3A_364 = tpu.vector_load %arg13[%get3A_362, %get3A_363] {strides = array<i32>} : memref<64x128xf32, #tpu.memory_space<vmem>>, vector<1x16xf32>,
          %get3A_365 = vector.shape_cast %get3A_364 : vector<1x16xf32> to vector<16xf32>
          %mul3A_366 = arith.mulf %get3A_353, %get3A_361 : vector<16xf32>
          %mul3A_367 = arith.mulf %get3A_357, %get3A_365 : vector<16xf32>
          %sub3A_368 = arith.subf %mul3A_366, %mul3A_367 : vector<16xf32>
          %swap3A_369 = arith.index_cast %scan3A_319 : i32 to index
          %swap3A_370 = arith.constant 16 : index
          %swap3A_371 = tpu.vector_load %arg15[%swap3A_369, %swap3A_370] {strides = array<i32>} : memref<64x128xf32, #tpu.memory_space<vmem>>, vector<1x16xf32>,
          %swap3A_372 = vector.shape_cast %swap3A_371 : vector<1x16xf32> to vector<16xf32>
          %swap3A_373 = vector.shape_cast %sub3A_368 : vector<16xf32> to vector<1x16xf32>
          tpu.vector_store %arg15[%swap3A_369, %swap3A_370], %swap3A_373 {strides = array<i32>} : memref<64x128xf32, #tpu.memory_space<vmem>>, vector<1x16xf32>,
          %mul3A_374 = arith.mulf %get3A_353, %get3A_365 : vector<16xf32>
          %mul3A_375 = arith.mulf %get3A_357, %get3A_361 : vector<16xf32>
          %add3A_376 = arith.addf %mul3A_374, %mul3A_375 : vector<16xf32>
          %swap3A_377 = arith.index_cast %scan3A_319 : i32 to index
          %swap3A_378 = arith.constant 80 : index
          %swap3A_379 = tpu.vector_load %arg15[%swap3A_377, %swap3A_378] {strides = array<i32>} : memref<64x128xf32, #tpu.memory_space<vmem>>, vector<1x16xf32>,
          %swap3A_380 = vector.shape_cast %swap3A_379 : vector<1x16xf32> to vector<16xf32>
          %swap3A_381 = vector.shape_cast %add3A_376 : vector<16xf32> to vector<1x16xf32>
          tpu.vector_store %arg15[%swap3A_377, %swap3A_378], %swap3A_381 {strides = array<i32>} : memref<64x128xf32, #tpu.memory_space<vmem>>, vector<1x16xf32>,
          %get3A_382 = arith.index_cast %scan3A_319 : i32 to index
          %get3A_383 = arith.constant 32 : index
          %get3A_384 = tpu.vector_load %arg12[%get3A_382, %get3A_383] {strides = array<i32>} : memref<64x128xf32, #tpu.memory_space<vmem>>, vector<1x16xf32>,
          %get3A_385 = vector.shape_cast %get3A_384 : vector<1x16xf32> to vector<16xf32>
          %get3A_386 = arith.index_cast %scan3A_319 : i32 to index
          %get3A_387 = arith.constant 96 : index
          %get3A_388 = tpu.vector_load %arg12[%get3A_386, %get3A_387] {strides = array<i32>} : memref<64x128xf32, #tpu.memory_space<vmem>>, vector<1x16xf32>,
          %get3A_389 = vector.shape_cast %get3A_388 : vector<1x16xf32> to vector<16xf32>
          %get3A_390 = arith.index_cast %scan3A_319 : i32 to index
          %get3A_391 = arith.constant 32 : index
          %get3A_392 = tpu.vector_load %arg13[%get3A_390, %get3A_391] {strides = array<i32>} : memref<64x128xf32, #tpu.memory_space<vmem>>, vector<1x16xf32>,
          %get3A_393 = vector.shape_cast %get3A_392 : vector<1x16xf32> to vector<16xf32>
          %get3A_394 = arith.index_cast %scan3A_319 : i32 to index
          %get3A_395 = arith.constant 96 : index
          %get3A_396 = tpu.vector_load %arg13[%get3A_394, %get3A_395] {strides = array<i32>} : memref<64x128xf32, #tpu.memory_space<vmem>>, vector<1x16xf32>,
          %get3A_397 = vector.shape_cast %get3A_396 : vector<1x16xf32> to vector<16xf32>
          %mul3A_398 = arith.mulf %get3A_385, %get3A_393 : vector<16xf32>
          %mul3A_399 = arith.mulf %get3A_389, %get3A_397 : vector<16xf32>
          %sub3A_400 = arith.subf %mul3A_398, %mul3A_399 : vector<16xf32>
          %swap3A_401 = arith.index_cast %scan3A_319 : i32 to index
          %swap3A_402 = arith.constant 32 : index
          %swap3A_403 = tpu.vector_load %arg15[%swap3A_401, %swap3A_402] {strides = array<i32>} : memref<64x128xf32, #tpu.memory_space<vmem>>, vector<1x16xf32>,
          %swap3A_404 = vector.shape_cast %swap3A_403 : vector<1x16xf32> to vector<16xf32>
          %swap3A_405 = vector.shape_cast %sub3A_400 : vector<16xf32> to vector<1x16xf32>
          tpu.vector_store %arg15[%swap3A_401, %swap3A_402], %swap3A_405 {strides = array<i32>} : memref<64x128xf32, #tpu.memory_space<vmem>>, vector<1x16xf32>,
          %mul3A_406 = arith.mulf %get3A_385, %get3A_397 : vector<16xf32>
          %mul3A_407 = arith.mulf %get3A_389, %get3A_393 : vector<16xf32>
          %add3A_408 = arith.addf %mul3A_406, %mul3A_407 : vector<16xf32>
          %swap3A_409 = arith.index_cast %scan3A_319 : i32 to index
          %swap3A_410 = arith.constant 96 : index
          %swap3A_411 = tpu.vector_load %arg15[%swap3A_409, %swap3A_410] {strides = array<i32>} : memref<64x128xf32, #tpu.memory_space<vmem>>, vector<1x16xf32>,
          %swap3A_412 = vector.shape_cast %swap3A_411 : vector<1x16xf32> to vector<16xf32>
          %swap3A_413 = vector.shape_cast %add3A_408 : vector<16xf32> to vector<1x16xf32>
          tpu.vector_store %arg15[%swap3A_409, %swap3A_410], %swap3A_413 {strides = array<i32>} : memref<64x128xf32, #tpu.memory_space<vmem>>, vector<1x16xf32>,
          %get3A_414 = arith.index_cast %scan3A_319 : i32 to index
          %get3A_415 = arith.constant 48 : index
          %get3A_416 = tpu.vector_load %arg12[%get3A_414, %get3A_415] {strides = array<i32>} : memref<64x128xf32, #tpu.memory_space<vmem>>, vector<1x16xf32>,
          %get3A_417 = vector.shape_cast %get3A_416 : vector<1x16xf32> to vector<16xf32>
          %get3A_418 = arith.index_cast %scan3A_319 : i32 to index
          %get3A_419 = arith.constant 112 : index
          %get3A_420 = tpu.vector_load %arg12[%get3A_418, %get3A_419] {strides = array<i32>} : memref<64x128xf32, #tpu.memory_space<vmem>>, vector<1x16xf32>,
          %get3A_421 = vector.shape_cast %get3A_420 : vector<1x16xf32> to vector<16xf32>
          %get3A_422 = arith.index_cast %scan3A_319 : i32 to index
          %get3A_423 = arith.constant 48 : index
          %get3A_424 = tpu.vector_load %arg13[%get3A_422, %get3A_423] {strides = array<i32>} : memref<64x128xf32, #tpu.memory_space<vmem>>, vector<1x16xf32>,
          %get3A_425 = vector.shape_cast %get3A_424 : vector<1x16xf32> to vector<16xf32>
          %get3A_426 = arith.index_cast %scan3A_319 : i32 to index
          %get3A_427 = arith.constant 112 : index
          %get3A_428 = tpu.vector_load %arg13[%get3A_426, %get3A_427] {strides = array<i32>} : memref<64x128xf32, #tpu.memory_space<vmem>>, vector<1x16xf32>,
          %get3A_429 = vector.shape_cast %get3A_428 : vector<1x16xf32> to vector<16xf32>
          %mul3A_430 = arith.mulf %get3A_417, %get3A_425 : vector<16xf32>
          %mul3A_431 = arith.mulf %get3A_421, %get3A_429 : vector<16xf32>
          %sub3A_432 = arith.subf %mul3A_430, %mul3A_431 : vector<16xf32>
          %swap3A_433 = arith.index_cast %scan3A_319 : i32 to index
          %swap3A_434 = arith.constant 48 : index
          %swap3A_435 = tpu.vector_load %arg15[%swap3A_433, %swap3A_434] {strides = array<i32>} : memref<64x128xf32, #tpu.memory_space<vmem>>, vector<1x16xf32>,
          %swap3A_436 = vector.shape_cast %swap3A_435 : vector<1x16xf32> to vector<16xf32>
          %swap3A_437 = vector.shape_cast %sub3A_432 : vector<16xf32> to vector<1x16xf32>
          tpu.vector_store %arg15[%swap3A_433, %swap3A_434], %swap3A_437 {strides = array<i32>} : memref<64x128xf32, #tpu.memory_space<vmem>>, vector<1x16xf32>,
          %mul3A_438 = arith.mulf %get3A_417, %get3A_429 : vector<16xf32>
          %mul3A_439 = arith.mulf %get3A_421, %get3A_425 : vector<16xf32>
          %add3A_440 = arith.addf %mul3A_438, %mul3A_439 : vector<16xf32>
          %swap3A_441 = arith.index_cast %scan3A_319 : i32 to index
          %swap3A_442 = arith.constant 112 : index
          %swap3A_443 = tpu.vector_load %arg15[%swap3A_441, %swap3A_442] {strides = array<i32>} : memref<64x128xf32, #tpu.memory_space<vmem>>, vector<1x16xf32>,
          %swap3A_444 = vector.shape_cast %swap3A_443 : vector<1x16xf32> to vector<16xf32>
          %swap3A_445 = vector.shape_cast %add3A_440 : vector<16xf32> to vector<1x16xf32>
          tpu.vector_store %arg15[%swap3A_441, %swap3A_442], %swap3A_445 {strides = array<i32>} : memref<64x128xf32, #tpu.memory_space<vmem>>, vector<1x16xf32>,
        }
        %scan3A_295 = arith.constant 64 : i32
        %scan3A_296 = arith.constant 0 : i32
        %scan3A_297 = arith.constant 0 : i32
        %scan3A_298 = arith.constant 4 : i32
        %scan3A_299 = arith.addi %scan3A_297, %scan3A_298 : i32
        %scan3A_300 = arith.constant 1 : i32
        scf.for %scan3A_319 = %scan3A_297 to %scan3A_299 step %scan3A_300  : i32 {
          %mul3A_320 = arith.constant 16 : i32
          %mul3A_321 = arith.muli %scan3A_319, %mul3A_320 : i32
          %get3A = arith.constant 1 : i32
          %get3A_322 = arith.index_cast %get3A : i32 to index
          %get3A_323 = arith.index_cast %mul3A_321 : i32 to index
          %get3A_324 = tpu.vector_load %arg7[%get3A_322, %get3A_323] {strides = array<i32>} : memref<3x64xi32, #tpu.memory_space<vmem>>, vector<1x16xi32>,
          %get3A_325 = vector.shape_cast %get3A_324 : vector<1x16xi32> to vector<16xi32>
          %swap3A = arith.index_cast %mul3A_321 : i32 to index
          %swap3A_326 = tpu.vector_load %arg9[%swap3A] {strides = array<i32>} : memref<64xi32, #tpu.memory_space<vmem>>, vector<16xi32>,
          %swap3A_327 = vector.shape_cast %swap3A_326 : vector<16xi32> to vector<16xi32>
          %swap3A_328 = vector.shape_cast %get3A_325 : vector<16xi32> to vector<16xi32>
          tpu.vector_store %arg9[%swap3A], %swap3A_328 {strides = array<i32>} : memref<64xi32, #tpu.memory_space<vmem>>, vector<16xi32>,
        }
        %scan3A_301 = arith.constant 4 : i32
        %dma_start3A_302 = arith.constant 0 : i32
        %dma_start3A_303 = arith.constant 0 : i32
        %dma_start3A_304 = tpu.memref_slice %arg16[%dma_start3A_302, %dma_start3A_303] : memref<10000x128xf32, #tpu.memory_space<vmem_shared>> -> memref<10000x128xf32, #tpu.memory_space<vmem_shared>>
        tpu.enqueue_indirect_dma source(%arg15 : memref<64x128xf32, #tpu.memory_space<vmem>>) target(%dma_start3A_304 : memref<10000x128xf32, #tpu.memory_space<vmem_shared>>) offsets(%arg9 : memref<64xi32, #tpu.memory_space<vmem>>) semaphore(%arg20 : memref<!tpu.dma_semaphore, #tpu.memory_space<semaphore_mem>>) {add = true}
        %add3A_305 = arith.constant 2 : i32
        %add3A_306 = arith.addi %add3A_244, %add3A_305 : i32
        %sub3A_307 = arith.constant 1 : i32
        %sub3A_308 = arith.subi %select_n3A_25, %sub3A_307 : i32
        %min3A_309 = arith.minsi %add3A_306, %sub3A_308 : i32
        %mul3A_310 = arith.constant 16 : i32
        %mul3A_311 = arith.muli %min3A_309, %mul3A_310 : i32
        %add3A_312 = arith.addi %mul3A_311, %arg1 : i32
        %mul3A_313 = arith.constant 3 : i32
        %mul3A_314 = arith.muli %add3A_312, %mul3A_313 : i32
        %dma_start3A_315 = arith.constant 0 : i32
        %dma_start3A_316 = tpu.memref_slice %arg4[%mul3A_314, %dma_start3A_315] : memref<15000x64xi32, #tpu.memory_space<hbm>> -> memref<3x64xi32, #tpu.memory_space<hbm>>
        %dma_start3A_317 = arith.constant 0 : i32
        %dma_start3A_318 = tpu.memref_slice %arg4[%mul3A_314, %dma_start3A_317] : memref<15000x64xi32, #tpu.memory_space<hbm>> -> memref<3x64xi32, #tpu.memory_space<hbm>>
        tpu.enqueue_dma source(%dma_start3A_318 : memref<3x64xi32, #tpu.memory_space<hbm>>) target(%arg7 : memref<3x64xi32, #tpu.memory_space<vmem>>) target_semaphore(%arg22 : memref<!tpu.dma_semaphore, #tpu.memory_space<semaphore_mem>>)
      } else {
      }
    }
    %jit3A_104 = arith.constant 2 : i32
    %eq3A_105 = arith.constant 0 : i32
    %eq3A_106 = arith.cmpi eq, %jit3A_104, %eq3A_105 : i32
    %jit3A_107 = arith.constant 1 : i32
    %select_n3A_108 = arith.select %eq3A_106, %jit3A_107, %jit3A_104 : i32
    %rem3A_109 = arith.remsi %select_n3A_25, %select_n3A_108 : i32
    %ne3A_110 = arith.constant 0 : i32
    %ne3A_111 = arith.cmpi ne, %rem3A_109, %ne3A_110 : i32
    %lt3A_112 = arith.constant 0 : i32
    %lt3A_113 = arith.cmpi slt, %rem3A_109, %lt3A_112 : i32
    %lt3A_114 = arith.constant 0 : i32
    %lt3A_115 = arith.cmpi slt, %select_n3A_108, %lt3A_114 : i32
    %ne3A_116 = arith.xori %lt3A_113, %lt3A_115 : i1
    %and3A_117 = arith.andi %ne3A_116, %ne3A_111 : i1
    %add3A_118 = arith.addi %rem3A_109, %select_n3A_108 : i32
    %select_n3A_119 = arith.select %and3A_117, %add3A_118, %rem3A_109 : i32
    %eq3A_120 = arith.constant 0 : i32
    %eq3A_121 = arith.cmpi eq, %select_n3A_119, %eq3A_120 : i32
    %convert_element_type3A = arith.extui %eq3A_121 : i1 to i32
    %cond3A = arith.constant 0 : i32
    %cond3A_122 = arith.cmpi ne, %convert_element_type3A, %cond3A : i32
    scf.if %cond3A_122 {
      %dma_wait3A_161 = arith.constant 0 : i32
      %dma_wait3A_162 = arith.constant 0 : i32
      %dma_wait3A_163 = tpu.memref_slice %arg6[%dma_wait3A_161, %dma_wait3A_162] : memref<3x64xi32, #tpu.memory_space<vmem>> -> memref<1x64xi32, #tpu.memory_space<vmem>>
      %dma_wait3A_164 = tpu.memref_squeeze %dma_wait3A_163 : memref<1x64xi32, #tpu.memory_space<vmem>> -> memref<64xi32, #tpu.memory_space<vmem>>
      %dma_wait3A_165 = arith.constant 0 : i32
      %dma_wait3A_166 = arith.constant 0 : i32
      %dma_wait3A_167 = tpu.memref_slice %arg2[%dma_wait3A_165, %dma_wait3A_166] : memref<20000x128xf32, #tpu.memory_space<hbm>> -> memref<20000x128xf32, #tpu.memory_space<hbm>>
      tpu.wait_indirect_dma semaphore(%arg17 : memref<!tpu.dma_semaphore, #tpu.memory_space<semaphore_mem>>) src(%dma_wait3A_167 : memref<20000x128xf32, #tpu.memory_space<hbm>>) dst(%arg10 : memref<64x128xf32, #tpu.memory_space<vmem>>)
      %dma_wait3A_168 = arith.constant 2 : i32
      %dma_wait3A_169 = arith.constant 0 : i32
      %dma_wait3A_170 = tpu.memref_slice %arg6[%dma_wait3A_168, %dma_wait3A_169] : memref<3x64xi32, #tpu.memory_space<vmem>> -> memref<1x64xi32, #tpu.memory_space<vmem>>
      %dma_wait3A_171 = tpu.memref_squeeze %dma_wait3A_170 : memref<1x64xi32, #tpu.memory_space<vmem>> -> memref<64xi32, #tpu.memory_space<vmem>>
      %dma_wait3A_172 = arith.constant 0 : i32
      %dma_wait3A_173 = arith.constant 0 : i32
      %dma_wait3A_174 = tpu.memref_slice %arg3[%dma_wait3A_172, %dma_wait3A_173] : memref<800x128xf32, #tpu.memory_space<hbm>> -> memref<800x128xf32, #tpu.memory_space<hbm>>
      tpu.wait_indirect_dma semaphore(%arg17 : memref<!tpu.dma_semaphore, #tpu.memory_space<semaphore_mem>>) src(%dma_wait3A_174 : memref<800x128xf32, #tpu.memory_space<hbm>>) dst(%arg11 : memref<64x128xf32, #tpu.memory_space<vmem>>)
      %dma_wait3A_175 = arith.constant 0 : i32
      %dma_wait3A_176 = arith.constant 0 : i32
      %dma_wait3A_177 = tpu.memref_slice %arg4[%dma_wait3A_175, %dma_wait3A_176] : memref<15000x64xi32, #tpu.memory_space<hbm>> -> memref<3x64xi32, #tpu.memory_space<hbm>>
      %dma_wait3A_178 = arith.constant 0 : i32
      %dma_wait3A_179 = arith.constant 0 : i32
      %dma_wait3A_180 = tpu.memref_slice %arg4[%dma_wait3A_178, %dma_wait3A_179] : memref<15000x64xi32, #tpu.memory_space<hbm>> -> memref<3x64xi32, #tpu.memory_space<hbm>>
      tpu.wait_dma2 semaphore(%arg22 : memref<!tpu.dma_semaphore, #tpu.memory_space<semaphore_mem>>) src(%dma_wait3A_180 : memref<3x64xi32, #tpu.memory_space<hbm>>) dst(%arg7 : memref<3x64xi32, #tpu.memory_space<vmem>>)
    } else {
    }
    %jit3A_123 = arith.constant 2 : i32
    %eq3A_124 = arith.constant 0 : i32
    %eq3A_125 = arith.cmpi eq, %jit3A_123, %eq3A_124 : i32
    %jit3A_126 = arith.constant 1 : i32
    %select_n3A_127 = arith.select %eq3A_125, %jit3A_126, %jit3A_123 : i32
    %rem3A_128 = arith.remsi %select_n3A_25, %select_n3A_127 : i32
    %ne3A_129 = arith.constant 0 : i32
    %ne3A_130 = arith.cmpi ne, %rem3A_128, %ne3A_129 : i32
    %lt3A_131 = arith.constant 0 : i32
    %lt3A_132 = arith.cmpi slt, %rem3A_128, %lt3A_131 : i32
    %lt3A_133 = arith.constant 0 : i32
    %lt3A_134 = arith.cmpi slt, %select_n3A_127, %lt3A_133 : i32
    %ne3A_135 = arith.xori %lt3A_132, %lt3A_134 : i1
    %and3A_136 = arith.andi %ne3A_135, %ne3A_130 : i1
    %add3A_137 = arith.addi %rem3A_128, %select_n3A_127 : i32
    %select_n3A_138 = arith.select %and3A_136, %add3A_137, %rem3A_128 : i32
    %eq3A_139 = arith.constant 1 : i32
    %eq3A_140 = arith.cmpi eq, %select_n3A_138, %eq3A_139 : i32
    %convert_element_type3A_141 = arith.extui %eq3A_140 : i1 to i32
    %cond3A_142 = arith.constant 0 : i32
    %cond3A_143 = arith.cmpi ne, %convert_element_type3A_141, %cond3A_142 : i32
    scf.if %cond3A_143 {
      %dma_wait3A_161 = arith.constant 0 : i32
      %dma_wait3A_162 = arith.constant 0 : i32
      %dma_wait3A_163 = tpu.memref_slice %arg7[%dma_wait3A_161, %dma_wait3A_162] : memref<3x64xi32, #tpu.memory_space<vmem>> -> memref<1x64xi32, #tpu.memory_space<vmem>>
      %dma_wait3A_164 = tpu.memref_squeeze %dma_wait3A_163 : memref<1x64xi32, #tpu.memory_space<vmem>> -> memref<64xi32, #tpu.memory_space<vmem>>
      %dma_wait3A_165 = arith.constant 0 : i32
      %dma_wait3A_166 = arith.constant 0 : i32
      %dma_wait3A_167 = tpu.memref_slice %arg2[%dma_wait3A_165, %dma_wait3A_166] : memref<20000x128xf32, #tpu.memory_space<hbm>> -> memref<20000x128xf32, #tpu.memory_space<hbm>>
      tpu.wait_indirect_dma semaphore(%arg18 : memref<!tpu.dma_semaphore, #tpu.memory_space<semaphore_mem>>) src(%dma_wait3A_167 : memref<20000x128xf32, #tpu.memory_space<hbm>>) dst(%arg12 : memref<64x128xf32, #tpu.memory_space<vmem>>)
      %dma_wait3A_168 = arith.constant 2 : i32
      %dma_wait3A_169 = arith.constant 0 : i32
      %dma_wait3A_170 = tpu.memref_slice %arg7[%dma_wait3A_168, %dma_wait3A_169] : memref<3x64xi32, #tpu.memory_space<vmem>> -> memref<1x64xi32, #tpu.memory_space<vmem>>
      %dma_wait3A_171 = tpu.memref_squeeze %dma_wait3A_170 : memref<1x64xi32, #tpu.memory_space<vmem>> -> memref<64xi32, #tpu.memory_space<vmem>>
      %dma_wait3A_172 = arith.constant 0 : i32
      %dma_wait3A_173 = arith.constant 0 : i32
      %dma_wait3A_174 = tpu.memref_slice %arg3[%dma_wait3A_172, %dma_wait3A_173] : memref<800x128xf32, #tpu.memory_space<hbm>> -> memref<800x128xf32, #tpu.memory_space<hbm>>
      tpu.wait_indirect_dma semaphore(%arg18 : memref<!tpu.dma_semaphore, #tpu.memory_space<semaphore_mem>>) src(%dma_wait3A_174 : memref<800x128xf32, #tpu.memory_space<hbm>>) dst(%arg13 : memref<64x128xf32, #tpu.memory_space<vmem>>)
      %dma_wait3A_175 = arith.constant 0 : i32
      %dma_wait3A_176 = arith.constant 0 : i32
      %dma_wait3A_177 = tpu.memref_slice %arg4[%dma_wait3A_175, %dma_wait3A_176] : memref<15000x64xi32, #tpu.memory_space<hbm>> -> memref<3x64xi32, #tpu.memory_space<hbm>>
      %dma_wait3A_178 = arith.constant 0 : i32
      %dma_wait3A_179 = arith.constant 0 : i32
      %dma_wait3A_180 = tpu.memref_slice %arg4[%dma_wait3A_178, %dma_wait3A_179] : memref<15000x64xi32, #tpu.memory_space<hbm>> -> memref<3x64xi32, #tpu.memory_space<hbm>>
      tpu.wait_dma2 semaphore(%arg21 : memref<!tpu.dma_semaphore, #tpu.memory_space<semaphore_mem>>) src(%dma_wait3A_180 : memref<3x64xi32, #tpu.memory_space<hbm>>) dst(%arg6 : memref<3x64xi32, #tpu.memory_space<vmem>>)
    } else {
    }
    %dma_wait3A_144 = arith.constant 0 : i32
    %dma_wait3A_145 = arith.constant 0 : i32
    %dma_wait3A_146 = tpu.memref_slice %arg16[%dma_wait3A_144, %dma_wait3A_145] : memref<10000x128xf32, #tpu.memory_space<vmem_shared>> -> memref<10000x128xf32, #tpu.memory_space<vmem_shared>>
    tpu.wait_indirect_dma semaphore(%arg19 : memref<!tpu.dma_semaphore, #tpu.memory_space<semaphore_mem>>) src(%arg14 : memref<64x128xf32, #tpu.memory_space<vmem>>) dst(%dma_wait3A_146 : memref<10000x128xf32, #tpu.memory_space<vmem_shared>>)
    %dma_wait3A_147 = arith.constant 0 : i32
    %dma_wait3A_148 = arith.constant 0 : i32
    %dma_wait3A_149 = tpu.memref_slice %arg16[%dma_wait3A_147, %dma_wait3A_148] : memref<10000x128xf32, #tpu.memory_space<vmem_shared>> -> memref<10000x128xf32, #tpu.memory_space<vmem_shared>>
    tpu.wait_indirect_dma semaphore(%arg20 : memref<!tpu.dma_semaphore, #tpu.memory_space<semaphore_mem>>) src(%arg15 : memref<64x128xf32, #tpu.memory_space<vmem>>) dst(%dma_wait3A_149 : memref<10000x128xf32, #tpu.memory_space<vmem_shared>>)
    %barrier3A_150 = arith.constant 0 : index
    tpu.barrier barrier_id(%barrier3A_150)
    %while3A_151 = arith.constant 0 : i32
    %while3A_152 = arith.constant 0 : i32
    %while3A_153 = arith.subi %select_n3A, %while3A_152 : i32
    %while3A_154 = arith.addi %while3A_152, %while3A_153 : i32
    %while3A_155 = arith.constant 1 : i32
    %while3A_156 = arith.divsi %while3A_153, %while3A_155 : i32
    %while3A_157 = arith.muli %while3A_156, %while3A_155 : i32
    %while3A_158 = arith.addi %while3A_152, %while3A_157 : i32
    %while3A_159 = arith.constant 1 : i32
    scf.for %while3A_161 = %while3A_152 to %while3A_158 step %while3A_159  : i32 {
      %mul3A_162 = arith.constant 40 : i32
      %mul3A_163 = arith.muli %while3A_161, %mul3A_162 : i32
      %add3A_164 = arith.addi %mul3A_6, %mul3A_163 : i32
      "tpu.region"() ({
        %run_scoped3A = tpu.sem_alloc : memref<!tpu.dma_semaphore, #tpu.memory_space<semaphore_mem>>
        %dma_start3A_166 = arith.constant 0 : i32
        %dma_start3A_167 = arith.constant 0 : i32
        %dma_start3A_168 = tpu.memref_slice %arg14[%dma_start3A_166, %dma_start3A_167] : memref<64x128xf32, #tpu.memory_space<vmem>> -> memref<40x128xf32, #tpu.memory_space<vmem>>
        %dma_start3A_169 = arith.constant 0 : i32
        %dma_start3A_170 = tpu.memref_slice %arg16[%add3A_164, %dma_start3A_169] : memref<10000x128xf32, #tpu.memory_space<vmem_shared>> -> memref<40x128xf32, #tpu.memory_space<vmem_shared>>
        %dma_start3A_171 = arith.constant 0 : i32
        %dma_start3A_172 = arith.constant 0 : i32
        %dma_start3A_173 = tpu.memref_slice %arg14[%dma_start3A_171, %dma_start3A_172] : memref<64x128xf32, #tpu.memory_space<vmem>> -> memref<40x128xf32, #tpu.memory_space<vmem>>
        %dma_start3A_174 = arith.constant 0 : i32
        %dma_start3A_175 = tpu.memref_slice %arg16[%add3A_164, %dma_start3A_174] : memref<10000x128xf32, #tpu.memory_space<vmem_shared>> -> memref<40x128xf32, #tpu.memory_space<vmem_shared>>
        tpu.enqueue_dma source(%dma_start3A_175 : memref<40x128xf32, #tpu.memory_space<vmem_shared>>) target(%dma_start3A_173 : memref<40x128xf32, #tpu.memory_space<vmem>>) target_semaphore(%run_scoped3A : memref<!tpu.dma_semaphore, #tpu.memory_space<semaphore_mem>>)
        %dma_wait3A_176 = arith.constant 0 : i32
        %dma_wait3A_177 = arith.constant 0 : i32
        %dma_wait3A_178 = tpu.memref_slice %arg14[%dma_wait3A_176, %dma_wait3A_177] : memref<64x128xf32, #tpu.memory_space<vmem>> -> memref<40x128xf32, #tpu.memory_space<vmem>>
        %dma_wait3A_179 = arith.constant 0 : i32
        %dma_wait3A_180 = tpu.memref_slice %arg16[%add3A_164, %dma_wait3A_179] : memref<10000x128xf32, #tpu.memory_space<vmem_shared>> -> memref<40x128xf32, #tpu.memory_space<vmem_shared>>
        %dma_wait3A_181 = arith.constant 0 : i32
        %dma_wait3A_182 = arith.constant 0 : i32
        %dma_wait3A_183 = tpu.memref_slice %arg14[%dma_wait3A_181, %dma_wait3A_182] : memref<64x128xf32, #tpu.memory_space<vmem>> -> memref<40x128xf32, #tpu.memory_space<vmem>>
        %dma_wait3A_184 = arith.constant 0 : i32
        %dma_wait3A_185 = tpu.memref_slice %arg16[%add3A_164, %dma_wait3A_184] : memref<10000x128xf32, #tpu.memory_space<vmem_shared>> -> memref<40x128xf32, #tpu.memory_space<vmem_shared>>
        tpu.wait_dma2 semaphore(%run_scoped3A : memref<!tpu.dma_semaphore, #tpu.memory_space<semaphore_mem>>) src(%dma_wait3A_185 : memref<40x128xf32, #tpu.memory_space<vmem_shared>>) dst(%dma_wait3A_183 : memref<40x128xf32, #tpu.memory_space<vmem>>)
        tpu.yield
      }) : () -> ()
      %add3A_165 = arith.addi %mul3A_19, %add3A_164 : i32
      "tpu.region"() ({
        %run_scoped3A = tpu.sem_alloc : memref<!tpu.dma_semaphore, #tpu.memory_space<semaphore_mem>>
        %dma_start3A_166 = arith.constant 0 : i32
        %dma_start3A_167 = arith.constant 0 : i32
        %dma_start3A_168 = tpu.memref_slice %arg14[%dma_start3A_166, %dma_start3A_167] : memref<64x128xf32, #tpu.memory_space<vmem>> -> memref<40x128xf32, #tpu.memory_space<vmem>>
        %dma_start3A_169 = arith.constant 0 : i32
        %dma_start3A_170 = tpu.memref_slice %arg5[%add3A_165, %dma_start3A_169] : memref<20000x128xf32, #tpu.memory_space<hbm>> -> memref<40x128xf32, #tpu.memory_space<hbm>>
        %dma_start3A_171 = arith.constant 0 : i32
        %dma_start3A_172 = tpu.memref_slice %arg5[%add3A_165, %dma_start3A_171] : memref<20000x128xf32, #tpu.memory_space<hbm>> -> memref<40x128xf32, #tpu.memory_space<hbm>>
        %dma_start3A_173 = arith.constant 0 : i32
        %dma_start3A_174 = arith.constant 0 : i32
        %dma_start3A_175 = tpu.memref_slice %arg14[%dma_start3A_173, %dma_start3A_174] : memref<64x128xf32, #tpu.memory_space<vmem>> -> memref<40x128xf32, #tpu.memory_space<vmem>>
        tpu.enqueue_dma source(%dma_start3A_175 : memref<40x128xf32, #tpu.memory_space<vmem>>) target(%dma_start3A_172 : memref<40x128xf32, #tpu.memory_space<hbm>>) target_semaphore(%run_scoped3A : memref<!tpu.dma_semaphore, #tpu.memory_space<semaphore_mem>>)
        %dma_wait3A_176 = arith.constant 0 : i32
        %dma_wait3A_177 = arith.constant 0 : i32
        %dma_wait3A_178 = tpu.memref_slice %arg14[%dma_wait3A_176, %dma_wait3A_177] : memref<64x128xf32, #tpu.memory_space<vmem>> -> memref<40x128xf32, #tpu.memory_space<vmem>>
        %dma_wait3A_179 = arith.constant 0 : i32
        %dma_wait3A_180 = tpu.memref_slice %arg5[%add3A_165, %dma_wait3A_179] : memref<20000x128xf32, #tpu.memory_space<hbm>> -> memref<40x128xf32, #tpu.memory_space<hbm>>
        %dma_wait3A_181 = arith.constant 0 : i32
        %dma_wait3A_182 = tpu.memref_slice %arg5[%add3A_165, %dma_wait3A_181] : memref<20000x128xf32, #tpu.memory_space<hbm>> -> memref<40x128xf32, #tpu.memory_space<hbm>>
        %dma_wait3A_183 = arith.constant 0 : i32
        %dma_wait3A_184 = arith.constant 0 : i32
        %dma_wait3A_185 = tpu.memref_slice %arg14[%dma_wait3A_183, %dma_wait3A_184] : memref<64x128xf32, #tpu.memory_space<vmem>> -> memref<40x128xf32, #tpu.memory_space<vmem>>
        tpu.wait_dma2 semaphore(%run_scoped3A : memref<!tpu.dma_semaphore, #tpu.memory_space<semaphore_mem>>) src(%dma_wait3A_185 : memref<40x128xf32, #tpu.memory_space<vmem>>) dst(%dma_wait3A_182 : memref<40x128xf32, #tpu.memory_space<hbm>>)
        tpu.yield
      }) : () -> ()
    }
    %while3A_160 = arith.constant 1 : i32
    scf.for %while3A_161 = %while3A_158 to %while3A_154 step %while3A_160  : i32 {
      %mul3A_162 = arith.constant 40 : i32
      %mul3A_163 = arith.muli %while3A_161, %mul3A_162 : i32
      %add3A_164 = arith.addi %mul3A_6, %mul3A_163 : i32
      "tpu.region"() ({
        %run_scoped3A = tpu.sem_alloc : memref<!tpu.dma_semaphore, #tpu.memory_space<semaphore_mem>>
        %dma_start3A_166 = arith.constant 0 : i32
        %dma_start3A_167 = arith.constant 0 : i32
        %dma_start3A_168 = tpu.memref_slice %arg14[%dma_start3A_166, %dma_start3A_167] : memref<64x128xf32, #tpu.memory_space<vmem>> -> memref<40x128xf32, #tpu.memory_space<vmem>>
        %dma_start3A_169 = arith.constant 0 : i32
        %dma_start3A_170 = tpu.memref_slice %arg16[%add3A_164, %dma_start3A_169] : memref<10000x128xf32, #tpu.memory_space<vmem_shared>> -> memref<40x128xf32, #tpu.memory_space<vmem_shared>>
        %dma_start3A_171 = arith.constant 0 : i32
        %dma_start3A_172 = arith.constant 0 : i32
        %dma_start3A_173 = tpu.memref_slice %arg14[%dma_start3A_171, %dma_start3A_172] : memref<64x128xf32, #tpu.memory_space<vmem>> -> memref<40x128xf32, #tpu.memory_space<vmem>>
        %dma_start3A_174 = arith.constant 0 : i32
        %dma_start3A_175 = tpu.memref_slice %arg16[%add3A_164, %dma_start3A_174] : memref<10000x128xf32, #tpu.memory_space<vmem_shared>> -> memref<40x128xf32, #tpu.memory_space<vmem_shared>>
        tpu.enqueue_dma source(%dma_start3A_175 : memref<40x128xf32, #tpu.memory_space<vmem_shared>>) target(%dma_start3A_173 : memref<40x128xf32, #tpu.memory_space<vmem>>) target_semaphore(%run_scoped3A : memref<!tpu.dma_semaphore, #tpu.memory_space<semaphore_mem>>)
        %dma_wait3A_176 = arith.constant 0 : i32
        %dma_wait3A_177 = arith.constant 0 : i32
        %dma_wait3A_178 = tpu.memref_slice %arg14[%dma_wait3A_176, %dma_wait3A_177] : memref<64x128xf32, #tpu.memory_space<vmem>> -> memref<40x128xf32, #tpu.memory_space<vmem>>
        %dma_wait3A_179 = arith.constant 0 : i32
        %dma_wait3A_180 = tpu.memref_slice %arg16[%add3A_164, %dma_wait3A_179] : memref<10000x128xf32, #tpu.memory_space<vmem_shared>> -> memref<40x128xf32, #tpu.memory_space<vmem_shared>>
        %dma_wait3A_181 = arith.constant 0 : i32
        %dma_wait3A_182 = arith.constant 0 : i32
        %dma_wait3A_183 = tpu.memref_slice %arg14[%dma_wait3A_181, %dma_wait3A_182] : memref<64x128xf32, #tpu.memory_space<vmem>> -> memref<40x128xf32, #tpu.memory_space<vmem>>
        %dma_wait3A_184 = arith.constant 0 : i32
        %dma_wait3A_185 = tpu.memref_slice %arg16[%add3A_164, %dma_wait3A_184] : memref<10000x128xf32, #tpu.memory_space<vmem_shared>> -> memref<40x128xf32, #tpu.memory_space<vmem_shared>>
        tpu.wait_dma2 semaphore(%run_scoped3A : memref<!tpu.dma_semaphore, #tpu.memory_space<semaphore_mem>>) src(%dma_wait3A_185 : memref<40x128xf32, #tpu.memory_space<vmem_shared>>) dst(%dma_wait3A_183 : memref<40x128xf32, #tpu.memory_space<vmem>>)
        tpu.yield
      }) : () -> ()
      %add3A_165 = arith.addi %mul3A_19, %add3A_164 : i32
      "tpu.region"() ({
        %run_scoped3A = tpu.sem_alloc : memref<!tpu.dma_semaphore, #tpu.memory_space<semaphore_mem>>
        %dma_start3A_166 = arith.constant 0 : i32
        %dma_start3A_167 = arith.constant 0 : i32
        %dma_start3A_168 = tpu.memref_slice %arg14[%dma_start3A_166, %dma_start3A_167] : memref<64x128xf32, #tpu.memory_space<vmem>> -> memref<40x128xf32, #tpu.memory_space<vmem>>
        %dma_start3A_169 = arith.constant 0 : i32
        %dma_start3A_170 = tpu.memref_slice %arg5[%add3A_165, %dma_start3A_169] : memref<20000x128xf32, #tpu.memory_space<hbm>> -> memref<40x128xf32, #tpu.memory_space<hbm>>
        %dma_start3A_171 = arith.constant 0 : i32
        %dma_start3A_172 = tpu.memref_slice %arg5[%add3A_165, %dma_start3A_171] : memref<20000x128xf32, #tpu.memory_space<hbm>> -> memref<40x128xf32, #tpu.memory_space<hbm>>
        %dma_start3A_173 = arith.constant 0 : i32
        %dma_start3A_174 = arith.constant 0 : i32
        %dma_start3A_175 = tpu.memref_slice %arg14[%dma_start3A_173, %dma_start3A_174] : memref<64x128xf32, #tpu.memory_space<vmem>> -> memref<40x128xf32, #tpu.memory_space<vmem>>
        tpu.enqueue_dma source(%dma_start3A_175 : memref<40x128xf32, #tpu.memory_space<vmem>>) target(%dma_start3A_172 : memref<40x128xf32, #tpu.memory_space<hbm>>) target_semaphore(%run_scoped3A : memref<!tpu.dma_semaphore, #tpu.memory_space<semaphore_mem>>)
        %dma_wait3A_176 = arith.constant 0 : i32
        %dma_wait3A_177 = arith.constant 0 : i32
        %dma_wait3A_178 = tpu.memref_slice %arg14[%dma_wait3A_176, %dma_wait3A_177] : memref<64x128xf32, #tpu.memory_space<vmem>> -> memref<40x128xf32, #tpu.memory_space<vmem>>
        %dma_wait3A_179 = arith.constant 0 : i32
        %dma_wait3A_180 = tpu.memref_slice %arg5[%add3A_165, %dma_wait3A_179] : memref<20000x128xf32, #tpu.memory_space<hbm>> -> memref<40x128xf32, #tpu.memory_space<hbm>>
        %dma_wait3A_181 = arith.constant 0 : i32
        %dma_wait3A_182 = tpu.memref_slice %arg5[%add3A_165, %dma_wait3A_181] : memref<20000x128xf32, #tpu.memory_space<hbm>> -> memref<40x128xf32, #tpu.memory_space<hbm>>
        %dma_wait3A_183 = arith.constant 0 : i32
        %dma_wait3A_184 = arith.constant 0 : i32
        %dma_wait3A_185 = tpu.memref_slice %arg14[%dma_wait3A_183, %dma_wait3A_184] : memref<64x128xf32, #tpu.memory_space<vmem>> -> memref<40x128xf32, #tpu.memory_space<vmem>>
        tpu.wait_dma2 semaphore(%run_scoped3A : memref<!tpu.dma_semaphore, #tpu.memory_space<semaphore_mem>>) src(%dma_wait3A_185 : memref<40x128xf32, #tpu.memory_space<vmem>>) dst(%dma_wait3A_182 : memref<40x128xf32, #tpu.memory_space<hbm>>)
        tpu.yield
      }) : () -> ()
    }
    return
  }
}

module attributes {stable_mosaic.version = 14 : i64} {
  func.func @_proj_body(%arg0: memref<10000x128xf32, #tpu.memory_space<vmem>>, %arg1: memref<10000x128xf32, #tpu.memory_space<vmem>>, %arg2: memref<400x128xf32, #tpu.memory_space<vmem>>, %arg3: memref<400x128xf32, #tpu.memory_space<vmem>>, %arg4: memref<128x128xf32, #tpu.memory_space<vmem>>, %arg5: memref<20000x128xf32, #tpu.memory_space<vmem>>, %arg6: memref<800x128xf32, #tpu.memory_space<vmem>>, %arg7: memref<400x128xf32, #tpu.memory_space<vmem>>) attributes {dimension_semantics = [], scalar_prefetch = 0 : i64, scratch_operands = 0 : i64, tpu.core_type = #tpu.core_type<tc>} {
    %get3A = arith.constant 0 : index
    %get3A_0 = arith.constant 0 : index
    %get3A_1 = vector.load %arg4[%get3A, %get3A_0] : memref<128x128xf32, #tpu.memory_space<vmem>>, vector<128x128xf32>
    %get3A_2 = arith.constant 0 : index
    %get3A_3 = arith.constant 0 : index
    %get3A_4 = vector.load %arg1[%get3A_2, %get3A_3] : memref<10000x128xf32, #tpu.memory_space<vmem>>, vector<10000x128xf32>
    %dot_general3A = arith.constant dense<0.000000e+00> : vector<10000x128xf32>
    %dot_general3A_5 = tpu.matmul %get3A_4, %get3A_1, %dot_general3A {dimension_numbers = #tpu.dot_dimension_numbers<[1], [0], [0], [1], [0, 0, 1, 1], [], []>, transpose_lhs_hint = false} : vector<10000x128xf32>, vector<128x128xf32>, vector<10000x128xf32> -> vector<10000x128xf32>
    %get3A_6 = arith.constant 0 : index
    %get3A_7 = arith.constant 0 : index
    %get3A_8 = vector.load %arg3[%get3A_6, %get3A_7] : memref<400x128xf32, #tpu.memory_space<vmem>>, vector<400x128xf32>
    %dot_general3A_9 = arith.constant dense<0.000000e+00> : vector<400x128xf32>
    %dot_general3A_10 = tpu.matmul %get3A_8, %get3A_1, %dot_general3A_9 {dimension_numbers = #tpu.dot_dimension_numbers<[1], [0], [0], [1], [0, 0, 1, 1], [], []>, transpose_lhs_hint = false} : vector<400x128xf32>, vector<128x128xf32>, vector<400x128xf32> -> vector<400x128xf32>
    %get3A_11 = arith.constant 0 : index
    %get3A_12 = arith.constant 0 : index
    %get3A_13 = vector.load %arg0[%get3A_11, %get3A_12] : memref<10000x128xf32, #tpu.memory_space<vmem>>, vector<10000x128xf32>
    %get3A_14 = arith.constant 0 : index
    %get3A_15 = arith.constant 0 : index
    %get3A_16 = vector.load %arg2[%get3A_14, %get3A_15] : memref<400x128xf32, #tpu.memory_space<vmem>>, vector<400x128xf32>
    %slice3A = vector.extract_strided_slice %get3A_13 {offsets = [0, 0], sizes = [10000, 64], strides = [1, 1]} : vector<10000x128xf32> to vector<10000x64xf32>
    %swap3A = arith.constant 0 : index
    %swap3A_17 = arith.constant 0 : index
    %swap3A_18 = vector.load %arg5[%swap3A, %swap3A_17] : memref<20000x128xf32, #tpu.memory_space<vmem>>, vector<10000x64xf32>
    tpu.vector_store %arg5[%swap3A, %swap3A_17], %slice3A {strides = array<i32>} : memref<20000x128xf32, #tpu.memory_space<vmem>>, vector<10000x64xf32>,
    %slice3A_19 = vector.extract_strided_slice %dot_general3A_5 {offsets = [0, 0], sizes = [10000, 64], strides = [1, 1]} : vector<10000x128xf32> to vector<10000x64xf32>
    %swap3A_20 = arith.constant 0 : index
    %swap3A_21 = arith.constant 64 : index
    %swap3A_22 = vector.load %arg5[%swap3A_20, %swap3A_21] : memref<20000x128xf32, #tpu.memory_space<vmem>>, vector<10000x64xf32>
    tpu.vector_store %arg5[%swap3A_20, %swap3A_21], %slice3A_19 {strides = array<i32>} : memref<20000x128xf32, #tpu.memory_space<vmem>>, vector<10000x64xf32>,
    %slice3A_23 = vector.extract_strided_slice %get3A_13 {offsets = [0, 64], sizes = [10000, 64], strides = [1, 1]} : vector<10000x128xf32> to vector<10000x64xf32>
    %swap3A_24 = arith.constant 10000 : index
    %swap3A_25 = arith.constant 0 : index
    %swap3A_26 = vector.load %arg5[%swap3A_24, %swap3A_25] : memref<20000x128xf32, #tpu.memory_space<vmem>>, vector<10000x64xf32>
    tpu.vector_store %arg5[%swap3A_24, %swap3A_25], %slice3A_23 {strides = array<i32>} : memref<20000x128xf32, #tpu.memory_space<vmem>>, vector<10000x64xf32>,
    %slice3A_27 = vector.extract_strided_slice %dot_general3A_5 {offsets = [0, 64], sizes = [10000, 64], strides = [1, 1]} : vector<10000x128xf32> to vector<10000x64xf32>
    %swap3A_28 = arith.constant 10000 : index
    %swap3A_29 = arith.constant 64 : index
    %swap3A_30 = vector.load %arg5[%swap3A_28, %swap3A_29] : memref<20000x128xf32, #tpu.memory_space<vmem>>, vector<10000x64xf32>
    tpu.vector_store %arg5[%swap3A_28, %swap3A_29], %slice3A_27 {strides = array<i32>} : memref<20000x128xf32, #tpu.memory_space<vmem>>, vector<10000x64xf32>,
    %slice3A_31 = vector.extract_strided_slice %get3A_16 {offsets = [0, 0], sizes = [400, 64], strides = [1, 1]} : vector<400x128xf32> to vector<400x64xf32>
    %swap3A_32 = arith.constant 0 : index
    %swap3A_33 = arith.constant 0 : index
    %swap3A_34 = vector.load %arg6[%swap3A_32, %swap3A_33] : memref<800x128xf32, #tpu.memory_space<vmem>>, vector<400x64xf32>
    tpu.vector_store %arg6[%swap3A_32, %swap3A_33], %slice3A_31 {strides = array<i32>} : memref<800x128xf32, #tpu.memory_space<vmem>>, vector<400x64xf32>,
    %slice3A_35 = vector.extract_strided_slice %dot_general3A_10 {offsets = [0, 0], sizes = [400, 64], strides = [1, 1]} : vector<400x128xf32> to vector<400x64xf32>
    %swap3A_36 = arith.constant 0 : index
    %swap3A_37 = arith.constant 64 : index
    %swap3A_38 = vector.load %arg6[%swap3A_36, %swap3A_37] : memref<800x128xf32, #tpu.memory_space<vmem>>, vector<400x64xf32>
    tpu.vector_store %arg6[%swap3A_36, %swap3A_37], %slice3A_35 {strides = array<i32>} : memref<800x128xf32, #tpu.memory_space<vmem>>, vector<400x64xf32>,
    %slice3A_39 = vector.extract_strided_slice %get3A_16 {offsets = [0, 64], sizes = [400, 64], strides = [1, 1]} : vector<400x128xf32> to vector<400x64xf32>
    %swap3A_40 = arith.constant 400 : index
    %swap3A_41 = arith.constant 0 : index
    %swap3A_42 = vector.load %arg6[%swap3A_40, %swap3A_41] : memref<800x128xf32, #tpu.memory_space<vmem>>, vector<400x64xf32>
    tpu.vector_store %arg6[%swap3A_40, %swap3A_41], %slice3A_39 {strides = array<i32>} : memref<800x128xf32, #tpu.memory_space<vmem>>, vector<400x64xf32>,
    %slice3A_43 = vector.extract_strided_slice %dot_general3A_10 {offsets = [0, 64], sizes = [400, 64], strides = [1, 1]} : vector<400x128xf32> to vector<400x64xf32>
    %swap3A_44 = arith.constant 400 : index
    %swap3A_45 = arith.constant 64 : index
    %swap3A_46 = vector.load %arg6[%swap3A_44, %swap3A_45] : memref<800x128xf32, #tpu.memory_space<vmem>>, vector<400x64xf32>
    tpu.vector_store %arg6[%swap3A_44, %swap3A_45], %slice3A_43 {strides = array<i32>} : memref<800x128xf32, #tpu.memory_space<vmem>>, vector<400x64xf32>,
    %swap3A_47 = arith.constant 0 : index
    %swap3A_48 = arith.constant 0 : index
    %swap3A_49 = vector.load %arg7[%swap3A_47, %swap3A_48] : memref<400x128xf32, #tpu.memory_space<vmem>>, vector<400x128xf32>
    tpu.vector_store %arg7[%swap3A_47, %swap3A_48], %dot_general3A_10 {strides = array<i32>} : memref<400x128xf32, #tpu.memory_space<vmem>>, vector<400x128xf32>,
    return
  }
}

module attributes {stable_mosaic.version = 14 : i64} {
  func.func @_node_body(%arg0: memref<20000x128xf32, #tpu.memory_space<vmem>>, %arg1: memref<20000x16xf32, #tpu.memory_space<vmem>>, %arg2: memref<400x128xf32, #tpu.memory_space<vmem>>, %arg3: memref<400x128xf32, #tpu.memory_space<vmem>>, %arg4: memref<128x128xf32, #tpu.memory_space<vmem>>, %arg5: memref<128x128xf32, #tpu.memory_space<vmem>>, %arg6: memref<10000x128xf32, #tpu.memory_space<vmem>>, %arg7: memref<10000x128xf32, #tpu.memory_space<vmem>>, %arg8: memref<400x128xf32, #tpu.memory_space<vmem>>, %arg9: memref<400x128xf32, #tpu.memory_space<vmem>>) attributes {dimension_semantics = [], scalar_prefetch = 0 : i64, scratch_operands = 0 : i64, tpu.core_type = #tpu.core_type<tc>} {
    %get3A = arith.constant 0 : index
    %get3A_0 = arith.constant 0 : index
    %get3A_1 = vector.load %arg1[%get3A, %get3A_0] : memref<20000x16xf32, #tpu.memory_space<vmem>>, vector<10000x1xf32>
    %get3A_2 = arith.constant 10000 : index
    %get3A_3 = arith.constant 0 : index
    %get3A_4 = vector.load %arg1[%get3A_2, %get3A_3] : memref<20000x16xf32, #tpu.memory_space<vmem>>, vector<10000x1xf32>
    %add3A = arith.addf %get3A_1, %get3A_4 : vector<10000x1xf32>
    %eq3A = arith.constant 0.000000e+00 : f32
    %eq3A_5 = vector.broadcast %eq3A : f32 to vector<10000x1xf32>
    %eq3A_6 = arith.cmpf oeq, %add3A, %eq3A_5 : vector<10000x1xf32>
    %div3A = arith.constant 1.000000e+00 : f32
    %div3A_7 = vector.broadcast %div3A : f32 to vector<10000x1xf32>
    %div3A_8 = arith.divf %div3A_7, %add3A : vector<10000x1xf32>
    %jit3A = arith.constant 1.000000e+00 : f32
    %broadcast_in_dim3A = vector.broadcast %jit3A : f32 to vector<10000x1xf32>
    %select_n3A = arith.select %eq3A_6, %broadcast_in_dim3A, %div3A_8 : vector<10000x1xi1>, vector<10000x1xf32>
    %get3A_9 = arith.constant 0 : index
    %get3A_10 = arith.constant 0 : index
    %get3A_11 = vector.load %arg4[%get3A_9, %get3A_10] : memref<128x128xf32, #tpu.memory_space<vmem>>, vector<64x128xf32>
    %get3A_12 = arith.constant 64 : index
    %get3A_13 = arith.constant 0 : index
    %get3A_14 = vector.load %arg4[%get3A_12, %get3A_13] : memref<128x128xf32, #tpu.memory_space<vmem>>, vector<64x128xf32>
    %get3A_15 = arith.constant 0 : index
    %get3A_16 = arith.constant 0 : index
    %get3A_17 = vector.load %arg0[%get3A_15, %get3A_16] : memref<20000x128xf32, #tpu.memory_space<vmem>>, vector<10000x64xf32>
    %mul3A = vector.broadcast %select_n3A : vector<10000x1xf32> to vector<10000x64xf32>
    %mul3A_18 = arith.mulf %get3A_17, %mul3A : vector<10000x64xf32>
    %get3A_19 = arith.constant 0 : index
    %get3A_20 = arith.constant 64 : index
    %get3A_21 = vector.load %arg0[%get3A_19, %get3A_20] : memref<20000x128xf32, #tpu.memory_space<vmem>>, vector<10000x64xf32>
    %mul3A_22 = vector.broadcast %select_n3A : vector<10000x1xf32> to vector<10000x64xf32>
    %mul3A_23 = arith.mulf %get3A_21, %mul3A_22 : vector<10000x64xf32>
    %get3A_24 = arith.constant 10000 : index
    %get3A_25 = arith.constant 0 : index
    %get3A_26 = vector.load %arg0[%get3A_24, %get3A_25] : memref<20000x128xf32, #tpu.memory_space<vmem>>, vector<10000x64xf32>
    %mul3A_27 = vector.broadcast %select_n3A : vector<10000x1xf32> to vector<10000x64xf32>
    %mul3A_28 = arith.mulf %get3A_26, %mul3A_27 : vector<10000x64xf32>
    %get3A_29 = arith.constant 10000 : index
    %get3A_30 = arith.constant 64 : index
    %get3A_31 = vector.load %arg0[%get3A_29, %get3A_30] : memref<20000x128xf32, #tpu.memory_space<vmem>>, vector<10000x64xf32>
    %mul3A_32 = vector.broadcast %select_n3A : vector<10000x1xf32> to vector<10000x64xf32>
    %mul3A_33 = arith.mulf %get3A_31, %mul3A_32 : vector<10000x64xf32>
    %dot_general3A = arith.constant dense<0.000000e+00> : vector<10000x128xf32>
    %dot_general3A_34 = tpu.matmul %mul3A_18, %get3A_11, %dot_general3A {dimension_numbers = #tpu.dot_dimension_numbers<[1], [0], [0], [1], [0, 0, 1, 1], [], []>, transpose_lhs_hint = false} : vector<10000x64xf32>, vector<64x128xf32>, vector<10000x128xf32> -> vector<10000x128xf32>
    %dot_general3A_35 = arith.constant dense<0.000000e+00> : vector<10000x128xf32>
    %dot_general3A_36 = tpu.matmul %mul3A_28, %get3A_14, %dot_general3A_35 {dimension_numbers = #tpu.dot_dimension_numbers<[1], [0], [0], [1], [0, 0, 1, 1], [], []>, transpose_lhs_hint = false} : vector<10000x64xf32>, vector<64x128xf32>, vector<10000x128xf32> -> vector<10000x128xf32>
    %add3A_37 = arith.addf %dot_general3A_34, %dot_general3A_36 : vector<10000x128xf32>
    %tanh3A = math.tanh %add3A_37 : vector<10000x128xf32>
    %swap3A = arith.constant 0 : index
    %swap3A_38 = arith.constant 0 : index
    %swap3A_39 = vector.load %arg6[%swap3A, %swap3A_38] : memref<10000x128xf32, #tpu.memory_space<vmem>>, vector<10000x128xf32>
    tpu.vector_store %arg6[%swap3A, %swap3A_38], %tanh3A {strides = array<i32>} : memref<10000x128xf32, #tpu.memory_space<vmem>>, vector<10000x128xf32>,
    %dot_general3A_40 = arith.constant dense<0.000000e+00> : vector<10000x128xf32>
    %dot_general3A_41 = tpu.matmul %mul3A_23, %get3A_11, %dot_general3A_40 {dimension_numbers = #tpu.dot_dimension_numbers<[1], [0], [0], [1], [0, 0, 1, 1], [], []>, transpose_lhs_hint = false} : vector<10000x64xf32>, vector<64x128xf32>, vector<10000x128xf32> -> vector<10000x128xf32>
    %dot_general3A_42 = arith.constant dense<0.000000e+00> : vector<10000x128xf32>
    %dot_general3A_43 = tpu.matmul %mul3A_33, %get3A_14, %dot_general3A_42 {dimension_numbers = #tpu.dot_dimension_numbers<[1], [0], [0], [1], [0, 0, 1, 1], [], []>, transpose_lhs_hint = false} : vector<10000x64xf32>, vector<64x128xf32>, vector<10000x128xf32> -> vector<10000x128xf32>
    %add3A_44 = arith.addf %dot_general3A_41, %dot_general3A_43 : vector<10000x128xf32>
    %tanh3A_45 = math.tanh %add3A_44 : vector<10000x128xf32>
    %swap3A_46 = arith.constant 0 : index
    %swap3A_47 = arith.constant 0 : index
    %swap3A_48 = vector.load %arg7[%swap3A_46, %swap3A_47] : memref<10000x128xf32, #tpu.memory_space<vmem>>, vector<10000x128xf32>
    tpu.vector_store %arg7[%swap3A_46, %swap3A_47], %tanh3A_45 {strides = array<i32>} : memref<10000x128xf32, #tpu.memory_space<vmem>>, vector<10000x128xf32>,
    %get3A_49 = arith.constant 0 : index
    %get3A_50 = arith.constant 0 : index
    %get3A_51 = vector.load %arg5[%get3A_49, %get3A_50] : memref<128x128xf32, #tpu.memory_space<vmem>>, vector<128x128xf32>
    %get3A_52 = arith.constant 0 : index
    %get3A_53 = arith.constant 0 : index
    %get3A_54 = vector.load %arg2[%get3A_52, %get3A_53] : memref<400x128xf32, #tpu.memory_space<vmem>>, vector<400x128xf32>
    %dot_general3A_55 = arith.constant dense<0.000000e+00> : vector<400x128xf32>
    %dot_general3A_56 = tpu.matmul %get3A_54, %get3A_51, %dot_general3A_55 {dimension_numbers = #tpu.dot_dimension_numbers<[1], [0], [0], [1], [0, 0, 1, 1], [], []>, transpose_lhs_hint = false} : vector<400x128xf32>, vector<128x128xf32>, vector<400x128xf32> -> vector<400x128xf32>
    %swap3A_57 = arith.constant 0 : index
    %swap3A_58 = arith.constant 0 : index
    %swap3A_59 = vector.load %arg8[%swap3A_57, %swap3A_58] : memref<400x128xf32, #tpu.memory_space<vmem>>, vector<400x128xf32>
    tpu.vector_store %arg8[%swap3A_57, %swap3A_58], %dot_general3A_56 {strides = array<i32>} : memref<400x128xf32, #tpu.memory_space<vmem>>, vector<400x128xf32>,
    %get3A_60 = arith.constant 0 : index
    %get3A_61 = arith.constant 0 : index
    %get3A_62 = vector.load %arg3[%get3A_60, %get3A_61] : memref<400x128xf32, #tpu.memory_space<vmem>>, vector<400x128xf32>
    %dot_general3A_63 = arith.constant dense<0.000000e+00> : vector<400x128xf32>
    %dot_general3A_64 = tpu.matmul %get3A_62, %get3A_51, %dot_general3A_63 {dimension_numbers = #tpu.dot_dimension_numbers<[1], [0], [0], [1], [0, 0, 1, 1], [], []>, transpose_lhs_hint = false} : vector<400x128xf32>, vector<128x128xf32>, vector<400x128xf32> -> vector<400x128xf32>
    %swap3A_65 = arith.constant 0 : index
    %swap3A_66 = arith.constant 0 : index
    %swap3A_67 = vector.load %arg9[%swap3A_65, %swap3A_66] : memref<400x128xf32, #tpu.memory_space<vmem>>, vector<400x128xf32>
    tpu.vector_store %arg9[%swap3A_65, %swap3A_66], %dot_general3A_64 {strides = array<i32>} : memref<400x128xf32, #tpu.memory_space<vmem>>, vector<400x128xf32>,
    return
  }
}

</mosaic_0001>

<sc_bundles>
// kernel: kernel.10.cloned.1.call-start
scs
__scs_entry_jumppad:
0x0: {  	(pc) =	sbr.rel $0x88, $3  }
0x1: {  	(tag) =	ssettag $0x0;
	lr =	simm.s32 $0x1  }
0x2: {  	[smem:$0x3F96] =	sst lr;
	_ =	strace $0xD0000000  }
0x3: {  	_ = 	snop  }
0x4: {  	_ = 	snop  }
0x5: {  	_ = 	snop  }
0x6: {  	_ = 	snop  }
0x7: {  	_ = 	snop  }
__scs_overlays_trampoline_lowered:
0x8: {  	[smem:$0x3FA5] =	sst s0  }
0x9: {  	[smem:$0x3FA6] =	sst s1  }
0xa: {  	[smem:$0x3FA7] =	sst s2  }
0xb: {  	[smem:$0x3FA8] =	sst s3  }
0xc: {  	[smem:$0x3FA9] =	sst s4  }
0xd: {  	[smem:$0x3FAA] =	sst s5  }
0xe: {  	[smem:$0x3FAB] =	sst s6  }
0xf: {  	[smem:$0x3FAC] =	sst s7  }
0x10: {  	[smem:$0x3FAD] =	sst s8  }
0x11: {  	[smem:$0x3FAE] =	sst s9;
	s0 =	simm.s32 @!p0 $0x0  }
0x12: {  	s1 =	sld [smem:$0x3F94];
	s0 =	simm.s32 @p0 $0x1  }
0x13: {  	[smem:$0x3FAF] =	sst s0;
	s0 =	simm.s32 @!p1 $0x0  }
0x14: {  	s2 =	sld [smem:$0x3F93];
	s0 =	simm.s32 @p1 $0x1  }
0x15: {  	[smem:$0x3FB0] =	sst s0;
	s0 =	simm.s32 @!p2 $0x0  }
0x16: {  	s3 =	sld [smem:$0x3FDB];
	s0 =	simm.s32 @p2 $0x1  }
0x17: {  	s4 =	simm.s32 $0x1BF5;
	[smem:$0x3FB2] =	sst s0  }
0x18: {  	s0 =	sld [smem:$0x3F95];
	_ =	swait.ge [sflag:s4], $0x0  }
0x19: {  	s7 =	sld [smem:$0x3F96]  }
0x1a: {  	s8 =	sadd.s32 $0xFFFFE003, lr  }
0x1b: {  	s9 =	sadd.s32 $0xFFFFFEF7, lr;
	s5 =	simm.s32 $0xFFFFFFFF;
	p2 =	slt.u32 s8, $0xFFFFF086  }
0x1c: {  	p1 =	slt.u32 s9, $0xF7A;
	s5 =	simm.s32 @!p2 $0x0  }
0x1d: {  	s5 =	simm.s32 @p1 $0x1;
	p0 =	seq.s32 s7, s2  }
0x1e: {  	s7 =	smul.u32 @!p0 $0xF7A, s2;
	p2 =	seq.s32 @!p0 s5, $0x0  }
0x1f: {  	s9 =	smul.u32 $0xF7A, s1;
	s8 =	simm.s32 @!p0 $0x1BF5;
	p2 =	por !p2, p0  }
0x20: {  	[sflag:s8] =	ssyncset.s32 @!p0 $0xFFFFF086;
	s6 =	sadd.s32 @!p0 s3, s7;
	s7 =	simm.s32 @!p0 $0x108  }
0x21: {  	s3 =	sadd.s32 s3, s9;
	s6 =	sadd.s32 @!p0 $0x88, s6;
	s7 =	simm.s32 @p2 $0x1082  }
0x22: {  	[simem:s7], [sflag:s8] =	dma.local @!p0 [hbm:s6], $0xF7A  }
0x23: {  	s9 =	sor.u32 $0xD0000000, s2;
	s6 =	simm.s32 $0x108;
	_ =	swait.ge @!p0 [sflag:s8], $0x0  }
0x24: {  	s3 =	sadd.s32 $0x88, s3;
	s6 =	simm.s32 @!p1 $0x1082;
	[sflag:s4] =	ssyncset.s32 $0xFFFFF086  }
0x25: {  	[simem:s6], [sflag:s4] =	dma.local [hbm:s3], $0xF7A  }
0x26: {  	[smem:$0x3F96] =	sst s1;
	(tag) =	ssettag s2;
	_ =	strace s9  }
0x27: {  	s1 =	sld [smem:$0x3FA6]  }
0x28: {  	s2 =	sld [smem:$0x3FA7]  }
0x29: {  	s4 =	sld [smem:$0x3FA9]  }
0x2a: {  	p0 =	seq.s32 s5, $0x0;
	s5 =	sld [smem:$0x3FAA]  }
0x2b: {  	s6 =	sld [smem:$0x3FAB]  }
0x2c: {  	s7 =	sld [smem:$0x3FAC]  }
0x2d: {  	s3 =	simm.s32 $0x108;
	s8 =	sld [smem:$0x3FAD]  }
0x2e: {  	s3 =	simm.s32 @!p0 $0x1082;
	s9 =	sld [smem:$0x3FAE]  }
0x2f: {  	lr =	sadd.s32 s0, s3;
	s0 =	sld [smem:$0x3FA5]  }
0x30: {  	s3 =	sld [smem:$0x3FA8]  }
0x31: {  	[smem:$0x3FB1] =	sst s10  }
0x32: {  	s10 =	sld [smem:$0x3FAF];
	_ =	sdelay $0x3  }
0x33: {  	p0 =	seq.s32 s10, $0x1;
	s10 =	sld [smem:$0x3FB1];
	_ =	sdelay $0x3  }
0x34: {  	[smem:$0x3FB1] =	sst s10  }
0x35: {  	s10 =	sld [smem:$0x3FB0];
	_ =	sdelay $0x3  }
0x36: {  	p1 =	seq.s32 s10, $0x1;
	s10 =	sld [smem:$0x3FB1];
	_ =	sdelay $0x3  }
0x37: {  	[smem:$0x3FB1] =	sst s10  }
0x38: {  	s10 =	sld [smem:$0x3FB2]  }
0x39: {  	_ = 	snop;
	(pc) =	sbr.ind lr, $3  }
0x3a: {  	_ = 	snop  }
0x3b: {  	_ = 	snop  }
0x3c: {  	p2 =	seq.s32 s10, $0x1;
	s10 =	sld [smem:$0x3FB1]  }
0x3d: {  	_ =	shalt  }
0x3e: {  	_ =	shalt  }
0x3f: {  	_ =	shalt  }
0x40: {  	_ =	shalt  }
0x41: {  	_ =	shalt  }
0x42: {  	_ =	shalt  }
0x43: {  	_ =	shalt  }
0x44: {  	_ =	shalt  }
0x45: {  	_ =	shalt  }
0x46: {  	_ =	shalt  }
0x47: {  	_ =	shalt  }
0x48: {  	_ =	shalt  }
0x49: {  	_ =	shalt  }
0x4a: {  	_ =	shalt  }
0x4b: {  	_ =	shalt  }
0x4c: {  	_ =	shalt  }
0x4d: {  	_ =	shalt  }
0x4e: {  	_ =	shalt  }
0x4f: {  	_ =	shalt  }
0x50: {  	_ =	shalt  }
0x51: {  	_ =	shalt  }
0x52: {  	_ =	shalt  }
0x53: {  	_ =	shalt  }
0x54: {  	_ =	shalt  }
0x55: {  	_ =	shalt  }
0x56: {  	_ =	shalt  }
0x57: {  	_ =	shalt  }
0x58: {  	_ =	shalt  }
0x59: {  	_ =	shalt  }
0x5a: {  	_ =	shalt  }
0x5b: {  	_ =	shalt  }
0x5c: {  	_ =	shalt  }
0x5d: {  	_ =	shalt  }
0x5e: {  	_ =	shalt  }
0x5f: {  	_ =	shalt  }
0x60: {  	_ =	shalt  }
0x61: {  	_ =	shalt  }
0x62: {  	_ =	shalt  }
0x63: {  	_ =	shalt  }
0x64: {  	_ =	shalt  }
0x65: {  	_ =	shalt  }
0x66: {  	_ =	shalt  }
0x67: {  	_ =	shalt  }
0x68: {  	_ =	shalt  }
0x69: {  	_ =	shalt  }
0x6a: {  	_ =	shalt  }
0x6b: {  	_ =	shalt  }
0x6c: {  	_ =	shalt  }
0x6d: {  	_ =	shalt  }
0x6e: {  	_ =	shalt  }
0x6f: {  	_ =	shalt  }
0x70: {  	_ =	shalt  }
0x71: {  	_ =	shalt  }
0x72: {  	_ =	shalt  }
0x73: {  	_ =	shalt  }
0x74: {  	_ =	shalt  }
0x75: {  	_ =	shalt  }
0x76: {  	_ =	shalt  }
0x77: {  	_ =	shalt  }
0x78: {  	_ =	shalt  }
0x79: {  	_ =	shalt  }
0x7a: {  	_ =	shalt  }
0x7b: {  	_ =	shalt  }
0x7c: {  	_ =	shalt  }
0x7d: {  	_ =	shalt  }
0x7e: {  	_ =	shalt  }
0x7f: {  	_ =	shalt  }
0x80: {  	_ =	shalt  }
0x81: {  	_ =	shalt  }
0x82: {  	_ =	shalt  }
0x83: {  	_ =	shalt  }
0x84: {  	_ =	shalt  }
0x85: {  	_ =	shalt  }
0x86: {  	_ =	shalt  }
0x87: {  	_ =	shalt  }
.Lfunc_end0:
.L_simem_size_0:
called_computation.1_lowered:
.L_overlay_start_0:
0x88: {  	s2 =	sld [smem:$0x3FD9]  }
0x89: {  	s3 =	sld [smem:$0x3FFE];
	_ =	sdelay $0x1  }
0x8a: {  	s1 =	srdreg.scid  }
0x8b: {  	s0 =	sand.u32 $0x1, s1  }
0x8c: {  	s15 =	sshll.u32 s0, $0xA;
	s2 =	sadd.s32 s3, s2  }
0x8d: {  	s2 =	sadd.s32 s2, s15  }
0x8e: {  	[smem:$0x3FBD] =	sst s2  }
0x8f: {  	_ = 	snop  }
0x90: {  	s2 =	sld [smem:$0x3FD0];
	_ =	sdelay $0x2  }
0x91: {  	s4 =	simm.s32 $0xB;
	s16 =	simm.s32 $0x10  }
0x92: {  	[smem:s16], [sflag:s4] =	dma.local [hbm:s2], $0x1  }
0x93: {  	_ =	swait.eq [sflag:s4], $0x1  }
0x94: {  	[sflag:s4] =	ssyncset.done $0x0  }
0x95: {  	s17 =	sld [smem:$0x11];
	[sflag:s4] =	ssyncadd.s32 $0xFFFFFFFF  }
0x96: {  	s18 =	sld [smem:$0x15];
	(tm) =	ssettm $0x1  }
0x97: {  	s19 =	sld [smem:$0x3FFB];
	_ =	sdelay $0x3  }
0x98: {  	_ =	strace s19  }
0x99: {  	s2 =	sld [smem:$0x3FFC];
	_ =	sdelay $0x3  }
0x9a: {  	_ =	strace s2  }
0x9b: {  	s2 =	sld [smem:$0x3FFD];
	_ =	sdelay $0x3  }
0x9c: {  	_ =	strace s2  }
0x9d: {  	_ =	strace $0x8FFFFFFF  }
0x9e: {  	s20 =	sld [smem:$0x3FDB];
	_ =	sdelay $0x1  }
0x9f: {  	s5 =	simm.s32 $_scs_section_size  }
0xa0: {  	s6 =	simm.s32 $_size__tile_overlayer_lowered;
	s7 =	simm.s32 $_tile_overlayer_lowered  }
0xa1: {  	s8 =	simm.s32 $0x1BFF;
	s21 =	sshll.u32 s7, $0x1;
	s5 =	sadd.s32 s5, s20  }
0xa2: {  	s22 =	simm.s32 $0x0;
	s6 =	sshll.u32 s6, $0x1;
	s7 =	sadd.s32 s21, s5  }
0xa3: {  	[timem:s22], [sflag:s8] =	dma.local [hbm:s7], s6  }
0xa4: {  	_ =	swait.ge [sflag:s8], s6  }
0xa5: {  	s6 =	ssub.s32 $0x0, s6;
	[sflag:s8] =	ssyncset.done $0x0  }
0xa6: {  	[sflag:s8] =	ssyncadd.s32 s6;
	_ =	sdelay $0x1  }
0xa7: {  	s23 =	simm.s32 $0x1B8B  }
0xa8: {  	_ =	swait.ge [sflag:s23], $0x1  }
0xa9: {  	[sflag:s23] =	ssyncset.done $0x0  }
0xaa: {  	[sflag:s23] =	ssyncadd.s32 $0xFFFFFFFF  }
0xab: {  	s6 =	sld [smem:$0x0]  }
0xac: {  	s7 =	sand.u32 $0xFFFFFFFE, s1  }
0xad: {  	p0 =	sne.s32 s1, s7  }
0xae: {  	s7 =	sshll.u32 @p0 s7, $0xE  }
0xaf: {  	s7 =	sadd.s32 @p0 $0x11B8D, s7;
	s8 =	sshll.u32 @p0 s6, $0x11  }
0xb0: {  	s7 =	sor.u32 @p0 s8, s7  }
0xb1: {  	[sflag:s7] =	ssyncadd.remote.s32 @p0 $0x1;
	_ =	sdelay $0x1  }
0xb2: {  	s7 =	simm.s32 @p0 $0x1B8D  }
0xb3: {  	_ =	swait.eq @p0 [sflag:s7], $0x1  }
0xb4: {  	[sflag:s7] =	ssyncadd.s32 @p0 $0xFFFFFFFF  }
0xb5: {  	s8 =	sshll.u32 @!p0 s1, $0xE  }
0xb6: {  	s8 =	sor.u32 @!p0 $0x4000, s8;
	s7 =	simm.s32 @!p0 $0x1B8D  }
0xb7: {  	s6 =	sshll.u32 @!p0 s6, $0x11;
	s8 =	sadd.s32 @!p0 $0x11B8D, s8;
	_ =	swait.eq @!p0 [sflag:s7], $0x1  }
0xb8: {  	s6 =	sor.u32 @!p0 s6, s8;
	[sflag:s7] =	ssyncadd.s32 @!p0 $0xFFFFFFFF  }
0xb9: {  	s25 =	simm.s32 $0x1B8E;
	s24 =	sld [smem:$0x3FFE];
	[sflag:s6] =	ssyncadd.remote.s32 @!p0 $0x1  }
0xba: {  	s26 =	simm.s32 $execute0_lowered;
	[smem:$0x3FD2] =	sst s25  }
0xbb: {  	s7 =	sshll.u32 s26, $0x1;
	_ =	strace $0x80000049;
	[dreg:$0x1] =	wrdreg $0xFFFFFFFF  }
0xbc: {  	s28 =	simm.s32 $_size_execute0_lowered;
	s5 =	sadd.s32 s5, s7;
	[dreg:$0x0] =	wrdreg $0x0  }
0xbd: {  	s7 =	sshll.u32 s28, $0x1;
	[dreg:$0x2] =	wrdreg s5  }
0xbe: {  	[dreg:$0x3] =	wrdreg s7  }
0xbf: {  	[dreg:$0x4] =	wrdreg $0xC0  }
0xc0: {  	_ =	task [dreg:s22], $0x5FFFF  }
0xc1: {  	[dreg:$0x1] =	wrdreg $0xFFFFFFFF  }
0xc2: {  	[dreg:$0x0] =	wrdreg $0x60  }
0xc3: {  	[dreg:$0x2] =	wrdreg s24  }
0xc4: {  	[dreg:$0x3] =	wrdreg s17  }
0xc5: {  	[dreg:$0x4] =	wrdreg s18  }
0xc6: {  	[dreg:$0x5] =	wrdreg $0xC2000  }
0xc7: {  	[dreg:$0x6] =	wrdreg $0xA  }
0xc8: {  	_ =	task.clear_ibuf [dreg:s22], $0x7FFFF;
	_ =	strace $0x90000049  }
0xc9: {  	s29 =	simm.s32 $0xA;
	_ =	strace $0x8000004B  }
0xca: {  	_ =	swait.ge [sflag:s29], $0x1  }
0xcb: {  	[sflag:s29] =	ssyncadd.s32 $0xFFFFFFFF  }
0xcc: {  	_ =	strace $0x9000004B  }
0xcd: {  	_ =	sfence  }
0xce: {  	s30 =	sld [smem:$0x0];
	_ =	sdelay $0x2  }
0xcf: {  	s31 =	sshll.u32 s1, $0xD;
	s1 =	sshrl.u32 s1, $0x2  }
0xd0: {  	s4 =	sand.u32 $0x4000, s31;
	s1 =	sadd.s32 s1, s30  }
0xd1: {  	s0 =	sor.u32 s4, s0;
	s1 =	sshll.u32 s1, $0x11  }
0xd2: {  	s0 =	sor.u32 s1, s0  }
0xd3: {  	s0 =	sadd.s32 $0x8F2B, s0  }
0xd4: {  	[sflag:s0] =	ssyncadd.remote.s32 $0x1  }
0xd5: {  	_ =	sfence.sel $0xFFFF  }
0xd6: {  	[dreg:$0x0] =	wrdreg $0xFFFFFFFF;
	(pc) =	sbr.abs _section_cstart, $3  }
0xd7: {  	[dreg:$0x1] =	wrdreg $0xFFFFFFFF  }
0xd8: {  	_ =	task.clear_ibuf [dreg:s22], $0x2FFFF;
	_ =	strace $0x9FFFFFFF  }
0xd9: {  	(tm) =	ssettm $0x7FFFFFFF  }
tec
execute0_lowered:
.L_overlay_start_1:
0x0: {  	(tag) =	ssettag $0x1  }
0x1: {  	s0 =	rddreg [dreg:$0x0]  }
0x2: {  	s1 =	rddreg [dreg:$0x1]  }
0x3: {  	s2 =	rddreg [dreg:$0x2]  }
0x4: {  	s3 =	rddreg [dreg:$0x3];
	s5 =	srdreg.scid;
	s4 =	simm.s32 $0x0  }
0x5: {  	s17 =	simm.s32 $0xA;
	s10 =	simm.s32 $0x139;
	s14 =	simm.s32 $0x2  }
0x6: {  	s15 =	simm.s32 $0x5;
	s19 =	simm.s32 $0x8200;
	s20 =	simm.s32 $0x7  }
0x7: {  	s21 =	simm.s32 $0xC0;
	s28 =	simm.s32 $0x4200;
	s7 =	sand.u32 $0x1, s5  }
0x8: {  	s29 =	simm.s32 $0x140;
	s30 =	simm.s32 $0x6200;
	s5 =	smul.u32 $0x27100, s7  }
0x9: {  	s6 =	sadd.s32 $0x3400, s0;
	s8 =	ssub.s32 $0x2, s7;
	s12 =	smul.u32 $0x2710, s7  }
0xa: {  	s7 =	smul.u32 $0x190, s7;
	s0 =	sadd.s32 s5, s0;
	s5 =	stileid.u32  }
0xb: {  	s31 =	simm.s32 $0x1;
	[smem:$0x7FF] =	sst s4;
	s22 =	smul.u32 $0xC0, s5  }
0xc: {  	_ =	strace $0x8000004A;
	s9 =	sshrl.u32 s8, $0x1;
	s11 =	smul.u32 $0x18, s5  }
0xd: {  	s9 =	ssub.s32 s8, s9;
	v0 =	vmov s12;
	s12 =	simm.s32 $0x0;
	s25 =	smul.u32 $0x50000, s5  }
0xe: {  	p0 =	seq.s32 s5, $0xF;
	s9 =	smax.u32 s9, $0x1;
	s26 =	smul.u32 $0x2800, s5  }
0xf: {  	s17 =	simm.s32 @!p0 $0x10;
	p0 =	slt.u32 s5, $0x8;
	[dreg:$0x8] =	wrdreg s9  }
0x10: {  	s9 =	simm.s32 $0x1C0;
	s10 =	simm.s32 @!p0 $0x138;
	s13 =	sshrl.u32 s22, $0x3  }
0x11: {  	s11 =	sadd.s32 s2, s11;
	s0 =	sadd.s32 s26, s0;
	s22 =	simm.s32 $0x40  }
0x12: {  	s26 =	simm.s32 $0x6;
	[dreg:$0x5] =	wrdreg s17;
	s8 =	sadd.s32 $0xFFFFFFFF, s10  }
0x13: {  	[dreg:$0x6] =	wrdreg s11;
	s23 =	sadd.s32 s2, s13;
	s24 =	sadd.s32 $0x1, s10  }
0x14: {  	s10 =	sand.u32 $0x1, s10;
	s13 =	simm.s32 $0x2;
	s0 =	sadd.s32 $0x51600, s0  }
0x15: {  	s11 =	sadd.s32 $0x180, s23;
	p0 =	seq.s32 s10, $0x1;
	s10 =	sshrl.u32 s25, $0x2  }
0x16: {  	[dreg:$0xc] =	wrdreg s0;
	s23 =	simm.s32 $0x200;
	s25 =	simm.s32 $0x2200  }
0x17: {  	s0 =	simm.s32 $0x180;
	[dreg:$0x7] =	wrdreg s11;
	s13 =	simm.s32 @!p0 $0x1  }
0x18: {  	s18 =	sadd.s32 s10, s3;
	[dreg:$0x9] =	wrdreg s13;
	s13 =	simm.s32 $0x5  }
0x19: {  	s11 =	sshrl.u32 s24, $0x1;
	[dreg:$0xb] =	wrdreg s18;
	s13 =	simm.s32 @!p0 $0x6  }
0x1a: {  	v2 =	vimm.f32 $0.0e+00;
	v1 =	vmov s7;
	s24 =	simm.s32 $0x80;
	s10 =	simm.s32 $0xA200;
	[dreg:$0xa] =	wrdreg s13  }
.LBB2_1:
0x1b: {  	s7 =	simm.s32 $0x0;
	s13 =	simm.s32 $0x200  }
.LBB2_2:
0x1c: {  	p0 =	sne.s32 s13, $0x4E00;
	[tilespmem:s7+$0x8270] =	vst v2  }
0x1d: {  	[tilespmem:s7+$0x8200] =	vst v2  }
0x1e: {  	[tilespmem:s7+$0x8210] =	vst v2  }
.Ltmp0:
0x1f: {  	[tilespmem:s7+$0x8220] =	vst v2;
	(pc) =	sbr.rel @p0 .LBB2_2-.Ltmp0, $4  }
0x20: {  	[tilespmem:s7+$0x8230] =	vst v2  }
0x21: {  	[tilespmem:s7+$0x8240] =	vst v2  }
0x22: {  	[tilespmem:s7+$0x8250] =	vst v2  }
0x23: {  	[tilespmem:s7+$0x8260] =	vst v2;
	s7 =	sshra.s32 s13, $0x2;
	s13 =	sadd.s32 $0x200, s13  }
0x24: {  	[tilespmem:s7+$0x8270] =	vst v2  }
0x25: {  	[tilespmem:s7+$0x8200] =	vst v2  }
0x26: {  	[tilespmem:s7+$0x8210] =	vst v2  }
0x27: {  	[tilespmem:s7+$0x8220] =	vst v2  }
0x28: {  	[tilespmem:s7+$0x8230] =	vst v2  }
0x29: {  	[tilespmem:s7+$0x8240] =	vst v2;
	p0 =	sne.s32 s17, $0x1  }
.Ltmp1:
0x2a: {  	[tilespmem:s7+$0x8250] =	vst v2;
	(pc) =	sbr.rel @!p0 .LBB2_5-.Ltmp1, $4  }
0x2b: {  	[tilespmem:s7+$0x8260] =	vst v2  }
0x2c: {  	[spmem:s18] =	stream.linear.scatter [tilespmem:s19], [sflag:$0x7], $0x1400, $0x38;
	[tilespmem:$0x1FA80] =	vst v63  }
0x2d: {  	_ =	swait.ge [sflag:s20], $0x1400  }
0x2e: {  	s7 =	sadd.s32 $0xFFFFFFFF, s17;
	s13 =	smov.u32 s18;
	[sflag:s20] =	ssyncset.done $0x0  }
.LBB2_4:
0x2f: {  	p1 =	sne.s32 s7, $0x1;
	[sflag:s20] =	ssyncadd.s32 $0xFFFFEC00;
	s13 =	sadd.s32 $0x1400, s13  }
.Ltmp2:
0x30: {  	s7 =	sadd.s32 $0xFFFFFFFF, s7;
	(pc) =	sbr.rel @p1 .LBB2_4-.Ltmp2, $4  }
0x31: {  	_ = 	snop  }
0x32: {  	[spmem:s13] =	stream.linear.scatter [tilespmem:s19], [sflag:$0x7], $0x1400, $0x38;
	[tilespmem:$0x1FA80] =	vst v63  }
0x33: {  	_ =	swait.ge [sflag:s20], $0x1400  }
0x34: {  	[sflag:s20] =	ssyncset.done $0x0  }
.LBB2_5:
0x35: {  	[sflag:s20] =	ssyncadd.s32 $0xFFFFEC00  }
0x36: {  	[bflag:$0x0] =	sbarrier.arrive $0xFFFF  }
0x37: {  	s18 =	simm.s32 $0x0;
	s7 =	rddreg [dreg:$0x6]  }
0x38: {  	[tilespmem:s18], [sflag:$0x5] =	stream.linear.gather [hbm4b:s7+s18], $0xC0, $0x38;
	[tilespmem:$0x1FA80] =	vst v63  }
0x39: {  	s17 =	rddreg [dreg:$0x7]  }
0x3a: {  	[tilespmem:s21], [sflag:$0x6] =	stream.linear.gather [hbm4b:s17+s18], $0xC0, $0x38;
	[tilespmem:$0x1FA80] =	vst v63  }
0x3b: {  	_ =	swait.ge [sflag:s15], $0xC0  }
0x3c: {  	[sflag:s15] =	ssyncset.done $0x0  }
0x3d: {  	[sflag:s15] =	ssyncadd.s32 $0xFFFFFF40  }
0x3e: {  	v3 =	vld [tilespmem:$0x0]  }
0x3f: {  	v4 =	vld [tilespmem:$0x80]  }
0x40: {  	v5 =	vld [tilespmem:$0x10]  }
0x41: {  	v6 =	vld [tilespmem:$0x90]  }
0x42: {  	v7 =	vld [tilespmem:$0x20]  }
0x43: {  	v8 =	vld [tilespmem:$0xA0];
	v3 =	vadd.s32 v0, v3  }
0x44: {  	v62 =	vld [tilespmem:$0x30];
	[tilespmem:$0x0] =	vst v3;
	v3 =	vadd.s32 v1, v4  }
0x45: {  	v63 =	vld [tilespmem:$0xB0];
	[tilespmem:$0x80] =	vst v3;
	v3 =	vadd.s32 v0, v5  }
0x46: {  	[tilespmem:$0x10] =	vst v3;
	v3 =	vadd.s32 v1, v6  }
0x47: {  	[tilespmem:$0x90] =	vst v3;
	v3 =	vadd.s32 v0, v7  }
0x48: {  	[tilespmem:$0x20] =	vst v3;
	v3 =	vadd.s32 v1, v8  }
0x49: {  	[tilespmem:$0xA0] =	vst v3;
	v3 =	vadd.s32 v0, v62  }
.Ltmp3:
0x4a: {  	[tilespmem:$0x30] =	vst v3;
	v3 =	vadd.s32 v1, v63;
	(pc) =	sbr.rel .LBB2_6-.Ltmp3, $4  }
0x4b: {  	[tilespmem:$0xB0] =	vst v3  }
0x4c: {  	[tilespmem:s23], [sflag:$0x1] =	stream.indirect.gather [hbm4b:s6+s22], $0x80, s18, s22, $0xb8;
	[tilespmem:$0x1FA80] =	vst v63  }
0x4d: {  	_ = 	snop  }
0x4e: {  	[tilespmem:s25], [sflag:$0x1] =	stream.indirect.gather [hbm4b:s1+s22], $0x80, s24, s22, $0xb8;
	[tilespmem:$0x1FA80] =	vst v63  }
.LBB2_12:
0x4f: {  	s18 =	sadd.s32 $0x1, s18  }
0x50: {  	p1 =	sne.s32 s18, s11  }
.Ltmp4:
0x51: {  	_ = 	snop;
	(pc) =	sbr.rel @!p1 .LBB2_13-.Ltmp4, $1  }
0x52: {  	_ =	sdelay $0x3  }
.LBB2_6:
0x53: {  	_ =	swait.ge [sflag:s26], $0xC0  }
0x54: {  	[sflag:s26] =	ssyncset.done $0x0  }
0x55: {  	[sflag:s26] =	ssyncadd.s32 $0xFFFFFF40  }
0x56: {  	v3 =	vld [tilespmem:$0xC0]  }
0x57: {  	v4 =	vld [tilespmem:$0x140]  }
0x58: {  	v5 =	vld [tilespmem:$0xD0]  }
0x59: {  	v6 =	vld [tilespmem:$0x150]  }
0x5a: {  	v7 =	vld [tilespmem:$0xE0]  }
0x5b: {  	v8 =	vld [tilespmem:$0x160];
	v3 =	vadd.s32 v0, v3  }
0x5c: {  	[tilespmem:$0xC0] =	vst v3;
	v3 =	vadd.s32 v1, v4;
	v4 =	vld [tilespmem:$0xF0]  }
0x5d: {  	[tilespmem:$0x140] =	vst v3;
	v3 =	vadd.s32 v0, v5;
	v5 =	vld [tilespmem:$0x170]  }
0x5e: {  	[tilespmem:$0xD0] =	vst v3;
	v3 =	vadd.s32 v1, v6  }
0x5f: {  	[tilespmem:$0x150] =	vst v3;
	v3 =	vadd.s32 v0, v7  }
0x60: {  	[tilespmem:$0xE0] =	vst v3;
	v3 =	vadd.s32 v1, v8  }
0x61: {  	[tilespmem:$0x160] =	vst v3;
	v3 =	vadd.s32 v0, v4  }
0x62: {  	[tilespmem:$0xF0] =	vst v3;
	v3 =	vadd.s32 v1, v5  }
0x63: {  	[tilespmem:$0x170] =	vst v3  }
0x64: {  	[tilespmem:s28], [sflag:$0x2] =	stream.indirect.gather [hbm4b:s6+s22], $0x80, s21, s22, $0xb8;
	[tilespmem:$0x1FA80] =	vst v63  }
0x65: {  	_ = 	snop  }
0x66: {  	[tilespmem:s30], [sflag:$0x2] =	stream.indirect.gather [hbm4b:s1+s22], $0x80, s29, s22, $0xb8;
	[tilespmem:$0x1FA80] =	vst v63  }
0x67: {  	_ =	swait.ge [sflag:s31], $0x2000  }
0x68: {  	[sflag:s31] =	ssyncset.done $0x0  }
0x69: {  	[sflag:s31] =	ssyncadd.s32 $0xFFFFE000  }
0x6a: {  	_ =	swait.ge [sflag:s31], $0x2000  }
0x6b: {  	p1 =	seq.s32 s18, $0x0;
	[sflag:s31] =	ssyncset.done $0x0  }
0x6c: {  	s7 =	simm.s32 @!p1 $0x3;
	[sflag:s31] =	ssyncadd.s32 $0xFFFFE000  }
0x6d: {  	_ =	swait.ge @!p1 [sflag:s7], $0x2000  }
0x6e: {  	[sflag:s7] =	ssyncset.done @!p1 $0x0  }
0x6f: {  	s16 =	simm.s32 $0x0;
	[sflag:s7] =	ssyncadd.s32 @!p1 $0xFFFFE000  }
0x70: {  	v3 =	vld [tilespmem:s16+$0x230]  }
0x71: {  	v4 =	vld [tilespmem:s16+$0x270]  }
0x72: {  	v5 =	vld [tilespmem:s16+$0x2230]  }
0x73: {  	v6 =	vld [tilespmem:s16+$0x2270]  }
0x74: {  	v8 =	vld [tilespmem:s16+$0x200]  }
0x75: {  	v9 =	vld [tilespmem:s16+$0x240]  }
0x76: {  	v10 =	vld [tilespmem:s16+$0x2200]  }
0x77: {  	v11 =	vld [tilespmem:s16+$0x2240]  }
0x78: {  	v12 =	vld [tilespmem:s16+$0x210]  }
0x79: {  	v14 =	vld [tilespmem:s16+$0x250];
	v7 =	vmul.f32 v6, v3;
	v13 =	vmul.f32 v5, v4  }
0x7a: {  	v15 =	vld [tilespmem:s16+$0x2210]  }
0x7b: {  	v63 =	vld [tilespmem:s16+$0x2250];
	v4 =	vmul.f32 v6, v4;
	v6 =	vadd.f32 v7, v13  }
0x7c: {  	v5 =	vmul.f32 v5, v3  }
0x7d: {  	v3 =	vld [tilespmem:s16+$0x220];
	v16 =	vmul.f32 v11, v9;
	[tilespmem:s16+$0x8270] =	vst v6;
	v6 =	vmul.f32 v10, v8  }
0x7e: {  	v4 =	vsub.f32 v5, v4;
	v5 =	vld [tilespmem:s16+$0x260];
	v10 =	vmul.f32 v10, v9;
	v8 =	vmul.f32 v11, v8  }
0x7f: {  	v7 =	vld [tilespmem:s16+$0x2220];
	v6 =	vsub.f32 v6, v16  }
0x80: {  	s17 =	simm.s32 $0x80;
	[tilespmem:s16+$0x8230] =	vst v4;
	v9 =	vld [tilespmem:s16+$0x2260];
	v11 =	vmul.f32 v63, v14;
	v8 =	vadd.f32 v8, v10;
	v10 =	vmul.f32 v15, v12  }
0x81: {  	v4 =	vld [tilespmem:s17+$0x230];
	v15 =	vmul.f32 v15, v14;
	v12 =	vmul.f32 v63, v12;
	[tilespmem:s16+$0x8200] =	vst v6  }
0x82: {  	v6 =	vld [tilespmem:s17+$0x270];
	[tilespmem:s16+$0x8240] =	vst v8  }
0x83: {  	s13 =	simm.s32 $0x400;
	s7 =	sshll.u32 s18, $0x1;
	v11 =	vsub.f32 v10, v11;
	v10 =	vadd.f32 v12, v15;
	v8 =	vld [tilespmem:s17+$0x2230]  }
.LBB2_7:
0x84: {  	p2 =	sne.s32 s13, $0x7E00;
	v12 =	vld [tilespmem:s17+$0x2270];
	v13 =	vmul.f32 v7, v3;
	v7 =	vmul.f32 v7, v5  }
0x85: {  	v14 =	vld [tilespmem:s17+$0x200];
	[tilespmem:s16+$0x8210] =	vst v11;
	v5 =	vmul.f32 v9, v5;
	v3 =	vmul.f32 v9, v3  }
0x86: {  	v9 =	vld [tilespmem:s17+$0x240];
	[tilespmem:s16+$0x8250] =	vst v10  }
0x87: {  	v10 =	vld [tilespmem:s17+$0x2200];
	v5 =	vsub.f32 v13, v5;
	v3 =	vadd.f32 v3, v7  }
0x88: {  	v7 =	vld [tilespmem:s17+$0x2240];
	v11 =	vmul.f32 v8, v4  }
0x89: {  	v8 =	vmul.f32 v8, v6;
	v13 =	vld [tilespmem:s17+$0x210];
	v4 =	vmul.f32 v12, v4;
	[tilespmem:s16+$0x8220] =	vst v5  }
0x8a: {  	v5 =	vmul.f32 v12, v6;
	v15 =	vld [tilespmem:s17+$0x250];
	[tilespmem:s16+$0x8260] =	vst v3;
	s16 =	smov.u32 s17  }
0x8b: {  	v6 =	vld [tilespmem:s16+$0x2210];
	v4 =	vadd.f32 v4, v8  }
0x8c: {  	v11 =	vsub.f32 v11, v5;
	v8 =	vmul.f32 v10, v14;
	v10 =	vmul.f32 v10, v9;
	v12 =	vld [tilespmem:s16+$0x2250]  }
0x8d: {  	v9 =	vmul.f32 v7, v9;
	v7 =	vmul.f32 v7, v14;
	v3 =	vld [tilespmem:s16+$0x220];
	[tilespmem:s16+$0x8270] =	vst v4  }
0x8e: {  	v5 =	vld [tilespmem:s16+$0x260];
	[tilespmem:s16+$0x8230] =	vst v11  }
.Ltmp5:
0x8f: {  	v8 =	vsub.f32 v8, v9;
	v10 =	vadd.f32 v7, v10;
	v7 =	vld [tilespmem:s16+$0x2220];
	(pc) =	sbr.rel @p2 .LBB2_7-.Ltmp5, $4  }
0x90: {  	s17 =	sshra.s32 s13, $0x2;
	v11 =	vmul.f32 v6, v13;
	v14 =	vmul.f32 v6, v15;
	v9 =	vld [tilespmem:s16+$0x2260]  }
0x91: {  	v4 =	vld [tilespmem:s17+$0x230];
	[tilespmem:s16+$0x8200] =	vst v8;
	v15 =	vmul.f32 v12, v15;
	v12 =	vmul.f32 v12, v13  }
0x92: {  	v6 =	vld [tilespmem:s17+$0x270];
	[tilespmem:s16+$0x8240] =	vst v10  }
0x93: {  	s13 =	sadd.s32 $0x200, s13;
	v8 =	vld [tilespmem:s17+$0x2230];
	v11 =	vsub.f32 v11, v15;
	v10 =	vadd.f32 v12, v14  }
0x94: {  	v12 =	vld [tilespmem:s17+$0x2270]  }
0x95: {  	v13 =	vld [tilespmem:s17+$0x200];
	v14 =	vmul.f32 v7, v3;
	[tilespmem:s16+$0x8210] =	vst v11;
	v15 =	vmul.f32 v9, v5  }
0x96: {  	v38 =	vmul.f32 v7, v5;
	v3 =	vmul.f32 v9, v3;
	v11 =	vld [tilespmem:s17+$0x240];
	[tilespmem:s16+$0x8250] =	vst v10  }
0x97: {  	v10 =	vld [tilespmem:s17+$0x2200];
	v39 =	vsub.f32 v14, v15  }
0x98: {  	v40 =	vld [tilespmem:s17+$0x2240];
	v3 =	vadd.f32 v3, v38  }
0x99: {  	v41 =	vld [tilespmem:s17+$0x210];
	[tilespmem:s16+$0x8220] =	vst v39  }
0x9a: {  	v42 =	vld [tilespmem:s17+$0x250];
	[tilespmem:s16+$0x8260] =	vst v3  }
0x9b: {  	v3 =	vld [tilespmem:s17+$0x2210]  }
0x9c: {  	v47 =	vld [tilespmem:s17+$0x2250]  }
0x9d: {  	v48 =	vld [tilespmem:s17+$0x220]  }
0x9e: {  	v49 =	vld [tilespmem:s17+$0x260]  }
0x9f: {  	v44 =	vmul.f32 v8, v6;
	v43 =	vmul.f32 v12, v4;
	v50 =	vld [tilespmem:s17+$0x2220]  }
0xa0: {  	v45 =	vmul.f32 v8, v4;
	v46 =	vmul.f32 v12, v6;
	v51 =	vld [tilespmem:s17+$0x2260]  }
0xa1: {  	v7 =	vadd.f32 v43, v44;
	v52 =	vmul.f32 v10, v13;
	v16 =	vmul.f32 v40, v11  }
0xa2: {  	v4 =	vsub.f32 v45, v46;
	v10 =	vmul.f32 v10, v11;
	v9 =	vmul.f32 v40, v13  }
0xa3: {  	[tilespmem:s17+$0x8270] =	vst v7;
	v53 =	vsub.f32 v52, v16;
	v54 =	vmul.f32 v3, v41;
	v55 =	vmul.f32 v47, v42  }
0xa4: {  	[tilespmem:s17+$0x8230] =	vst v4;
	v9 =	vadd.f32 v9, v10;
	v3 =	vmul.f32 v3, v42;
	v56 =	vmul.f32 v47, v41  }
0xa5: {  	[tilespmem:s17+$0x8200] =	vst v53;
	v58 =	vmul.f32 v50, v48;
	v59 =	vmul.f32 v51, v49;
	v57 =	vsub.f32 v54, v55  }
0xa6: {  	[tilespmem:s17+$0x8240] =	vst v9;
	v4 =	vmul.f32 v50, v49;
	v60 =	vmul.f32 v51, v48;
	v3 =	vadd.f32 v56, v3  }
0xa7: {  	v61 =	vsub.f32 v58, v59;
	[tilespmem:s17+$0x8210] =	vst v57  }
0xa8: {  	[tilespmem:s17+$0x8250] =	vst v3;
	v3 =	vadd.f32 v60, v4  }
0xa9: {  	[tilespmem:s17+$0x8220] =	vst v61  }
0xaa: {  	[tilespmem:s17+$0x8260] =	vst v3  }
0xab: {  	v3 =	vld [tilespmem:$0x40]  }
0xac: {  	s13 =	sadd.s32 $0x2, s7;
	v62 =	vld [tilespmem:$0x50]  }
0xad: {  	p2 =	slt.s32 s13, s8;
	s16 =	smov.u32 s8;
	v63 =	vld [tilespmem:$0x60]  }
0xae: {  	s16 =	smov.u32 @p2 s13;
	v6 =	vld [tilespmem:$0x70]  }
0xaf: {  	s13 =	sshll.u32 s16, $0x4  }
0xb0: {  	s13 =	sor.u32 s5, s13;
	[tilespmem:$0x180] =	vst v3  }
0xb1: {  	p2 =	sge.u32 s7, s8;
	s13 =	smul.u32 $0xC0, s13;
	[tilespmem:$0x190] =	vst v62  }
.Ltmp6:
0xb2: {  	[tilespmem:$0x1A0] =	vst v63;
	(pc) =	sbr.rel @p2 .LBB2_12-.Ltmp6, $4  }
0xb3: {  	s13 =	sshrl.u32 s13, $0x3;
	[tilespmem:$0x1B0] =	vst v6  }
0xb4: {  	[spmem:s3] =	stream.indirect.scatter.add.f32 [tilespmem:s19], [sflag:$0x3], $0x80, s0, s22, $0xb8;
	[tilespmem:$0x1FA80] =	vst v63  }
0xb5: {  	s13 =	sadd.s32 s2, s13  }
0xb6: {  	[tilespmem:s4], [sflag:$0x5] =	stream.linear.gather [hbm4b:s13+s4], $0xC0, $0x38;
	[tilespmem:$0x1FA80] =	vst v63  }
0xb7: {  	_ =	swait.ge [sflag:s15], $0xC0  }
0xb8: {  	[sflag:s15] =	ssyncset.done $0x0  }
0xb9: {  	[sflag:s15] =	ssyncadd.s32 $0xFFFFFF40  }
0xba: {  	v3 =	vld [tilespmem:$0x0]  }
0xbb: {  	v4 =	vld [tilespmem:$0x80]  }
0xbc: {  	v5 =	vld [tilespmem:$0x10]  }
0xbd: {  	v6 =	vld [tilespmem:$0x90]  }
0xbe: {  	v7 =	vld [tilespmem:$0x20]  }
0xbf: {  	v8 =	vld [tilespmem:$0xA0];
	v3 =	vadd.s32 v0, v3  }
0xc0: {  	[tilespmem:$0x0] =	vst v3;
	v3 =	vadd.s32 v1, v4;
	v4 =	vld [tilespmem:$0x30]  }
0xc1: {  	[tilespmem:$0x80] =	vst v3;
	v3 =	vadd.s32 v0, v5;
	v5 =	vld [tilespmem:$0xB0]  }
0xc2: {  	[tilespmem:$0x10] =	vst v3;
	v3 =	vadd.s32 v1, v6  }
0xc3: {  	[tilespmem:$0x90] =	vst v3;
	v3 =	vadd.s32 v0, v7  }
0xc4: {  	[tilespmem:$0x20] =	vst v3;
	v3 =	vadd.s32 v1, v8  }
0xc5: {  	[tilespmem:$0xA0] =	vst v3;
	v3 =	vadd.s32 v0, v4  }
0xc6: {  	[tilespmem:$0x30] =	vst v3;
	v3 =	vadd.s32 v1, v5  }
0xc7: {  	[tilespmem:$0xB0] =	vst v3  }
0xc8: {  	[tilespmem:s23], [sflag:$0x1] =	stream.indirect.gather [hbm4b:s6+s22], $0x80, s4, s22, $0xb8;
	[tilespmem:$0x1FA80] =	vst v63  }
0xc9: {  	_ = 	snop  }
0xca: {  	[tilespmem:s25], [sflag:$0x1] =	stream.indirect.gather [hbm4b:s1+s22], $0x80, s24, s22, $0xb8;
	[tilespmem:$0x1FA80] =	vst v63  }
0xcb: {  	_ =	swait.ge [sflag:s14], $0x2000  }
0xcc: {  	[sflag:s14] =	ssyncset.done $0x0  }
0xcd: {  	[sflag:s14] =	ssyncadd.s32 $0xFFFFE000  }
0xce: {  	_ =	swait.ge [sflag:s14], $0x2000  }
0xcf: {  	[sflag:s14] =	ssyncset.done $0x0  }
0xd0: {  	s13 =	simm.s32 @!p1 $0x4;
	[sflag:s14] =	ssyncadd.s32 $0xFFFFE000  }
0xd1: {  	_ =	swait.ge @!p1 [sflag:s13], $0x2000  }
0xd2: {  	[sflag:s13] =	ssyncset.done @!p1 $0x0  }
0xd3: {  	s16 =	simm.s32 $0x0;
	[sflag:s13] =	ssyncadd.s32 @!p1 $0xFFFFE000  }
0xd4: {  	v3 =	vld [tilespmem:s16+$0x4230]  }
0xd5: {  	v4 =	vld [tilespmem:s16+$0x4270]  }
0xd6: {  	v5 =	vld [tilespmem:s16+$0x6230]  }
0xd7: {  	v6 =	vld [tilespmem:s16+$0x6270]  }
0xd8: {  	v7 =	vld [tilespmem:s16+$0x4200]  }
0xd9: {  	v9 =	vld [tilespmem:s16+$0x4240]  }
0xda: {  	v10 =	vld [tilespmem:s16+$0x6200]  }
0xdb: {  	v11 =	vld [tilespmem:s16+$0x6240]  }
0xdc: {  	v12 =	vld [tilespmem:s16+$0x4210]  }
0xdd: {  	v14 =	vld [tilespmem:s16+$0x4250];
	v8 =	vmul.f32 v6, v3;
	v13 =	vmul.f32 v5, v4  }
0xde: {  	v15 =	vld [tilespmem:s16+$0x6210]  }
0xdf: {  	v63 =	vld [tilespmem:s16+$0x6250];
	v4 =	vmul.f32 v6, v4;
	v6 =	vadd.f32 v8, v13  }
0xe0: {  	v5 =	vmul.f32 v5, v3  }
0xe1: {  	v3 =	vld [tilespmem:s16+$0x4220];
	v16 =	vmul.f32 v11, v9;
	[tilespmem:s16+$0xA270] =	vst v6;
	v6 =	vmul.f32 v10, v7  }
0xe2: {  	v4 =	vsub.f32 v5, v4;
	v5 =	vld [tilespmem:s16+$0x4260];
	v10 =	vmul.f32 v10, v9;
	v7 =	vmul.f32 v11, v7  }
0xe3: {  	v8 =	vld [tilespmem:s16+$0x6220];
	v6 =	vsub.f32 v6, v16  }
0xe4: {  	s17 =	simm.s32 $0x80;
	[tilespmem:s16+$0xA230] =	vst v4;
	v9 =	vld [tilespmem:s16+$0x6260];
	v11 =	vmul.f32 v63, v14;
	v7 =	vadd.f32 v7, v10;
	v10 =	vmul.f32 v15, v12  }
0xe5: {  	v4 =	vld [tilespmem:s17+$0x4230];
	v15 =	vmul.f32 v15, v14;
	v12 =	vmul.f32 v63, v12;
	[tilespmem:s16+$0xA200] =	vst v6  }
0xe6: {  	v6 =	vld [tilespmem:s17+$0x4270];
	[tilespmem:s16+$0xA240] =	vst v7  }
0xe7: {  	s13 =	simm.s32 $0x400;
	v11 =	vsub.f32 v10, v11;
	v10 =	vadd.f32 v12, v15;
	v7 =	vld [tilespmem:s17+$0x6230]  }
.LBB2_10:
0xe8: {  	p1 =	sne.s32 s13, $0x7E00;
	v12 =	vld [tilespmem:s17+$0x6270];
	v13 =	vmul.f32 v8, v3;
	v8 =	vmul.f32 v8, v5  }
0xe9: {  	v14 =	vld [tilespmem:s17+$0x4200];
	[tilespmem:s16+$0xA210] =	vst v11;
	v5 =	vmul.f32 v9, v5;
	v3 =	vmul.f32 v9, v3  }
0xea: {  	v9 =	vld [tilespmem:s17+$0x4240];
	[tilespmem:s16+$0xA250] =	vst v10  }
0xeb: {  	v10 =	vld [tilespmem:s17+$0x6200];
	v5 =	vsub.f32 v13, v5;
	v3 =	vadd.f32 v3, v8  }
0xec: {  	v8 =	vld [tilespmem:s17+$0x6240];
	v11 =	vmul.f32 v7, v4  }
0xed: {  	v7 =	vmul.f32 v7, v6;
	v13 =	vld [tilespmem:s17+$0x4210];
	v4 =	vmul.f32 v12, v4;
	[tilespmem:s16+$0xA220] =	vst v5  }
0xee: {  	v5 =	vmul.f32 v12, v6;
	v15 =	vld [tilespmem:s17+$0x4250];
	[tilespmem:s16+$0xA260] =	vst v3;
	s16 =	smov.u32 s17  }
0xef: {  	v6 =	vld [tilespmem:s16+$0x6210];
	v4 =	vadd.f32 v4, v7  }
0xf0: {  	v11 =	vsub.f32 v11, v5;
	v7 =	vmul.f32 v10, v14;
	v10 =	vmul.f32 v10, v9;
	v12 =	vld [tilespmem:s16+$0x6250]  }
0xf1: {  	v9 =	vmul.f32 v8, v9;
	v8 =	vmul.f32 v8, v14;
	v3 =	vld [tilespmem:s16+$0x4220];
	[tilespmem:s16+$0xA270] =	vst v4  }
0xf2: {  	v5 =	vld [tilespmem:s16+$0x4260];
	[tilespmem:s16+$0xA230] =	vst v11  }
.Ltmp7:
0xf3: {  	v7 =	vsub.f32 v7, v9;
	v10 =	vadd.f32 v8, v10;
	v8 =	vld [tilespmem:s16+$0x6220];
	(pc) =	sbr.rel @p1 .LBB2_10-.Ltmp7, $4  }
0xf4: {  	s17 =	sshra.s32 s13, $0x2;
	v11 =	vmul.f32 v6, v13;
	v14 =	vmul.f32 v6, v15;
	v9 =	vld [tilespmem:s16+$0x6260]  }
0xf5: {  	v4 =	vld [tilespmem:s17+$0x4230];
	[tilespmem:s16+$0xA200] =	vst v7;
	v15 =	vmul.f32 v12, v15;
	v12 =	vmul.f32 v12, v13  }
0xf6: {  	v6 =	vld [tilespmem:s17+$0x4270];
	[tilespmem:s16+$0xA240] =	vst v10  }
0xf7: {  	s13 =	sadd.s32 $0x200, s13;
	v7 =	vld [tilespmem:s17+$0x6230];
	v11 =	vsub.f32 v11, v15;
	v10 =	vadd.f32 v12, v14  }
0xf8: {  	v12 =	vld [tilespmem:s17+$0x6270]  }
0xf9: {  	v13 =	vld [tilespmem:s17+$0x4200];
	v14 =	vmul.f32 v8, v3;
	[tilespmem:s16+$0xA210] =	vst v11;
	v15 =	vmul.f32 v9, v5  }
0xfa: {  	v37 =	vmul.f32 v8, v5;
	v3 =	vmul.f32 v9, v3;
	v11 =	vld [tilespmem:s17+$0x4240];
	[tilespmem:s16+$0xA250] =	vst v10  }
0xfb: {  	v10 =	vld [tilespmem:s17+$0x6200];
	v38 =	vsub.f32 v14, v15  }
0xfc: {  	v39 =	vld [tilespmem:s17+$0x6240];
	v3 =	vadd.f32 v3, v37  }
0xfd: {  	v40 =	vld [tilespmem:s17+$0x4210];
	[tilespmem:s16+$0xA220] =	vst v38  }
0xfe: {  	v41 =	vld [tilespmem:s17+$0x4250];
	[tilespmem:s16+$0xA260] =	vst v3  }
0xff: {  	v3 =	vld [tilespmem:s17+$0x6210]  }
0x100: {  	v47 =	vld [tilespmem:s17+$0x6250]  }
0x101: {  	v48 =	vld [tilespmem:s17+$0x4220]  }
0x102: {  	v49 =	vld [tilespmem:s17+$0x4260]  }
0x103: {  	v43 =	vmul.f32 v7, v6;
	v42 =	vmul.f32 v12, v4;
	v50 =	vld [tilespmem:s17+$0x6220]  }
0x104: {  	v44 =	vmul.f32 v7, v4;
	v45 =	vmul.f32 v12, v6;
	v51 =	vld [tilespmem:s17+$0x6260]  }
0x105: {  	v46 =	vadd.f32 v42, v43;
	v52 =	vmul.f32 v10, v13;
	v16 =	vmul.f32 v39, v11  }
0x106: {  	v4 =	vsub.f32 v44, v45;
	v10 =	vmul.f32 v10, v11;
	v9 =	vmul.f32 v39, v13  }
0x107: {  	[tilespmem:s17+$0xA270] =	vst v46;
	v53 =	vsub.f32 v52, v16;
	v54 =	vmul.f32 v3, v40;
	v55 =	vmul.f32 v47, v41  }
0x108: {  	[tilespmem:s17+$0xA230] =	vst v4;
	v9 =	vadd.f32 v9, v10;
	v3 =	vmul.f32 v3, v41;
	v56 =	vmul.f32 v47, v40  }
0x109: {  	[tilespmem:s17+$0xA200] =	vst v53;
	v58 =	vmul.f32 v50, v48;
	v59 =	vmul.f32 v51, v49;
	v57 =	vsub.f32 v54, v55  }
0x10a: {  	[tilespmem:s17+$0xA240] =	vst v9;
	v4 =	vmul.f32 v50, v49;
	v60 =	vmul.f32 v51, v48;
	v3 =	vadd.f32 v56, v3  }
0x10b: {  	v61 =	vsub.f32 v58, v59;
	[tilespmem:s17+$0xA210] =	vst v57  }
0x10c: {  	[tilespmem:s17+$0xA250] =	vst v3;
	v3 =	vadd.f32 v60, v4  }
0x10d: {  	[tilespmem:s17+$0xA220] =	vst v61  }
0x10e: {  	[tilespmem:s17+$0xA260] =	vst v3  }
0x10f: {  	v3 =	vld [tilespmem:$0x100]  }
0x110: {  	v62 =	vld [tilespmem:$0x110]  }
0x111: {  	v63 =	vld [tilespmem:$0x120]  }
0x112: {  	s7 =	sadd.s32 $0x3, s7;
	v6 =	vld [tilespmem:$0x130]  }
0x113: {  	s13 =	smov.u32 s8;
	p1 =	slt.s32 s7, s8  }
0x114: {  	s13 =	smov.u32 @p1 s7;
	[tilespmem:$0x1C0] =	vst v3  }
0x115: {  	s7 =	sshll.u32 s13, $0x4;
	[tilespmem:$0x1D0] =	vst v62  }
.Ltmp8:
0x116: {  	s7 =	sor.u32 s5, s7;
	[tilespmem:$0x1E0] =	vst v63;
	(pc) =	sbr.rel .LBB2_12-.Ltmp8, $4  }
0x117: {  	s7 =	smul.u32 $0x18, s7;
	[tilespmem:$0x1F0] =	vst v6  }
0x118: {  	[spmem:s3] =	stream.indirect.scatter.add.f32 [tilespmem:s10], [sflag:$0x4], $0x80, s9, s22, $0xb8;
	[tilespmem:$0x1FA80] =	vst v63  }
0x119: {  	s7 =	sadd.s32 s2, s7  }
0x11a: {  	[tilespmem:s21], [sflag:$0x6] =	stream.linear.gather [hbm4b:s7+s4], $0xC0, $0x38;
	[tilespmem:$0x1FA80] =	vst v63  }
.LBB2_13:
0x11b: {  	s7 =	rddreg [dreg:$0x9]  }
0x11c: {  	_ =	swait.ge [sflag:s7], $0x2000  }
0x11d: {  	[sflag:s7] =	ssyncset.done $0x0  }
0x11e: {  	[sflag:s7] =	ssyncadd.s32 $0xFFFFE000  }
0x11f: {  	_ =	swait.ge [sflag:s7], $0x2000  }
0x120: {  	[sflag:s7] =	ssyncset.done $0x0  }
0x121: {  	s16 =	rddreg [dreg:$0xa];
	[sflag:s7] =	ssyncadd.s32 $0xFFFFE000  }
0x122: {  	_ =	swait.ge [sflag:s16], $0xC0  }
0x123: {  	[sflag:s16] =	ssyncset.done $0x0  }
0x124: {  	s17 =	simm.s32 $0x3;
	[sflag:s16] =	ssyncadd.s32 $0xFFFFFF40  }
0x125: {  	_ =	swait.ge [sflag:s17], $0x2000  }
0x126: {  	[sflag:s17] =	ssyncset.done $0x0  }
0x127: {  	s18 =	simm.s32 $0x4;
	[sflag:s17] =	ssyncadd.s32 $0xFFFFE000  }
0x128: {  	_ =	swait.ge [sflag:s18], $0x2000  }
0x129: {  	[sflag:s18] =	ssyncset.done $0x0  }
0x12a: {  	[sflag:s18] =	ssyncadd.s32 $0xFFFFE000  }
0x12b: {  	[bflag:$0x0] =	sbarrier.arrive $0xFFFF  }
0x12c: {  	s18 =	rddreg [dreg:$0xb]  }
0x12d: {  	[tilespmem:s19], [sflag:$0x7] =	stream.linear.gather [spmem:s18], $0x1400, $0x38;
	[tilespmem:$0x1FA80] =	vst v63  }
0x12e: {  	_ =	swait.ge [sflag:s20], $0x1400  }
0x12f: {  	[sflag:s20] =	ssyncset.done $0x0  }
.Ltmp9:
0x130: {  	s16 =	rddreg [dreg:$0xc];
	[sflag:s20] =	ssyncadd.s32 $0xFFFFEC00;
	(pc) =	sbr.rel @!p0 .LBB2_15-.Ltmp9, $4  }
0x131: {  	[hbm4b:s16+s4] =	stream.linear.scatter [tilespmem:s19], [sflag:$0x7], $0x1400, $0x38;
	[tilespmem:$0x1FA80] =	vst v63  }
0x132: {  	_ =	swait.ge [sflag:s20], $0x1400  }
0x133: {  	s17 =	rddreg [dreg:$0x5]  }
0x134: {  	s13 =	smov.u32 s18;
	[sflag:s20] =	ssyncset.done $0x0;
	s7 =	sadd.s32 $0xFFFFFFFF, s17  }
.LBB2_14:
0x135: {  	[sflag:s20] =	ssyncadd.s32 $0xFFFFEC00;
	s13 =	sadd.s32 $0x1400, s13;
	s16 =	sadd.s32 $0x280, s16  }
0x136: {  	[tilespmem:s19], [sflag:$0x7] =	stream.linear.gather [spmem:s13], $0x1400, $0x38;
	[tilespmem:$0x1FA80] =	vst v63  }
0x137: {  	p0 =	sne.s32 s7, $0x1;
	s7 =	sadd.s32 $0xFFFFFFFF, s7;
	_ =	swait.ge [sflag:s20], $0x1400  }
.Ltmp10:
0x138: {  	[sflag:s20] =	ssyncset.done $0x0;
	(pc) =	sbr.rel @p0 .LBB2_14-.Ltmp10, $4  }
0x139: {  	[sflag:s20] =	ssyncadd.s32 $0xFFFFEC00  }
0x13a: {  	[hbm4b:s16+s4] =	stream.linear.scatter [tilespmem:s19], [sflag:$0x7], $0x1400, $0x38;
	[tilespmem:$0x1FA80] =	vst v63  }
0x13b: {  	_ =	swait.ge [sflag:s20], $0x1400  }
0x13c: {  	[sflag:s20] =	ssyncset.done $0x0  }
.LBB2_15:
0x13d: {  	s12 =	sadd.s32 $0x1, s12;
	s7 =	rddreg [dreg:$0x8]  }
0x13e: {  	p0 =	sne.s32 s12, s7  }
.Ltmp11:
0x13f: {  	_ = 	snop;
	(pc) =	sbr.rel @p0 .LBB2_1-.Ltmp11, $2  }
0x140: {  	_ =	sdelay $0x2  }
0x141: {  	[sflag:s20] =	ssyncadd.s32 $0xFFFFEC00  }
0x142: {  	_ =	sfence.sel $0x180000  }
0x143: {  	[bflag:$0x0] =	sbarrier.arrive $0xFFFF  }
0x144: {  	_ =	strace $0x9000004A  }
0x145: {  	[bflag:$0x2] =	sbarrier.arrive $0xFFFF  }
0x146: {  	p0 =	sne.s32 s5, $0x0;
	s0 =	rddreg [dreg:$0x4]  }
0x147: {  	s0 =	sadd.s32 @!p0 $0x100000, s0  }
0x148: {  	[sflag:s0] =	ssyncadd.tile.s32 @!p0 $0x1;
	_ =	shalt  }
.Lfunc_end2:
_tile_overlayer_lowered:
.L_overlay_start_2:
0x149: {  	(tag) =	ssettag $0x2  }
0x14a: {  	s0 =	rddreg [dreg:$0x0];
	s2 =	stileid.u32  }
0x14b: {  	s1 =	rddreg [dreg:$0x1];
	p0 =	sne.s32 s2, $0x0  }
0x14c: {  	s3 =	rddreg [dreg:$0x2];
	[bflag:$0x3] =	sbarrier.arrive $0xFFFF;
	s2 =	simm.s32 @!p0 $0x1C07  }
0x14d: {  	[timem:s3], [sflag:s2] =	dma.local @!p0 [hbm:s0], s1  }
0x14e: {  	s0 =	simm.s32 @!p0 $0x7  }
0x14f: {  	_ =	swait.ge @!p0 [sflag:s0], s1  }
0x150: {  	s1 =	ssub.s32 @!p0 $0x0, s1;
	[sflag:s0] =	ssyncset.done @!p0 $0x0  }
0x151: {  	[sflag:s0] =	ssyncadd.s32 @!p0 s1  }
0x152: {  	[bflag:$0x3] =	sbarrier.arrive $0xFFFF  }
0x153: {  	_ =	shalt  }

// kernel: kernel.13.cloned.1.call-start
scs
__scs_entry_jumppad:
0x0: {  	(pc) =	sbr.rel $0x88, $3  }
0x1: {  	(tag) =	ssettag $0x0;
	lr =	simm.s32 $0x1  }
0x2: {  	[smem:$0x3F96] =	sst lr;
	_ =	strace $0xD0000000  }
0x3: {  	_ = 	snop  }
0x4: {  	_ = 	snop  }
0x5: {  	_ = 	snop  }
0x6: {  	_ = 	snop  }
0x7: {  	_ = 	snop  }
__scs_overlays_trampoline_lowered:
0x8: {  	[smem:$0x3FA5] =	sst s0  }
0x9: {  	[smem:$0x3FA6] =	sst s1  }
0xa: {  	[smem:$0x3FA7] =	sst s2  }
0xb: {  	[smem:$0x3FA8] =	sst s3  }
0xc: {  	[smem:$0x3FA9] =	sst s4  }
0xd: {  	[smem:$0x3FAA] =	sst s5  }
0xe: {  	[smem:$0x3FAB] =	sst s6  }
0xf: {  	[smem:$0x3FAC] =	sst s7  }
0x10: {  	[smem:$0x3FAD] =	sst s8  }
0x11: {  	[smem:$0x3FAE] =	sst s9;
	s0 =	simm.s32 @!p0 $0x0  }
0x12: {  	s1 =	sld [smem:$0x3F94];
	s0 =	simm.s32 @p0 $0x1  }
0x13: {  	[smem:$0x3FAF] =	sst s0;
	s0 =	simm.s32 @!p1 $0x0  }
0x14: {  	s2 =	sld [smem:$0x3F93];
	s0 =	simm.s32 @p1 $0x1  }
0x15: {  	[smem:$0x3FB0] =	sst s0;
	s0 =	simm.s32 @!p2 $0x0  }
0x16: {  	s3 =	sld [smem:$0x3FDB];
	s0 =	simm.s32 @p2 $0x1  }
0x17: {  	s4 =	simm.s32 $0x1BF5;
	[smem:$0x3FB2] =	sst s0  }
0x18: {  	s0 =	sld [smem:$0x3F95];
	_ =	swait.ge [sflag:s4], $0x0  }
0x19: {  	s7 =	sld [smem:$0x3F96]  }
0x1a: {  	s8 =	sadd.s32 $0xFFFFE003, lr  }
0x1b: {  	s9 =	sadd.s32 $0xFFFFFEF7, lr;
	s5 =	simm.s32 $0xFFFFFFFF;
	p2 =	slt.u32 s8, $0xFFFFF086  }
0x1c: {  	p1 =	slt.u32 s9, $0xF7A;
	s5 =	simm.s32 @!p2 $0x0  }
0x1d: {  	s5 =	simm.s32 @p1 $0x1;
	p0 =	seq.s32 s7, s2  }
0x1e: {  	s7 =	smul.u32 @!p0 $0xF7A, s2;
	p2 =	seq.s32 @!p0 s5, $0x0  }
0x1f: {  	s9 =	smul.u32 $0xF7A, s1;
	s8 =	simm.s32 @!p0 $0x1BF5;
	p2 =	por !p2, p0  }
0x20: {  	[sflag:s8] =	ssyncset.s32 @!p0 $0xFFFFF086;
	s6 =	sadd.s32 @!p0 s3, s7;
	s7 =	simm.s32 @!p0 $0x108  }
0x21: {  	s3 =	sadd.s32 s3, s9;
	s6 =	sadd.s32 @!p0 $0x88, s6;
	s7 =	simm.s32 @p2 $0x1082  }
0x22: {  	[simem:s7], [sflag:s8] =	dma.local @!p0 [hbm:s6], $0xF7A  }
0x23: {  	s9 =	sor.u32 $0xD0000000, s2;
	s6 =	simm.s32 $0x108;
	_ =	swait.ge @!p0 [sflag:s8], $0x0  }
0x24: {  	s3 =	sadd.s32 $0x88, s3;
	s6 =	simm.s32 @!p1 $0x1082;
	[sflag:s4] =	ssyncset.s32 $0xFFFFF086  }
0x25: {  	[simem:s6], [sflag:s4] =	dma.local [hbm:s3], $0xF7A  }
0x26: {  	[smem:$0x3F96] =	sst s1;
	(tag) =	ssettag s2;
	_ =	strace s9  }
0x27: {  	s1 =	sld [smem:$0x3FA6]  }
0x28: {  	s2 =	sld [smem:$0x3FA7]  }
0x29: {  	s4 =	sld [smem:$0x3FA9]  }
0x2a: {  	p0 =	seq.s32 s5, $0x0;
	s5 =	sld [smem:$0x3FAA]  }
0x2b: {  	s6 =	sld [smem:$0x3FAB]  }
0x2c: {  	s7 =	sld [smem:$0x3FAC]  }
0x2d: {  	s3 =	simm.s32 $0x108;
	s8 =	sld [smem:$0x3FAD]  }
0x2e: {  	s3 =	simm.s32 @!p0 $0x1082;
	s9 =	sld [smem:$0x3FAE]  }
0x2f: {  	lr =	sadd.s32 s0, s3;
	s0 =	sld [smem:$0x3FA5]  }
0x30: {  	s3 =	sld [smem:$0x3FA8]  }
0x31: {  	[smem:$0x3FB1] =	sst s10  }
0x32: {  	s10 =	sld [smem:$0x3FAF];
	_ =	sdelay $0x3  }
0x33: {  	p0 =	seq.s32 s10, $0x1;
	s10 =	sld [smem:$0x3FB1];
	_ =	sdelay $0x3  }
0x34: {  	[smem:$0x3FB1] =	sst s10  }
0x35: {  	s10 =	sld [smem:$0x3FB0];
	_ =	sdelay $0x3  }
0x36: {  	p1 =	seq.s32 s10, $0x1;
	s10 =	sld [smem:$0x3FB1];
	_ =	sdelay $0x3  }
0x37: {  	[smem:$0x3FB1] =	sst s10  }
0x38: {  	s10 =	sld [smem:$0x3FB2]  }
0x39: {  	_ = 	snop;
	(pc) =	sbr.ind lr, $3  }
0x3a: {  	_ = 	snop  }
0x3b: {  	_ = 	snop  }
0x3c: {  	p2 =	seq.s32 s10, $0x1;
	s10 =	sld [smem:$0x3FB1]  }
0x3d: {  	_ =	shalt  }
0x3e: {  	_ =	shalt  }
0x3f: {  	_ =	shalt  }
0x40: {  	_ =	shalt  }
0x41: {  	_ =	shalt  }
0x42: {  	_ =	shalt  }
0x43: {  	_ =	shalt  }
0x44: {  	_ =	shalt  }
0x45: {  	_ =	shalt  }
0x46: {  	_ =	shalt  }
0x47: {  	_ =	shalt  }
0x48: {  	_ =	shalt  }
0x49: {  	_ =	shalt  }
0x4a: {  	_ =	shalt  }
0x4b: {  	_ =	shalt  }
0x4c: {  	_ =	shalt  }
0x4d: {  	_ =	shalt  }
0x4e: {  	_ =	shalt  }
0x4f: {  	_ =	shalt  }
0x50: {  	_ =	shalt  }
0x51: {  	_ =	shalt  }
0x52: {  	_ =	shalt  }
0x53: {  	_ =	shalt  }
0x54: {  	_ =	shalt  }
0x55: {  	_ =	shalt  }
0x56: {  	_ =	shalt  }
0x57: {  	_ =	shalt  }
0x58: {  	_ =	shalt  }
0x59: {  	_ =	shalt  }
0x5a: {  	_ =	shalt  }
0x5b: {  	_ =	shalt  }
0x5c: {  	_ =	shalt  }
0x5d: {  	_ =	shalt  }
0x5e: {  	_ =	shalt  }
0x5f: {  	_ =	shalt  }
0x60: {  	_ =	shalt  }
0x61: {  	_ =	shalt  }
0x62: {  	_ =	shalt  }
0x63: {  	_ =	shalt  }
0x64: {  	_ =	shalt  }
0x65: {  	_ =	shalt  }
0x66: {  	_ =	shalt  }
0x67: {  	_ =	shalt  }
0x68: {  	_ =	shalt  }
0x69: {  	_ =	shalt  }
0x6a: {  	_ =	shalt  }
0x6b: {  	_ =	shalt  }
0x6c: {  	_ =	shalt  }
0x6d: {  	_ =	shalt  }
0x6e: {  	_ =	shalt  }
0x6f: {  	_ =	shalt  }
0x70: {  	_ =	shalt  }
0x71: {  	_ =	shalt  }
0x72: {  	_ =	shalt  }
0x73: {  	_ =	shalt  }
0x74: {  	_ =	shalt  }
0x75: {  	_ =	shalt  }
0x76: {  	_ =	shalt  }
0x77: {  	_ =	shalt  }
0x78: {  	_ =	shalt  }
0x79: {  	_ =	shalt  }
0x7a: {  	_ =	shalt  }
0x7b: {  	_ =	shalt  }
0x7c: {  	_ =	shalt  }
0x7d: {  	_ =	shalt  }
0x7e: {  	_ =	shalt  }
0x7f: {  	_ =	shalt  }
0x80: {  	_ =	shalt  }
0x81: {  	_ =	shalt  }
0x82: {  	_ =	shalt  }
0x83: {  	_ =	shalt  }
0x84: {  	_ =	shalt  }
0x85: {  	_ =	shalt  }
0x86: {  	_ =	shalt  }
0x87: {  	_ =	shalt  }
.Lfunc_end0:
.L_simem_size_0:
called_computation.2_lowered:
.L_overlay_start_0:
0x88: {  	s2 =	sld [smem:$0x3FD9]  }
0x89: {  	s3 =	sld [smem:$0x3FFE];
	_ =	sdelay $0x1  }
0x8a: {  	s1 =	srdreg.scid  }
0x8b: {  	s0 =	sand.u32 $0x1, s1  }
0x8c: {  	s14 =	sshll.u32 s0, $0xA;
	s2 =	sadd.s32 s3, s2  }
0x8d: {  	s2 =	sadd.s32 s2, s14  }
0x8e: {  	[smem:$0x3FBD] =	sst s2  }
0x8f: {  	_ = 	snop  }
0x90: {  	s2 =	sld [smem:$0x3FD0];
	_ =	sdelay $0x1  }
0x91: {  	s15 =	sld [smem:$0x3FC0]  }
0x92: {  	s5 =	simm.s32 $0xB;
	s6 =	simm.s32 $0x10;
	s4 =	sld [smem:$0x3FBF]  }
0x93: {  	[smem:s6], [sflag:s5] =	dma.local [hbm:s2], $0x1  }
0x94: {  	_ =	swait.eq [sflag:s5], $0x1  }
0x95: {  	s16 =	sld [smem:$0x10]  }
0x96: {  	s17 =	sld [smem:$0x11]  }
0x97: {  	s7 =	sld [smem:$0x12]  }
0x98: {  	s8 =	sld [smem:$0x13];
	[sflag:s5] =	ssyncset.done $0x0  }
0x99: {  	s9 =	sld [smem:$0x14];
	[sflag:s5] =	ssyncadd.s32 $0xFFFFFFFF  }
0x9a: {  	s18 =	sld [smem:$0x15];
	(tm) =	ssettm $0x1  }
0x9b: {  	s10 =	sld [smem:$0x3FFB];
	_ =	sdelay $0x3  }
0x9c: {  	_ =	strace s10  }
0x9d: {  	s10 =	sld [smem:$0x3FFC];
	_ =	sdelay $0x3  }
0x9e: {  	_ =	strace s10  }
0x9f: {  	s10 =	sld [smem:$0x3FFD];
	_ =	sdelay $0x3  }
0xa0: {  	_ =	strace s10  }
0xa1: {  	_ =	strace $0x8FFFFFFF  }
0xa2: {  	s19 =	sld [smem:$0x3FDB];
	_ =	sdelay $0x1  }
0xa3: {  	s11 =	simm.s32 $_scs_section_size  }
0xa4: {  	s12 =	simm.s32 $_size__tile_overlayer_lowered;
	s13 =	simm.s32 $_tile_overlayer_lowered  }
0xa5: {  	s22 =	simm.s32 $0x1BFF;
	s21 =	sshll.u32 s13, $0x1;
	s10 =	sadd.s32 s11, s19  }
0xa6: {  	s20 =	sshll.u32 s12, $0x1;
	s14 =	simm.s32 $0x0;
	s12 =	sadd.s32 s21, s10  }
0xa7: {  	[timem:s14], [sflag:s22] =	dma.local [hbm:s12], s20  }
0xa8: {  	_ =	swait.ge [sflag:s22], s20  }
0xa9: {  	s11 =	ssub.s32 $0x0, s20;
	[sflag:s22] =	ssyncset.done $0x0  }
0xaa: {  	[sflag:s22] =	ssyncadd.s32 s11;
	_ =	sdelay $0x1  }
0xab: {  	s23 =	simm.s32 $0x1B8B  }
0xac: {  	_ =	swait.ge [sflag:s23], $0x1  }
0xad: {  	[sflag:s23] =	ssyncset.done $0x0  }
0xae: {  	s25 =	simm.s32 $0x1B8E;
	s24 =	sld [smem:$0x3FFE];
	[sflag:s23] =	ssyncadd.s32 $0xFFFFFFFF  }
0xaf: {  	s26 =	simm.s32 $execute0_lowered;
	[smem:$0x3FD2] =	sst s25  }
0xb0: {  	s12 =	sshll.u32 s26, $0x1;
	_ =	strace $0x8000004C;
	[dreg:$0x1] =	wrdreg $0xFFFFFFFF  }
0xb1: {  	s28 =	simm.s32 $_size_execute0_lowered;
	s10 =	sadd.s32 s10, s12;
	[dreg:$0x0] =	wrdreg $0x0  }
0xb2: {  	s12 =	sshll.u32 s28, $0x1;
	[dreg:$0x2] =	wrdreg s10  }
0xb3: {  	[dreg:$0x3] =	wrdreg s12  }
0xb4: {  	[dreg:$0x4] =	wrdreg $0xC0  }
0xb5: {  	_ =	task [dreg:s14], $0x5FFFF  }
0xb6: {  	[dreg:$0x1] =	wrdreg $0xFFFFFFFF  }
0xb7: {  	[dreg:$0x0] =	wrdreg $0x60  }
0xb8: {  	[dreg:$0x2] =	wrdreg s9  }
0xb9: {  	[dreg:$0x3] =	wrdreg s18  }
0xba: {  	[dreg:$0x4] =	wrdreg s24  }
0xbb: {  	[dreg:$0x5] =	wrdreg s15  }
0xbc: {  	[dreg:$0x6] =	wrdreg s4  }
0xbd: {  	[dreg:$0x7] =	wrdreg s16  }
0xbe: {  	[dreg:$0x8] =	wrdreg s17  }
0xbf: {  	[dreg:$0x9] =	wrdreg s7  }
0xc0: {  	[dreg:$0xa] =	wrdreg s8  }
0xc1: {  	[dreg:$0xb] =	wrdreg $0x9  }
0xc2: {  	_ =	task.clear_ibuf [dreg:s14], $0xCFFFF;
	_ =	strace $0x9000004C  }
0xc3: {  	s29 =	simm.s32 $0x9;
	_ =	strace $0x8000004E  }
0xc4: {  	_ =	swait.ge [sflag:s29], $0x1  }
0xc5: {  	[sflag:s29] =	ssyncadd.s32 $0xFFFFFFFF  }
0xc6: {  	_ =	strace $0x9000004E  }
0xc7: {  	_ =	sfence  }
0xc8: {  	s30 =	sld [smem:$0x0];
	_ =	sdelay $0x2  }
0xc9: {  	s31 =	sshll.u32 s1, $0xD;
	s1 =	sshrl.u32 s1, $0x2  }
0xca: {  	s3 =	sand.u32 $0x4000, s31;
	s1 =	sadd.s32 s1, s30  }
0xcb: {  	s0 =	sor.u32 s3, s0;
	s1 =	sshll.u32 s1, $0x11  }
0xcc: {  	s0 =	sor.u32 s1, s0  }
0xcd: {  	s0 =	sadd.s32 $0x8F2B, s0  }
0xce: {  	[sflag:s0] =	ssyncadd.remote.s32 $0x1  }
0xcf: {  	_ =	sfence.sel $0xFFFF  }
0xd0: {  	[dreg:$0x0] =	wrdreg $0xFFFFFFFF;
	(pc) =	sbr.abs _section_cstart, $3  }
0xd1: {  	[dreg:$0x1] =	wrdreg $0xFFFFFFFF  }
0xd2: {  	_ =	task.clear_ibuf [dreg:s14], $0x2FFFF;
	_ =	strace $0x9FFFFFFF  }
0xd3: {  	(tm) =	ssettm $0x7FFFFFFF  }
tec
execute0_lowered:
.L_overlay_start_1:
0x0: {  	(tag) =	ssettag $0x1  }
0x1: {  	s0 =	rddreg [dreg:$0x0]  }
0x2: {  	s1 =	rddreg [dreg:$0x1]  }
0x3: {  	s14 =	rddreg [dreg:$0x2]  }
0x4: {  	s5 =	rddreg [dreg:$0x3]  }
0x5: {  	s11 =	rddreg [dreg:$0x4]  }
0x6: {  	s9 =	rddreg [dreg:$0x5]  }
0x7: {  	s10 =	rddreg [dreg:$0x6];
	s3 =	srdreg.scid  }
0x8: {  	s13 =	rddreg [dreg:$0x7];
	s2 =	stileid.u32;
	s15 =	sand.u32 $0x1, s3  }
0x9: {  	s16 =	rddreg [dreg:$0x8];
	s6 =	sshll.u32 s2, $0x8;
	s7 =	sshll.u32 s15, $0x7  }
0xa: {  	s4 =	simm.s32 $0x0;
	s3 =	rddreg [dreg:$0x9];
	s12 =	sor.u32 s7, s6  }
0xb: {  	[smem:$0x7FF] =	sst s4;
	s17 =	sshrl.u32 s12, $0x3  }
0xc: {  	_ =	strace $0x8000004D;
	s6 =	sadd.s32 s5, s17;
	s5 =	simm.s32 $0x2  }
0xd: {  	[tilespmem:s4], [sflag:$0x2] =	stream.linear.gather [hbm4b:s6+s4], $0x80, $0x38;
	[tilespmem:$0x4080] =	vst v63  }
0xe: {  	_ =	swait.ge [sflag:s5], $0x80  }
0xf: {  	[sflag:s5] =	ssyncset.done $0x0  }
0x10: {  	s8 =	simm.s32 $0x1;
	s7 =	simm.s32 $0x80;
	[sflag:s5] =	ssyncadd.s32 $0xFFFFFF80  }
0x11: {  	[tilespmem:s7], [sflag:$0x1] =	stream.indirect.gather [hbm4b:s0+s7], $0x80, s4, s7, $0xb8;
	[tilespmem:$0x4080] =	vst v63  }
0x12: {  	_ =	swait.ge [sflag:s8], $0x4000  }
0x13: {  	s18 =	sshll.u32 s12, $0x4;
	[sflag:s8] =	ssyncset.done $0x0  }
0x14: {  	s9 =	sadd.s32 s9, s18;
	[sflag:s8] =	ssyncadd.s32 $0xFFFFC000  }
0x15: {  	[hbm4b:s9+s4] =	stream.linear.scatter [tilespmem:s7], [sflag:$0x2], $0x4000, $0x38;
	[tilespmem:$0x4080] =	vst v63  }
0x16: {  	_ =	swait.ge [sflag:s5], $0x4000  }
0x17: {  	[sflag:s5] =	ssyncset.done $0x0  }
0x18: {  	[sflag:s5] =	ssyncadd.s32 $0xFFFFC000  }
0x19: {  	[tilespmem:s7], [sflag:$0x1] =	stream.indirect.gather [hbm4b:s1+s7], $0x80, s4, s7, $0xb8;
	[tilespmem:$0x4080] =	vst v63  }
0x1a: {  	_ =	swait.ge [sflag:s8], $0x4000  }
0x1b: {  	[sflag:s8] =	ssyncset.done $0x0  }
0x1c: {  	s10 =	sadd.s32 s10, s18;
	[sflag:s8] =	ssyncadd.s32 $0xFFFFC000  }
0x1d: {  	[hbm4b:s10+s4] =	stream.linear.scatter [tilespmem:s7], [sflag:$0x2], $0x4000, $0x38;
	[tilespmem:$0x4080] =	vst v63  }
0x1e: {  	_ =	swait.ge [sflag:s5], $0x4000  }
0x1f: {  	[sflag:s5] =	ssyncset.done $0x0  }
0x20: {  	s11 =	sadd.s32 s11, s17;
	[sflag:s5] =	ssyncadd.s32 $0xFFFFC000  }
0x21: {  	[tilespmem:s4], [sflag:$0x2] =	stream.linear.gather [hbm4b:s11+s4], $0x80, $0x38;
	[tilespmem:$0x4080] =	vst v63  }
0x22: {  	_ =	swait.ge [sflag:s5], $0x80  }
0x23: {  	[sflag:s5] =	ssyncset.done $0x0  }
0x24: {  	s12 =	sadd.s32 $0x3400, s14;
	[sflag:s5] =	ssyncadd.s32 $0xFFFFFF80  }
0x25: {  	[tilespmem:s7], [sflag:$0x1] =	stream.indirect.gather [hbm4b:s12+s7], $0x80, s4, s7, $0xb8;
	[tilespmem:$0x4080] =	vst v63  }
0x26: {  	_ =	swait.ge [sflag:s8], $0x4000  }
0x27: {  	[sflag:s8] =	ssyncset.done $0x0  }
0x28: {  	s15 =	ssub.s32 $0x2, s15;
	s13 =	sadd.s32 s13, s18;
	[sflag:s8] =	ssyncadd.s32 $0xFFFFC000  }
0x29: {  	[hbm4b:s13+s4] =	stream.linear.scatter [tilespmem:s7], [sflag:$0x2], $0x4000, $0x38;
	[tilespmem:$0x4080] =	vst v63  }
0x2a: {  	s30 =	sshrl.u32 s15, $0x1;
	_ =	swait.ge [sflag:s5], $0x4000  }
0x2b: {  	s17 =	ssub.s32 s15, s30;
	[sflag:s5] =	ssyncset.done $0x0  }
0x2c: {  	s14 =	sadd.s32 $0x4E00, s14;
	s31 =	smax.u32 s17, $0x1;
	[sflag:s5] =	ssyncadd.s32 $0xFFFFC000  }
0x2d: {  	[tilespmem:s7], [sflag:$0x1] =	stream.indirect.gather [hbm4b:s14+s7], $0x80, s4, s7, $0xb8;
	[tilespmem:$0x4080] =	vst v63  }
0x2e: {  	p0 =	sne.s32 s31, $0x1;
	_ =	swait.ge [sflag:s8], $0x4000  }
.Ltmp0:
0x2f: {  	[sflag:s8] =	ssyncset.done $0x0;
	(pc) =	sbr.rel @!p0 .LBB2_2-.Ltmp0, $4  }
0x30: {  	s15 =	sadd.s32 s16, s18;
	[sflag:s8] =	ssyncadd.s32 $0xFFFFC000  }
0x31: {  	[hbm4b:s15+s4] =	stream.linear.scatter [tilespmem:s7], [sflag:$0x2], $0x4000, $0x38;
	[tilespmem:$0x4080] =	vst v63  }
0x32: {  	_ =	swait.ge [sflag:s5], $0x4000  }
0x33: {  	s16 =	sadd.s32 $0xFFFFFFFF, s31;
	[sflag:s5] =	ssyncset.done $0x0  }
.LBB2_1:
0x34: {  	p0 =	sne.s32 s16, $0x1;
	s16 =	sadd.s32 $0xFFFFFFFF, s16;
	[sflag:s5] =	ssyncadd.s32 $0xFFFFC000  }
0x35: {  	[tilespmem:s4], [sflag:$0x2] =	stream.linear.gather [hbm4b:s6+s4], $0x80, $0x38;
	[tilespmem:$0x4080] =	vst v63  }
0x36: {  	_ =	swait.ge [sflag:s5], $0x80  }
0x37: {  	[sflag:s5] =	ssyncset.done $0x0  }
0x38: {  	[sflag:s5] =	ssyncadd.s32 $0xFFFFFF80  }
0x39: {  	[tilespmem:s7], [sflag:$0x1] =	stream.indirect.gather [hbm4b:s0+s7], $0x80, s4, s7, $0xb8;
	[tilespmem:$0x4080] =	vst v63  }
0x3a: {  	_ =	swait.ge [sflag:s8], $0x4000  }
0x3b: {  	[sflag:s8] =	ssyncset.done $0x0  }
0x3c: {  	[sflag:s8] =	ssyncadd.s32 $0xFFFFC000  }
0x3d: {  	[hbm4b:s9+s4] =	stream.linear.scatter [tilespmem:s7], [sflag:$0x2], $0x4000, $0x38;
	[tilespmem:$0x4080] =	vst v63  }
0x3e: {  	_ =	swait.ge [sflag:s5], $0x4000  }
0x3f: {  	[sflag:s5] =	ssyncset.done $0x0  }
0x40: {  	[sflag:s5] =	ssyncadd.s32 $0xFFFFC000  }
0x41: {  	[tilespmem:s7], [sflag:$0x1] =	stream.indirect.gather [hbm4b:s1+s7], $0x80, s4, s7, $0xb8;
	[tilespmem:$0x4080] =	vst v63  }
0x42: {  	_ =	swait.ge [sflag:s8], $0x4000  }
0x43: {  	[sflag:s8] =	ssyncset.done $0x0  }
0x44: {  	[sflag:s8] =	ssyncadd.s32 $0xFFFFC000  }
0x45: {  	[hbm4b:s10+s4] =	stream.linear.scatter [tilespmem:s7], [sflag:$0x2], $0x4000, $0x38;
	[tilespmem:$0x4080] =	vst v63  }
0x46: {  	_ =	swait.ge [sflag:s5], $0x4000  }
0x47: {  	[sflag:s5] =	ssyncset.done $0x0  }
0x48: {  	[sflag:s5] =	ssyncadd.s32 $0xFFFFC000  }
0x49: {  	[tilespmem:s4], [sflag:$0x2] =	stream.linear.gather [hbm4b:s11+s4], $0x80, $0x38;
	[tilespmem:$0x4080] =	vst v63  }
0x4a: {  	_ =	swait.ge [sflag:s5], $0x80  }
0x4b: {  	[sflag:s5] =	ssyncset.done $0x0  }
0x4c: {  	[sflag:s5] =	ssyncadd.s32 $0xFFFFFF80  }
0x4d: {  	[tilespmem:s7], [sflag:$0x1] =	stream.indirect.gather [hbm4b:s12+s7], $0x80, s4, s7, $0xb8;
	[tilespmem:$0x4080] =	vst v63  }
0x4e: {  	_ =	swait.ge [sflag:s8], $0x4000  }
0x4f: {  	[sflag:s8] =	ssyncset.done $0x0  }
0x50: {  	[sflag:s8] =	ssyncadd.s32 $0xFFFFC000  }
0x51: {  	[hbm4b:s13+s4] =	stream.linear.scatter [tilespmem:s7], [sflag:$0x2], $0x4000, $0x38;
	[tilespmem:$0x4080] =	vst v63  }
0x52: {  	_ =	swait.ge [sflag:s5], $0x4000  }
0x53: {  	[sflag:s5] =	ssyncset.done $0x0  }
0x54: {  	[sflag:s5] =	ssyncadd.s32 $0xFFFFC000  }
0x55: {  	[tilespmem:s7], [sflag:$0x1] =	stream.indirect.gather [hbm4b:s14+s7], $0x80, s4, s7, $0xb8;
	[tilespmem:$0x4080] =	vst v63  }
0x56: {  	_ =	swait.ge [sflag:s8], $0x4000  }
.Ltmp1:
0x57: {  	[sflag:s8] =	ssyncset.done $0x0;
	(pc) =	sbr.rel @p0 .LBB2_1-.Ltmp1, $4  }
0x58: {  	[sflag:s8] =	ssyncadd.s32 $0xFFFFC000  }
0x59: {  	[hbm4b:s15+s4] =	stream.linear.scatter [tilespmem:s7], [sflag:$0x2], $0x4000, $0x38;
	[tilespmem:$0x4080] =	vst v63  }
0x5a: {  	_ =	swait.ge [sflag:s5], $0x4000  }
0x5b: {  	[sflag:s5] =	ssyncset.done $0x0  }
.LBB2_2:
0x5c: {  	[sflag:s5] =	ssyncadd.s32 $0xFFFFC000  }
0x5d: {  	_ =	sfence.sel $0x180000  }
0x5e: {  	[bflag:$0x0] =	sbarrier.arrive $0xFFFF  }
0x5f: {  	p0 =	sne.s32 s2, $0x0;
	_ =	strace $0x9000004D  }
0x60: {  	s0 =	sadd.s32 @!p0 $0x100000, s3;
	[bflag:$0x2] =	sbarrier.arrive $0xFFFF  }
0x61: {  	[sflag:s0] =	ssyncadd.tile.s32 @!p0 $0x1;
	_ =	shalt  }
.Lfunc_end2:
_tile_overlayer_lowered:
.L_overlay_start_2:
0x62: {  	(tag) =	ssettag $0x2  }
0x63: {  	s0 =	rddreg [dreg:$0x0];
	s2 =	stileid.u32  }
0x64: {  	s1 =	rddreg [dreg:$0x1];
	p0 =	sne.s32 s2, $0x0  }
0x65: {  	s3 =	rddreg [dreg:$0x2];
	[bflag:$0x3] =	sbarrier.arrive $0xFFFF;
	s2 =	simm.s32 @!p0 $0x1C02  }
0x66: {  	[timem:s3], [sflag:s2] =	dma.local @!p0 [hbm:s0], s1  }
0x67: {  	s0 =	simm.s32 @!p0 $0x2  }
0x68: {  	_ =	swait.ge @!p0 [sflag:s0], s1  }
0x69: {  	s1 =	ssub.s32 @!p0 $0x0, s1;
	[sflag:s0] =	ssyncset.done @!p0 $0x0  }
0x6a: {  	[sflag:s0] =	ssyncadd.s32 @!p0 s1  }
0x6b: {  	[bflag:$0x3] =	sbarrier.arrive $0xFFFF  }
0x6c: {  	_ =	shalt  }

// kernel: kernel.7.cloned.1.call-start
scs
__scs_entry_jumppad:
0x0: {  	(pc) =	sbr.rel $0x88, $3  }
0x1: {  	(tag) =	ssettag $0x0;
	lr =	simm.s32 $0x1  }
0x2: {  	[smem:$0x3F96] =	sst lr;
	_ =	strace $0xD0000000  }
0x3: {  	_ = 	snop  }
0x4: {  	_ = 	snop  }
0x5: {  	_ = 	snop  }
0x6: {  	_ = 	snop  }
0x7: {  	_ = 	snop  }
__scs_overlays_trampoline_lowered:
0x8: {  	[smem:$0x3FA5] =	sst s0  }
0x9: {  	[smem:$0x3FA6] =	sst s1  }
0xa: {  	[smem:$0x3FA7] =	sst s2  }
0xb: {  	[smem:$0x3FA8] =	sst s3  }
0xc: {  	[smem:$0x3FA9] =	sst s4  }
0xd: {  	[smem:$0x3FAA] =	sst s5  }
0xe: {  	[smem:$0x3FAB] =	sst s6  }
0xf: {  	[smem:$0x3FAC] =	sst s7  }
0x10: {  	[smem:$0x3FAD] =	sst s8  }
0x11: {  	[smem:$0x3FAE] =	sst s9;
	s0 =	simm.s32 @!p0 $0x0  }
0x12: {  	s1 =	sld [smem:$0x3F94];
	s0 =	simm.s32 @p0 $0x1  }
0x13: {  	[smem:$0x3FAF] =	sst s0;
	s0 =	simm.s32 @!p1 $0x0  }
0x14: {  	s2 =	sld [smem:$0x3F93];
	s0 =	simm.s32 @p1 $0x1  }
0x15: {  	[smem:$0x3FB0] =	sst s0;
	s0 =	simm.s32 @!p2 $0x0  }
0x16: {  	s3 =	sld [smem:$0x3FDB];
	s0 =	simm.s32 @p2 $0x1  }
0x17: {  	s4 =	simm.s32 $0x1BF5;
	[smem:$0x3FB2] =	sst s0  }
0x18: {  	s0 =	sld [smem:$0x3F95];
	_ =	swait.ge [sflag:s4], $0x0  }
0x19: {  	s7 =	sld [smem:$0x3F96]  }
0x1a: {  	s8 =	sadd.s32 $0xFFFFE003, lr  }
0x1b: {  	s9 =	sadd.s32 $0xFFFFFEF7, lr;
	s5 =	simm.s32 $0xFFFFFFFF;
	p2 =	slt.u32 s8, $0xFFFFF086  }
0x1c: {  	p1 =	slt.u32 s9, $0xF7A;
	s5 =	simm.s32 @!p2 $0x0  }
0x1d: {  	s5 =	simm.s32 @p1 $0x1;
	p0 =	seq.s32 s7, s2  }
0x1e: {  	s7 =	smul.u32 @!p0 $0xF7A, s2;
	p2 =	seq.s32 @!p0 s5, $0x0  }
0x1f: {  	s9 =	smul.u32 $0xF7A, s1;
	s8 =	simm.s32 @!p0 $0x1BF5;
	p2 =	por !p2, p0  }
0x20: {  	[sflag:s8] =	ssyncset.s32 @!p0 $0xFFFFF086;
	s6 =	sadd.s32 @!p0 s3, s7;
	s7 =	simm.s32 @!p0 $0x108  }
0x21: {  	s3 =	sadd.s32 s3, s9;
	s6 =	sadd.s32 @!p0 $0x88, s6;
	s7 =	simm.s32 @p2 $0x1082  }
0x22: {  	[simem:s7], [sflag:s8] =	dma.local @!p0 [hbm:s6], $0xF7A  }
0x23: {  	s9 =	sor.u32 $0xD0000000, s2;
	s6 =	simm.s32 $0x108;
	_ =	swait.ge @!p0 [sflag:s8], $0x0  }
0x24: {  	s3 =	sadd.s32 $0x88, s3;
	s6 =	simm.s32 @!p1 $0x1082;
	[sflag:s4] =	ssyncset.s32 $0xFFFFF086  }
0x25: {  	[simem:s6], [sflag:s4] =	dma.local [hbm:s3], $0xF7A  }
0x26: {  	[smem:$0x3F96] =	sst s1;
	(tag) =	ssettag s2;
	_ =	strace s9  }
0x27: {  	s1 =	sld [smem:$0x3FA6]  }
0x28: {  	s2 =	sld [smem:$0x3FA7]  }
0x29: {  	s4 =	sld [smem:$0x3FA9]  }
0x2a: {  	p0 =	seq.s32 s5, $0x0;
	s5 =	sld [smem:$0x3FAA]  }
0x2b: {  	s6 =	sld [smem:$0x3FAB]  }
0x2c: {  	s7 =	sld [smem:$0x3FAC]  }
0x2d: {  	s3 =	simm.s32 $0x108;
	s8 =	sld [smem:$0x3FAD]  }
0x2e: {  	s3 =	simm.s32 @!p0 $0x1082;
	s9 =	sld [smem:$0x3FAE]  }
0x2f: {  	lr =	sadd.s32 s0, s3;
	s0 =	sld [smem:$0x3FA5]  }
0x30: {  	s3 =	sld [smem:$0x3FA8]  }
0x31: {  	[smem:$0x3FB1] =	sst s10  }
0x32: {  	s10 =	sld [smem:$0x3FAF];
	_ =	sdelay $0x3  }
0x33: {  	p0 =	seq.s32 s10, $0x1;
	s10 =	sld [smem:$0x3FB1];
	_ =	sdelay $0x3  }
0x34: {  	[smem:$0x3FB1] =	sst s10  }
0x35: {  	s10 =	sld [smem:$0x3FB0];
	_ =	sdelay $0x3  }
0x36: {  	p1 =	seq.s32 s10, $0x1;
	s10 =	sld [smem:$0x3FB1];
	_ =	sdelay $0x3  }
0x37: {  	[smem:$0x3FB1] =	sst s10  }
0x38: {  	s10 =	sld [smem:$0x3FB2]  }
0x39: {  	_ = 	snop;
	(pc) =	sbr.ind lr, $3  }
0x3a: {  	_ = 	snop  }
0x3b: {  	_ = 	snop  }
0x3c: {  	p2 =	seq.s32 s10, $0x1;
	s10 =	sld [smem:$0x3FB1]  }
0x3d: {  	_ =	shalt  }
0x3e: {  	_ =	shalt  }
0x3f: {  	_ =	shalt  }
0x40: {  	_ =	shalt  }
0x41: {  	_ =	shalt  }
0x42: {  	_ =	shalt  }
0x43: {  	_ =	shalt  }
0x44: {  	_ =	shalt  }
0x45: {  	_ =	shalt  }
0x46: {  	_ =	shalt  }
0x47: {  	_ =	shalt  }
0x48: {  	_ =	shalt  }
0x49: {  	_ =	shalt  }
0x4a: {  	_ =	shalt  }
0x4b: {  	_ =	shalt  }
0x4c: {  	_ =	shalt  }
0x4d: {  	_ =	shalt  }
0x4e: {  	_ =	shalt  }
0x4f: {  	_ =	shalt  }
0x50: {  	_ =	shalt  }
0x51: {  	_ =	shalt  }
0x52: {  	_ =	shalt  }
0x53: {  	_ =	shalt  }
0x54: {  	_ =	shalt  }
0x55: {  	_ =	shalt  }
0x56: {  	_ =	shalt  }
0x57: {  	_ =	shalt  }
0x58: {  	_ =	shalt  }
0x59: {  	_ =	shalt  }
0x5a: {  	_ =	shalt  }
0x5b: {  	_ =	shalt  }
0x5c: {  	_ =	shalt  }
0x5d: {  	_ =	shalt  }
0x5e: {  	_ =	shalt  }
0x5f: {  	_ =	shalt  }
0x60: {  	_ =	shalt  }
0x61: {  	_ =	shalt  }
0x62: {  	_ =	shalt  }
0x63: {  	_ =	shalt  }
0x64: {  	_ =	shalt  }
0x65: {  	_ =	shalt  }
0x66: {  	_ =	shalt  }
0x67: {  	_ =	shalt  }
0x68: {  	_ =	shalt  }
0x69: {  	_ =	shalt  }
0x6a: {  	_ =	shalt  }
0x6b: {  	_ =	shalt  }
0x6c: {  	_ =	shalt  }
0x6d: {  	_ =	shalt  }
0x6e: {  	_ =	shalt  }
0x6f: {  	_ =	shalt  }
0x70: {  	_ =	shalt  }
0x71: {  	_ =	shalt  }
0x72: {  	_ =	shalt  }
0x73: {  	_ =	shalt  }
0x74: {  	_ =	shalt  }
0x75: {  	_ =	shalt  }
0x76: {  	_ =	shalt  }
0x77: {  	_ =	shalt  }
0x78: {  	_ =	shalt  }
0x79: {  	_ =	shalt  }
0x7a: {  	_ =	shalt  }
0x7b: {  	_ =	shalt  }
0x7c: {  	_ =	shalt  }
0x7d: {  	_ =	shalt  }
0x7e: {  	_ =	shalt  }
0x7f: {  	_ =	shalt  }
0x80: {  	_ =	shalt  }
0x81: {  	_ =	shalt  }
0x82: {  	_ =	shalt  }
0x83: {  	_ =	shalt  }
0x84: {  	_ =	shalt  }
0x85: {  	_ =	shalt  }
0x86: {  	_ =	shalt  }
0x87: {  	_ =	shalt  }
.Lfunc_end0:
.L_simem_size_0:
called_computation_lowered:
.L_overlay_start_0:
0x88: {  	s2 =	sld [smem:$0x3FD9]  }
0x89: {  	s3 =	sld [smem:$0x3FFE];
	_ =	sdelay $0x1  }
0x8a: {  	s1 =	srdreg.scid  }
0x8b: {  	s0 =	sand.u32 $0x1, s1  }
0x8c: {  	s15 =	sshll.u32 s0, $0xA;
	s2 =	sadd.s32 s3, s2  }
0x8d: {  	s2 =	sadd.s32 s2, s15  }
0x8e: {  	[smem:$0x3FBD] =	sst s2  }
0x8f: {  	_ = 	snop  }
0x90: {  	s2 =	sld [smem:$0x3FD0];
	_ =	sdelay $0x2  }
0x91: {  	s16 =	simm.s32 $0xB;
	s4 =	simm.s32 $0x10  }
0x92: {  	[smem:s4], [sflag:s16] =	dma.local [hbm:s2], $0x1  }
0x93: {  	_ =	swait.eq [sflag:s16], $0x1  }
0x94: {  	[sflag:s16] =	ssyncset.done $0x0  }
0x95: {  	s17 =	sld [smem:$0x12];
	[sflag:s16] =	ssyncadd.s32 $0xFFFFFFFF  }
0x96: {  	s18 =	sld [smem:$0x13];
	(tm) =	ssettm $0x1  }
0x97: {  	s19 =	sld [smem:$0x3FFB];
	_ =	sdelay $0x3  }
0x98: {  	_ =	strace s19  }
0x99: {  	s4 =	sld [smem:$0x3FFC];
	_ =	sdelay $0x3  }
0x9a: {  	_ =	strace s4  }
0x9b: {  	s4 =	sld [smem:$0x3FFD];
	_ =	sdelay $0x3  }
0x9c: {  	_ =	strace s4  }
0x9d: {  	_ =	strace $0x8FFFFFFF  }
0x9e: {  	s20 =	sld [smem:$0x3FDB];
	_ =	sdelay $0x1  }
0x9f: {  	s5 =	simm.s32 $_scs_section_size  }
0xa0: {  	s6 =	simm.s32 $_size__tile_overlayer_lowered;
	s7 =	simm.s32 $_tile_overlayer_lowered  }
0xa1: {  	s23 =	simm.s32 $0x1BFF;
	s22 =	sshll.u32 s7, $0x1;
	s4 =	sadd.s32 s5, s20  }
0xa2: {  	s8 =	simm.s32 $0x0;
	s21 =	sshll.u32 s6, $0x1;
	s6 =	sadd.s32 s22, s4  }
0xa3: {  	[timem:s8], [sflag:s23] =	dma.local [hbm:s6], s21  }
0xa4: {  	_ =	swait.ge [sflag:s23], s21  }
0xa5: {  	s5 =	ssub.s32 $0x0, s21;
	[sflag:s23] =	ssyncset.done $0x0  }
0xa6: {  	[sflag:s23] =	ssyncadd.s32 s5;
	_ =	sdelay $0x1  }
0xa7: {  	s24 =	simm.s32 $0x1B8B  }
0xa8: {  	_ =	swait.ge [sflag:s24], $0x1  }
0xa9: {  	[sflag:s24] =	ssyncset.done $0x0  }
0xaa: {  	s25 =	simm.s32 $0x1B8E;
	[sflag:s24] =	ssyncadd.s32 $0xFFFFFFFF  }
0xab: {  	s26 =	simm.s32 $execute0_lowered;
	[smem:$0x3FD2] =	sst s25  }
0xac: {  	s5 =	sshll.u32 s26, $0x1;
	_ =	strace $0x80000046;
	[dreg:$0x1] =	wrdreg $0xFFFFFFFF  }
0xad: {  	s28 =	simm.s32 $_size_execute0_lowered;
	s4 =	sadd.s32 s4, s5;
	[dreg:$0x0] =	wrdreg $0x0  }
0xae: {  	s5 =	sshll.u32 s28, $0x1;
	[dreg:$0x2] =	wrdreg s4  }
0xaf: {  	[dreg:$0x3] =	wrdreg s5  }
0xb0: {  	[dreg:$0x4] =	wrdreg $0xC0  }
0xb1: {  	_ =	task [dreg:s8], $0x5FFFF  }
0xb2: {  	[dreg:$0x1] =	wrdreg $0xFFFFFFFF  }
0xb3: {  	[dreg:$0x0] =	wrdreg $0x60  }
0xb4: {  	[dreg:$0x2] =	wrdreg s18  }
0xb5: {  	[dreg:$0x3] =	wrdreg s17  }
0xb6: {  	[dreg:$0x4] =	wrdreg $0xE000  }
0xb7: {  	[dreg:$0x5] =	wrdreg $0x9  }
0xb8: {  	_ =	task.clear_ibuf [dreg:s8], $0x6FFFF;
	_ =	strace $0x90000046  }
0xb9: {  	s29 =	simm.s32 $0x9;
	_ =	strace $0x80000048  }
0xba: {  	_ =	swait.ge [sflag:s29], $0x1  }
0xbb: {  	[sflag:s29] =	ssyncadd.s32 $0xFFFFFFFF  }
0xbc: {  	_ =	strace $0x90000048  }
0xbd: {  	_ =	sfence  }
0xbe: {  	s30 =	sld [smem:$0x0];
	_ =	sdelay $0x2  }
0xbf: {  	s31 =	sshll.u32 s1, $0xD;
	s1 =	sshrl.u32 s1, $0x2  }
0xc0: {  	s3 =	sand.u32 $0x4000, s31;
	s1 =	sadd.s32 s1, s30  }
0xc1: {  	s0 =	sor.u32 s3, s0;
	s1 =	sshll.u32 s1, $0x11  }
0xc2: {  	s0 =	sor.u32 s1, s0  }
0xc3: {  	s0 =	sadd.s32 $0x8F2B, s0  }
0xc4: {  	[sflag:s0] =	ssyncadd.remote.s32 $0x1  }
0xc5: {  	_ =	sfence.sel $0xFFFF  }
0xc6: {  	[dreg:$0x0] =	wrdreg $0xFFFFFFFF;
	(pc) =	sbr.abs _section_cstart, $3  }
0xc7: {  	[dreg:$0x1] =	wrdreg $0xFFFFFFFF  }
0xc8: {  	_ =	task.clear_ibuf [dreg:s8], $0x2FFFF;
	_ =	strace $0x9FFFFFFF  }
0xc9: {  	(tm) =	ssettm $0x7FFFFFFF  }
tec
execute0_lowered:
.L_overlay_start_1:
0x0: {  	(tag) =	ssettag $0x1  }
0x1: {  	s1 =	rddreg [dreg:$0x0]  }
0x2: {  	s12 =	rddreg [dreg:$0x1]  }
0x3: {  	s2 =	rddreg [dreg:$0x2]  }
0x4: {  	s4 =	srdreg.scid;
	s0 =	rddreg [dreg:$0x3];
	s3 =	simm.s32 $0x0  }
0x5: {  	s11 =	simm.s32 $0x4F;
	s17 =	simm.s32 $0x1;
	s18 =	simm.s32 $0x100  }
0x6: {  	s19 =	simm.s32 $0x2;
	s10 =	sand.u32 $0x1, s4;
	[smem:$0x7FF] =	sst s3  }
0x7: {  	s20 =	simm.s32 $0x0;
	s4 =	stileid.u32;
	s7 =	smul.u32 $0x27100, s10  }
0x8: {  	s5 =	ssub.s32 $0x2, s10;
	_ =	strace $0x80000047;
	s15 =	smul.u32 $0xA000, s4  }
0x9: {  	p0 =	slt.u32 s4, $0x2;
	s26 =	sshll.u32 s4, $0x7;
	s28 =	smul.u32 $0x4E20, s10  }
0xa: {  	s30 =	smul.u32 $0x500, s4;
	s6 =	sshrl.u32 s5, $0x1;
	s11 =	simm.s32 @!p0 $0x4E  }
0xb: {  	p0 =	seq.s32 s4, $0xF;
	s13 =	ssub.s32 s5, s6;
	s5 =	simm.s32 $0x5  }
0xc: {  	s6 =	sadd.s32 s26, s7;
	s7 =	sadd.s32 $0xFFFFFFFF, s11;
	s16 =	sadd.s32 $0x1, s11  }
0xd: {  	s29 =	sshrl.u32 s15, $0x2;
	s31 =	sadd.s32 s28, s12;
	s15 =	simm.s32 $0x3  }
0xe: {  	s5 =	simm.s32 @!p0 $0x8;
	s8 =	sadd.s32 $0x800, s6;
	s9 =	sshrl.u32 s6, $0x3  }
0xf: {  	s10 =	smax.u32 s13, $0x1;
	s11 =	sadd.s32 s29, s2;
	s12 =	sand.u32 $0x5E, s16  }
0x10: {  	s13 =	sadd.s32 s30, s31;
	s16 =	simm.s32 $0x80;
	s14 =	sshrl.u32 s8, $0x3  }
0x11: {  	v0 =	vimm.f32 $1.000000000e+00;
	v1 =	vimm.f32 $0.0e+00;
	s8 =	sadd.s32 s1, s9;
	s9 =	sadd.s32 s1, s14;
	s14 =	simm.s32 $0x900  }
.LBB2_1:
0x12: {  	s21 =	simm.s32 $0x0  }
.LBB2_2:
0x13: {  	p0 =	sne.s32 s21, $0x1FC0  }
.Ltmp0:
0x14: {  	_ = 	snop;
	(pc) =	sbr.rel @p0 .LBB2_2-.Ltmp0, $3  }
0x15: {  	_ =	sdelay $0x1  }
0x16: {  	s22 =	sshra.s32 s21, $0x2  }
0x17: {  	s21 =	sadd.s32 $0x40, s21;
	[tilespmem:s22+$0x100] =	vst v0  }
0x18: {  	s21 =	simm.s32 $0x40;
	s22 =	simm.s32 $0x0  }
.LBB2_4:
0x19: {  	p0 =	sne.s32 s21, $0x13C0;
	[tilespmem:s22+$0x900] =	vst v1;
	s22 =	smov.u32 s21;
	s21 =	sadd.s32 $0x40, s21  }
.Ltmp1:
0x1a: {  	(pc) =	sbr.rel @p0 .LBB2_4-.Ltmp1, $2  }
0x1b: {  	_ =	sdelay $0x2  }
0x1c: {  	s22 =	sshra.s32 s22, $0x2  }
0x1d: {  	p0 =	sne.s32 s5, $0x1  }
.Ltmp2:
0x1e: {  	_ = 	snop;
	(pc) =	sbr.rel @!p0 .LBB2_7-.Ltmp2, $4  }
0x1f: {  	[tilespmem:s22+$0x900] =	vst v1  }
0x20: {  	[spmem:s11] =	stream.linear.scatter [tilespmem:s14], [sflag:$0x3], $0x500, $0x38;
	[tilespmem:$0x3510] =	vst v63  }
0x21: {  	_ =	swait.ge [sflag:s15], $0x500  }
0x22: {  	s21 =	sadd.s32 $0xFFFFFFFF, s5;
	s22 =	smov.u32 s11;
	[sflag:s15] =	ssyncset.done $0x0  }
.LBB2_6:
0x23: {  	p1 =	sne.s32 s21, $0x1;
	[sflag:s15] =	ssyncadd.s32 $0xFFFFFB00;
	s22 =	sadd.s32 $0x500, s22  }
.Ltmp3:
0x24: {  	s21 =	sadd.s32 $0xFFFFFFFF, s21;
	(pc) =	sbr.rel @p1 .LBB2_6-.Ltmp3, $4  }
0x25: {  	_ = 	snop  }
0x26: {  	[spmem:s22] =	stream.linear.scatter [tilespmem:s14], [sflag:$0x3], $0x500, $0x38;
	[tilespmem:$0x3510] =	vst v63  }
0x27: {  	_ =	swait.ge [sflag:s15], $0x500  }
0x28: {  	[sflag:s15] =	ssyncset.done $0x0  }
.LBB2_7:
0x29: {  	[sflag:s15] =	ssyncadd.s32 $0xFFFFFB00  }
0x2a: {  	s21 =	simm.s32 $0x0;
	[bflag:$0x0] =	sbarrier.arrive $0xFFFF  }
0x2b: {  	[tilespmem:s21], [sflag:$0x1] =	stream.linear.gather [hbm4b:s8+s21], $0x80, $0x38;
	[tilespmem:$0x3510] =	vst v63  }
0x2c: {  	p1 =	sgt.s32 s7, $0x2  }
0x2d: {  	[tilespmem:s16], [sflag:$0x2] =	stream.linear.gather [hbm4b:s9+s21], $0x80, $0x38;
	[tilespmem:$0x3510] =	vst v63  }
0x2e: {  	s22 =	smov.u32 s7;
	p2 =	sle.u32 s7, $0x0;
	s21 =	simm.s32 $0x2  }
0x2f: {  	p3 =	sne.s32 s12, $0x2;
	s22 =	smov.u32 @p1 s21;
	p1 =	sgt.s32 @!p2 s7, $0x3  }
.Ltmp4:
0x30: {  	s23 =	simm.s32 @!p2 $0x3;
	p1 =	por !p1, p2;
	(pc) =	sbr.rel @!p3 .LBB2_9-.Ltmp4, $4  }
0x31: {  	_ =	swait.ge [sflag:s17], $0x80;
	s23 =	smov.u32 @p1 s7;
	p1 =	por p2, p2  }
0x32: {  	s22 =	sshll.u32 s22, $0xB;
	[sflag:s17] =	ssyncset.done $0x0;
	s23 =	sshll.u32 @!p1 s23, $0xB  }
0x33: {  	s22 =	sadd.s32 s22, s6;
	[sflag:s17] =	ssyncadd.s32 $0xFFFFFF80;
	s23 =	sadd.s32 @!p1 s23, s6  }
0x34: {  	s24 =	sshrl.u32 s22, $0x3;
	s22 =	simm.s32 @!p1 $0x3;
	s23 =	sshrl.u32 @!p1 s23, $0x3  }
.LBB2_8:
0x35: {  	[spmem:s2] =	stream.indirect.scatter.add.f32 [tilespmem:s18], [sflag:$0x3], $0x10, s3, s16, $0xb8;
	[tilespmem:$0x3510] =	vst v63  }
0x36: {  	s25 =	smov.u32 s21;
	s21 =	sadd.s32 $0x2, s21  }
0x37: {  	s26 =	simm.s32 @!p1 $0x100;
	s28 =	simm.s32 @!p1 $0x2;
	_ =	swait.ge [sflag:s15], $0x800  }
0x38: {  	s29 =	smov.u32 s7;
	p2 =	slt.s32 s21, s7;
	[sflag:s15] =	ssyncset.done $0x0  }
0x39: {  	s24 =	sadd.s32 s1, s24;
	s29 =	smov.u32 @p2 s21;
	[sflag:s15] =	ssyncadd.s32 $0xFFFFF800  }
0x3a: {  	[tilespmem:s3], [sflag:$0x1] =	stream.linear.gather [hbm4b:s24+s3], $0x80, $0x38;
	[tilespmem:$0x3510] =	vst v63  }
0x3b: {  	p2 =	sne.s32 s12, s21;
	s24 =	sshll.u32 s29, $0xB;
	_ =	swait.ge @!p1 [sflag:s28], $0x80  }
0x3c: {  	s29 =	simm.s32 @!p1 $0x80;
	s24 =	sadd.s32 s24, s6;
	[sflag:s28] =	ssyncset.done @!p1 $0x0  }
0x3d: {  	p3 =	sge.u32 s25, s7;
	s24 =	sshrl.u32 s24, $0x3;
	[sflag:s28] =	ssyncadd.s32 @!p1 $0xFFFFFF80  }
0x3e: {  	[spmem:s2] =	stream.indirect.scatter.add.f32 @!p1 [tilespmem:s26], [sflag:$0x3], $0x10, s29, s29, $0xb8;
	[tilespmem:$0x3510] =	vst v63  }
0x3f: {  	s25 =	sadd.s32 @!p3 $0x3, s25;
	_ =	swait.ge @!p1 [sflag:s22], $0x800  }
0x40: {  	p4 =	slt.s32 @!p3 s25, s7;
	s26 =	simm.s32 @!p1 $0x0;
	[sflag:s22] =	ssyncset.done @!p1 $0x0  }
0x41: {  	p4 =	por !p4, p3;
	[sflag:s22] =	ssyncadd.s32 @!p1 $0xFFFFF800;
	s22 =	sadd.s32 @!p1 s1, s23  }
0x42: {  	[tilespmem:s29], [sflag:$0x2] =	stream.linear.gather @!p1 [hbm4b:s22+s26], $0x80, $0x38;
	[tilespmem:$0x3510] =	vst v63  }
.Ltmp5:
0x43: {  	_ = 	snop;
	(pc) =	sbr.rel @p2 .LBB2_8-.Ltmp5, $4  }
0x44: {  	s25 =	smov.u32 @p4 s7;
	p1 =	por p3, p3;
	_ =	swait.ge [sflag:s17], $0x80  }
0x45: {  	s22 =	sshll.u32 @!p1 s25, $0xB;
	[sflag:s17] =	ssyncset.done $0x0  }
0x46: {  	s23 =	sadd.s32 @!p1 s22, s6;
	[sflag:s17] =	ssyncadd.s32 $0xFFFFFF80  }
0x47: {  	s22 =	simm.s32 @!p1 $0x3;
	s23 =	sshrl.u32 @!p1 s23, $0x3  }
.LBB2_9:
0x48: {  	[spmem:s2] =	stream.indirect.scatter.add.f32 [tilespmem:s18], [sflag:$0x3], $0x10, s3, s16, $0xb8;
	[tilespmem:$0x3510] =	vst v63  }
0x49: {  	_ =	swait.ge [sflag:s15], $0x800  }
0x4a: {  	[sflag:s15] =	ssyncset.done $0x0  }
0x4b: {  	s21 =	simm.s32 @!p1 $0x2;
	s24 =	sadd.s32 s1, s24;
	[sflag:s15] =	ssyncadd.s32 $0xFFFFF800  }
0x4c: {  	[tilespmem:s3], [sflag:$0x1] =	stream.linear.gather [hbm4b:s24+s3], $0x80, $0x38;
	[tilespmem:$0x3510] =	vst v63  }
0x4d: {  	_ =	swait.ge @!p1 [sflag:s21], $0x80  }
0x4e: {  	[sflag:s21] =	ssyncset.done @!p1 $0x0  }
0x4f: {  	s25 =	simm.s32 @!p1 $0x80;
	s24 =	simm.s32 @!p1 $0x100;
	[sflag:s21] =	ssyncadd.s32 @!p1 $0xFFFFFF80  }
0x50: {  	[spmem:s2] =	stream.indirect.scatter.add.f32 @!p1 [tilespmem:s24], [sflag:$0x3], $0x10, s25, s25, $0xb8;
	[tilespmem:$0x3510] =	vst v63  }
0x51: {  	_ =	swait.ge @!p1 [sflag:s22], $0x800  }
0x52: {  	[sflag:s22] =	ssyncset.done @!p1 $0x0  }
0x53: {  	s21 =	simm.s32 @!p1 $0x0;
	[sflag:s22] =	ssyncadd.s32 @!p1 $0xFFFFF800;
	s22 =	sadd.s32 @!p1 s1, s23  }
0x54: {  	[tilespmem:s25], [sflag:$0x2] =	stream.linear.gather @!p1 [hbm4b:s22+s21], $0x80, $0x38;
	[tilespmem:$0x3510] =	vst v63  }
0x55: {  	_ =	swait.ge [sflag:s17], $0x80  }
0x56: {  	[sflag:s17] =	ssyncset.done $0x0  }
0x57: {  	[sflag:s17] =	ssyncadd.s32 $0xFFFFFF80  }
0x58: {  	_ =	swait.ge [sflag:s19], $0x80  }
0x59: {  	[sflag:s19] =	ssyncset.done $0x0  }
0x5a: {  	[sflag:s19] =	ssyncadd.s32 $0xFFFFFF80  }
0x5b: {  	[bflag:$0x0] =	sbarrier.arrive $0xFFFF  }
0x5c: {  	[tilespmem:s14], [sflag:$0x3] =	stream.linear.gather [spmem:s11], $0x500, $0x38;
	[tilespmem:$0x3510] =	vst v63  }
0x5d: {  	_ =	swait.ge [sflag:s15], $0x500  }
.Ltmp6:
0x5e: {  	[sflag:s15] =	ssyncset.done $0x0;
	(pc) =	sbr.rel @!p0 .LBB2_11-.Ltmp6, $4  }
0x5f: {  	[sflag:s15] =	ssyncadd.s32 $0xFFFFFB00  }
0x60: {  	[hbm4b:s13+s3] =	stream.linear.scatter [tilespmem:s14], [sflag:$0x3], $0x500, $0x38;
	[tilespmem:$0x3510] =	vst v63  }
0x61: {  	s23 =	smov.u32 s13;
	_ =	swait.ge [sflag:s15], $0x500  }
0x62: {  	s21 =	sadd.s32 $0xFFFFFFFF, s5;
	s22 =	smov.u32 s11;
	[sflag:s15] =	ssyncset.done $0x0  }
.LBB2_10:
0x63: {  	[sflag:s15] =	ssyncadd.s32 $0xFFFFFB00;
	s22 =	sadd.s32 $0x500, s22;
	s23 =	sadd.s32 $0xA0, s23  }
0x64: {  	[tilespmem:s14], [sflag:$0x3] =	stream.linear.gather [spmem:s22], $0x500, $0x38;
	[tilespmem:$0x3510] =	vst v63  }
0x65: {  	p0 =	sne.s32 s21, $0x1;
	s21 =	sadd.s32 $0xFFFFFFFF, s21;
	_ =	swait.ge [sflag:s15], $0x500  }
.Ltmp7:
0x66: {  	[sflag:s15] =	ssyncset.done $0x0;
	(pc) =	sbr.rel @p0 .LBB2_10-.Ltmp7, $4  }
0x67: {  	[sflag:s15] =	ssyncadd.s32 $0xFFFFFB00  }
0x68: {  	[hbm4b:s23+s3] =	stream.linear.scatter [tilespmem:s14], [sflag:$0x3], $0x500, $0x38;
	[tilespmem:$0x3510] =	vst v63  }
0x69: {  	_ =	swait.ge [sflag:s15], $0x500  }
0x6a: {  	[sflag:s15] =	ssyncset.done $0x0  }
.LBB2_11:
0x6b: {  	s20 =	sadd.s32 $0x1, s20  }
0x6c: {  	p0 =	sne.s32 s20, s10  }
.Ltmp8:
0x6d: {  	_ = 	snop;
	(pc) =	sbr.rel @p0 .LBB2_1-.Ltmp8, $2  }
0x6e: {  	_ =	sdelay $0x2  }
0x6f: {  	[sflag:s15] =	ssyncadd.s32 $0xFFFFFB00  }
0x70: {  	_ =	sfence.sel $0x180000  }
0x71: {  	[bflag:$0x0] =	sbarrier.arrive $0xFFFF  }
0x72: {  	p0 =	sne.s32 s4, $0x0;
	_ =	strace $0x90000047  }
0x73: {  	s0 =	sadd.s32 @!p0 $0x100000, s0;
	[bflag:$0x2] =	sbarrier.arrive $0xFFFF  }
0x74: {  	[sflag:s0] =	ssyncadd.tile.s32 @!p0 $0x1;
	_ =	shalt  }
.Lfunc_end2:
_tile_overlayer_lowered:
.L_overlay_start_2:
0x75: {  	(tag) =	ssettag $0x2  }
0x76: {  	s0 =	rddreg [dreg:$0x0];
	s2 =	stileid.u32  }
0x77: {  	s1 =	rddreg [dreg:$0x1];
	p0 =	sne.s32 s2, $0x0  }
0x78: {  	s3 =	rddreg [dreg:$0x2];
	[bflag:$0x3] =	sbarrier.arrive $0xFFFF;
	s2 =	simm.s32 @!p0 $0x1C03  }
0x79: {  	[timem:s3], [sflag:s2] =	dma.local @!p0 [hbm:s0], s1  }
0x7a: {  	s0 =	simm.s32 @!p0 $0x3  }
0x7b: {  	_ =	swait.ge @!p0 [sflag:s0], s1  }
0x7c: {  	s1 =	ssub.s32 @!p0 $0x0, s1;
	[sflag:s0] =	ssyncset.done @!p0 $0x0  }
0x7d: {  	[sflag:s0] =	ssyncadd.s32 @!p0 s1  }
0x7e: {  	[bflag:$0x3] =	sbarrier.arrive $0xFFFF  }
0x7f: {  	_ =	shalt  }

</sc_bundles>
